<compile_context>
chip_gen: v7x
topology: tpu7x:2x2x1
jax: 0.10.2.dev20260603
libtpu: 0.0.44.dev20260713+nightly
codegen_flags: <defaults>
</compile_context>

<pallas_src>
import dataclasses
import functools

import jax
import jax.numpy as jnp
from jax import lax
from jax.experimental import pallas as pl
from jax.experimental.pallas import tpu as pltpu
from jax.experimental.pallas import tpu_sc as plsc

_D = 128
_W = 80
_NC = 2
_NS = 16
_NW = _NC * _NS
_L = 16
_LB = 32
_NSLOT = 5


def _sc_dot_gather(z_u32, edge_index, n_edges):
    epw = n_edges // _NW
    n_ch = -(-epw // _W)
    epw_pad = n_ch * _W
    mesh = plsc.VectorSubcoreMesh(core_axis_name="c", subcore_axis_name="s")
    cp = pltpu.CompilerParams()
    if "needs_layout_passes" in pltpu.CompilerParams.__dataclass_fields__:
        cp = dataclasses.replace(cp, needs_layout_passes=False)
    if "use_tc_tiling_on_sc" in pltpu.CompilerParams.__dataclass_fields__:
        cp = dataclasses.replace(cp, use_tc_tiling_on_sc=False)

    @functools.partial(
        pl.kernel,
        out_type=jax.ShapeDtypeStruct((n_edges,), jnp.float32),
        mesh=mesh,
        compiler_params=cp,
        scratch_types=[
            pltpu.VMEM((epw_pad,), jnp.int32),
            pltpu.VMEM((epw_pad,), jnp.int32),
            *([pltpu.VMEM((_W, _D // 2), jnp.uint32)] * (2 * _NSLOT)),
            pltpu.VMEM((_W * _L,), jnp.float32),
            pltpu.VMEM((epw_pad,), jnp.float32),
            *([pltpu.SemaphoreType.DMA] * _NSLOT),
            pltpu.SemaphoreType.DMA,
        ],
    )
    def k(z_hbm, e_hbm, out_hbm, sidx, didx, *rest):
        srow_bufs = rest[:_NSLOT]
        drow_bufs = rest[_NSLOT:2 * _NSLOT]
        part, outa = rest[2 * _NSLOT], rest[2 * _NSLOT + 1]
        gsems = rest[2 * _NSLOT + 2:3 * _NSLOT + 2]
        isem = rest[3 * _NSLOT + 2]
        wid = lax.axis_index("s") * _NC + lax.axis_index("c")
        base0 = wid * epw
        coloffs = lax.iota(jnp.int32, _L) * _L
        zeros = jnp.zeros((_L,), jnp.int32)

        c1 = pltpu.async_copy(e_hbm.at[0, pl.ds(base0, epw)],
                              sidx.at[pl.ds(0, epw)], isem)
        c2 = pltpu.async_copy(e_hbm.at[1, pl.ds(base0, epw)],
                              didx.at[pl.ds(0, epw)], isem)
        for t in range(epw, epw_pad, _L):
            sidx[pl.ds(t, _L)] = zeros
            didx[pl.ds(t, _L)] = zeros
        c1.wait()
        c2.wait()

        def issue(c, sbuf, dbuf, sem):
            off = c * _W
            pltpu.async_copy(z_hbm.at[sidx.at[pl.ds(off, _W)]], sbuf, sem)
            pltpu.async_copy(z_hbm.at[didx.at[pl.ds(off, _W)]], dbuf, sem)

        def drain(c, sbuf, dbuf, sem):
            off = c * _W
            pltpu.make_async_copy(
                z_hbm.at[sidx.at[pl.ds(off, _W)]], sbuf, sem).wait()
            pltpu.make_async_copy(
                z_hbm.at[didx.at[pl.ds(off, _W)]], dbuf, sem).wait()

        def compute(c, sbuf, dbuf):
            @plsc.parallel_loop(0, _W, unroll=2)
            def _(r):
                acc = None
                for kk in range(_D // _LB):
                    sv = plsc.bitcast(sbuf[r, pl.ds(kk * _L, _L)],
                                      jnp.bfloat16)
                    dv = plsc.bitcast(dbuf[r, pl.ds(kk * _L, _L)],
                                      jnp.bfloat16)
                    p = sv * dv
                    lo, hi = plsc.unpack(p, format=plsc.PackFormat.INTERLEAVED)
                    s = lo + hi
                    acc = s if acc is None else acc + s
                part[pl.ds(r * _L, _L)] = acc

            @plsc.parallel_loop(0, _W // _L, unroll=1)
            def _(g):
                red = plsc.load_gather(part, [coloffs + g * (_L * _L)])
                for kk in range(1, _L):
                    red = red + plsc.load_gather(
                        part, [coloffs + (g * (_L * _L) + kk)])
                outa[pl.ds(c * _W + g * _L, _L)] = red

        slots = tuple(zip(srow_bufs, drow_bufs, gsems))
        n_slots = len(slots)
        n_pad = -(-n_ch // n_slots) * n_slots

        for b in range(n_slots - 1):
            issue(b, *slots[b])

        @pl.loop(0, n_pad, step=n_slots)
        def _(i):
            for b in range(n_slots):
                sbuf, dbuf, sem = slots[b]
                c = i + b
                nxt = c + (n_slots - 1)

                @pl.when(nxt <= n_ch - 1)
                def _():
                    sb, db, sm = slots[(b + n_slots - 1) % n_slots]
                    issue(nxt, sb, db, sm)

                @pl.when(c <= n_ch - 1)
                def _():
                    drain(c, sbuf, dbuf, sem)
                    compute(c, sbuf, dbuf)

        pltpu.sync_copy(outa.at[pl.ds(0, epw)], out_hbm.at[pl.ds(base0, epw)])

    return k(z_u32, edge_index)


def kernel(z, edge_index):
    n_edges = edge_index.shape[1]
    zu = jax.lax.bitcast_convert_type(z, jnp.uint32)

    def _rnd(x):
        return (x + jnp.uint32(0x7FFF) + ((x >> 16) & jnp.uint32(1))) >> 16

    half = z.shape[1] // 2
    z_u32 = _rnd(zu[:, :half]) | (_rnd(zu[:, half:]) << 16)
    return _sc_dot_gather(z_u32, edge_index.astype(jnp.int32), n_edges)

# --- scband reference (transcript-rebuilt; emitter-appended) ---
"""Pipeline reference for scband-inner-product-decoder-linear-18691697672410 (READ-ONLY COPY).

The authoritative reference and input builder live on the scoring server;
editing this copy changes nothing except your own understanding.
"""

import jax, jax.numpy as jnp
import numpy as np


def setup_inputs(seed: int = 0) -> dict:
    key = jax.random.key(seed)
    k1, k2 = jax.random.split(key)
    z = jax.random.normal(k1, (10000, 128), dtype=jnp.float32)
    edge_index = jax.random.randint(k2, (2, 320000), 0, 10000, dtype=jnp.int64)
    return {"z": z, "edge_index": edge_index}


def reference(z, edge_index):
    # value = (z[edge_index[0]] * z[edge_index[1]]).sum(dim=1)
    src = jnp.take(z, edge_index[0], axis=0)
    dst = jnp.take(z, edge_index[1], axis=0)
    value = jnp.sum(src * dst, axis=1)
    return value

if __name__ == "__main__":
    import jax
    _d = setup_inputs()
    print(jax.jit(kernel)(*tuple(_d.values())))

</pallas_src>

<mosaic_0001>
#map = affine_map<(d0, d1) -> (0, 0)>
#map1 = affine_map<(d0, d1) -> (0)>
module attributes {stable_mosaic.version = 14 : i64} {
  func.func @k(%arg0: i32, %arg1: i32, %arg2: memref<10000x64xi32, #tpu.memory_space<hbm>>, %arg3: memref<2x320000xi32, #tpu.memory_space<hbm>>, %arg4: memref<320000xf32, #tpu.memory_space<hbm>>, %arg5: memref<10000xi32, #tpu.memory_space<vmem>>, %arg6: memref<10000xi32, #tpu.memory_space<vmem>>, %arg7: memref<80x64xi32, #tpu.memory_space<vmem>>, %arg8: memref<80x64xi32, #tpu.memory_space<vmem>>, %arg9: memref<80x64xi32, #tpu.memory_space<vmem>>, %arg10: memref<80x64xi32, #tpu.memory_space<vmem>>, %arg11: memref<80x64xi32, #tpu.memory_space<vmem>>, %arg12: memref<80x64xi32, #tpu.memory_space<vmem>>, %arg13: memref<80x64xi32, #tpu.memory_space<vmem>>, %arg14: memref<80x64xi32, #tpu.memory_space<vmem>>, %arg15: memref<80x64xi32, #tpu.memory_space<vmem>>, %arg16: memref<80x64xi32, #tpu.memory_space<vmem>>, %arg17: memref<1280xf32, #tpu.memory_space<vmem>>, %arg18: memref<10000xf32, #tpu.memory_space<vmem>>, %arg19: memref<!tpu.dma_semaphore, #tpu.memory_space<semaphore_mem>>, %arg20: memref<!tpu.dma_semaphore, #tpu.memory_space<semaphore_mem>>, %arg21: memref<!tpu.dma_semaphore, #tpu.memory_space<semaphore_mem>>, %arg22: memref<!tpu.dma_semaphore, #tpu.memory_space<semaphore_mem>>, %arg23: memref<!tpu.dma_semaphore, #tpu.memory_space<semaphore_mem>>, %arg24: memref<!tpu.dma_semaphore, #tpu.memory_space<semaphore_mem>>) attributes {dimension_semantics = [#tpu.dimension_semantics<core_parallel>, #tpu.dimension_semantics<subcore_parallel>], iteration_bounds = array<i64: 2, 16>, scalar_prefetch = 0 : i64, scratch_operands = 20 : i64, tpu.core_type = #tpu.core_type<sc_vector_subcore>, window_params = [{transform_indices = #map}, {transform_indices = #map}, {transform_indices = #map1}]} {
    %mul3A = arith.constant 2 : i32
    %mul3A_0 = arith.muli %arg1, %mul3A : i32
    %add3A = arith.addi %mul3A_0, %arg0 : i32
    %mul3A_1 = arith.constant 10000 : i32
    %mul3A_2 = arith.muli %add3A, %mul3A_1 : i32
    %iota3A = tpu.iota {dimensions = array<i32: 0>} : vector<16xi32>
    %mul3A_3 = arith.constant 16 : i32
    %mul3A_4 = vector.broadcast %mul3A_3 : i32 to vector<16xi32>
    %mul3A_5 = arith.muli %iota3A, %mul3A_4 : vector<16xi32>
    %broadcast_in_dim3A = arith.constant 0 : i32
    %broadcast_in_dim3A_6 = vector.broadcast %broadcast_in_dim3A : i32 to vector<16xi32>
    %dma_start3A = arith.constant 0 : i32
    %dma_start3A_7 = arith.constant 0 : i32
    %dma_start3A_8 = tpu.memref_slice %arg5[%dma_start3A_7] : memref<10000xi32, #tpu.memory_space<vmem>> -> memref<10000xi32, #tpu.memory_space<vmem>>
    %dma_start3A_9 = tpu.memref_slice %arg3[%dma_start3A, %mul3A_2] : memref<2x320000xi32, #tpu.memory_space<hbm>> -> memref<1x10000xi32, #tpu.memory_space<hbm>>
    %dma_start3A_10 = tpu.memref_squeeze %dma_start3A_9 : memref<1x10000xi32, #tpu.memory_space<hbm>> -> memref<10000xi32, #tpu.memory_space<hbm>>
    %dma_start3A_11 = arith.constant 0 : i32
    %dma_start3A_12 = tpu.memref_slice %arg5[%dma_start3A_11] : memref<10000xi32, #tpu.memory_space<vmem>> -> memref<10000xi32, #tpu.memory_space<vmem>>
    %dma_start3A_13 = tpu.memref_slice %arg3[%dma_start3A, %mul3A_2] : memref<2x320000xi32, #tpu.memory_space<hbm>> -> memref<1x10000xi32, #tpu.memory_space<hbm>>
    %dma_start3A_14 = tpu.memref_squeeze %dma_start3A_13 : memref<1x10000xi32, #tpu.memory_space<hbm>> -> memref<10000xi32, #tpu.memory_space<hbm>>
    tpu.enqueue_dma source(%dma_start3A_14 : memref<10000xi32, #tpu.memory_space<hbm>>) target(%dma_start3A_12 : memref<10000xi32, #tpu.memory_space<vmem>>) target_semaphore(%arg24 : memref<!tpu.dma_semaphore, #tpu.memory_space<semaphore_mem>>)
    %dma_start3A_15 = arith.constant 1 : i32
    %dma_start3A_16 = arith.constant 0 : i32
    %dma_start3A_17 = tpu.memref_slice %arg6[%dma_start3A_16] : memref<10000xi32, #tpu.memory_space<vmem>> -> memref<10000xi32, #tpu.memory_space<vmem>>
    %dma_start3A_18 = tpu.memref_slice %arg3[%dma_start3A_15, %mul3A_2] : memref<2x320000xi32, #tpu.memory_space<hbm>> -> memref<1x10000xi32, #tpu.memory_space<hbm>>
    %dma_start3A_19 = tpu.memref_squeeze %dma_start3A_18 : memref<1x10000xi32, #tpu.memory_space<hbm>> -> memref<10000xi32, #tpu.memory_space<hbm>>
    %dma_start3A_20 = arith.constant 0 : i32
    %dma_start3A_21 = tpu.memref_slice %arg6[%dma_start3A_20] : memref<10000xi32, #tpu.memory_space<vmem>> -> memref<10000xi32, #tpu.memory_space<vmem>>
    %dma_start3A_22 = tpu.memref_slice %arg3[%dma_start3A_15, %mul3A_2] : memref<2x320000xi32, #tpu.memory_space<hbm>> -> memref<1x10000xi32, #tpu.memory_space<hbm>>
    %dma_start3A_23 = tpu.memref_squeeze %dma_start3A_22 : memref<1x10000xi32, #tpu.memory_space<hbm>> -> memref<10000xi32, #tpu.memory_space<hbm>>
    tpu.enqueue_dma source(%dma_start3A_23 : memref<10000xi32, #tpu.memory_space<hbm>>) target(%dma_start3A_21 : memref<10000xi32, #tpu.memory_space<vmem>>) target_semaphore(%arg24 : memref<!tpu.dma_semaphore, #tpu.memory_space<semaphore_mem>>)
    %dma_wait3A = arith.constant 0 : i32
    %dma_wait3A_24 = arith.constant 0 : i32
    %dma_wait3A_25 = tpu.memref_slice %arg5[%dma_wait3A_24] : memref<10000xi32, #tpu.memory_space<vmem>> -> memref<10000xi32, #tpu.memory_space<vmem>>
    %dma_wait3A_26 = tpu.memref_slice %arg3[%dma_wait3A, %mul3A_2] : memref<2x320000xi32, #tpu.memory_space<hbm>> -> memref<1x10000xi32, #tpu.memory_space<hbm>>
    %dma_wait3A_27 = tpu.memref_squeeze %dma_wait3A_26 : memref<1x10000xi32, #tpu.memory_space<hbm>> -> memref<10000xi32, #tpu.memory_space<hbm>>
    %dma_wait3A_28 = arith.constant 0 : i32
    %dma_wait3A_29 = tpu.memref_slice %arg5[%dma_wait3A_28] : memref<10000xi32, #tpu.memory_space<vmem>> -> memref<10000xi32, #tpu.memory_space<vmem>>
    %dma_wait3A_30 = tpu.memref_slice %arg3[%dma_wait3A, %mul3A_2] : memref<2x320000xi32, #tpu.memory_space<hbm>> -> memref<1x10000xi32, #tpu.memory_space<hbm>>
    %dma_wait3A_31 = tpu.memref_squeeze %dma_wait3A_30 : memref<1x10000xi32, #tpu.memory_space<hbm>> -> memref<10000xi32, #tpu.memory_space<hbm>>
    tpu.wait_dma2 semaphore(%arg24 : memref<!tpu.dma_semaphore, #tpu.memory_space<semaphore_mem>>) src(%dma_wait3A_31 : memref<10000xi32, #tpu.memory_space<hbm>>) dst(%dma_wait3A_29 : memref<10000xi32, #tpu.memory_space<vmem>>)
    %dma_wait3A_32 = arith.constant 1 : i32
    %dma_wait3A_33 = arith.constant 0 : i32
    %dma_wait3A_34 = tpu.memref_slice %arg6[%dma_wait3A_33] : memref<10000xi32, #tpu.memory_space<vmem>> -> memref<10000xi32, #tpu.memory_space<vmem>>
    %dma_wait3A_35 = tpu.memref_slice %arg3[%dma_wait3A_32, %mul3A_2] : memref<2x320000xi32, #tpu.memory_space<hbm>> -> memref<1x10000xi32, #tpu.memory_space<hbm>>
    %dma_wait3A_36 = tpu.memref_squeeze %dma_wait3A_35 : memref<1x10000xi32, #tpu.memory_space<hbm>> -> memref<10000xi32, #tpu.memory_space<hbm>>
    %dma_wait3A_37 = arith.constant 0 : i32
    %dma_wait3A_38 = tpu.memref_slice %arg6[%dma_wait3A_37] : memref<10000xi32, #tpu.memory_space<vmem>> -> memref<10000xi32, #tpu.memory_space<vmem>>
    %dma_wait3A_39 = tpu.memref_slice %arg3[%dma_wait3A_32, %mul3A_2] : memref<2x320000xi32, #tpu.memory_space<hbm>> -> memref<1x10000xi32, #tpu.memory_space<hbm>>
    %dma_wait3A_40 = tpu.memref_squeeze %dma_wait3A_39 : memref<1x10000xi32, #tpu.memory_space<hbm>> -> memref<10000xi32, #tpu.memory_space<hbm>>
    tpu.wait_dma2 semaphore(%arg24 : memref<!tpu.dma_semaphore, #tpu.memory_space<semaphore_mem>>) src(%dma_wait3A_40 : memref<10000xi32, #tpu.memory_space<hbm>>) dst(%dma_wait3A_38 : memref<10000xi32, #tpu.memory_space<vmem>>)
    %dma_start3A_41 = arith.constant 0 : i32
    %dma_start3A_42 = tpu.memref_slice %arg5[%dma_start3A_41] : memref<10000xi32, #tpu.memory_space<vmem>> -> memref<80xi32, #tpu.memory_space<vmem>>
    %dma_start3A_43 = arith.constant 0 : i32
    %dma_start3A_44 = arith.constant 0 : i32
    %dma_start3A_45 = tpu.memref_slice %arg2[%dma_start3A_43, %dma_start3A_44] : memref<10000x64xi32, #tpu.memory_space<hbm>> -> memref<10000x64xi32, #tpu.memory_space<hbm>>
    tpu.enqueue_indirect_dma source(%dma_start3A_45 : memref<10000x64xi32, #tpu.memory_space<hbm>>) target(%arg7 : memref<80x64xi32, #tpu.memory_space<vmem>>) offsets(%dma_start3A_42 : memref<80xi32, #tpu.memory_space<vmem>>) semaphore(%arg19 : memref<!tpu.dma_semaphore, #tpu.memory_space<semaphore_mem>>)
    %dma_start3A_46 = arith.constant 0 : i32
    %dma_start3A_47 = tpu.memref_slice %arg6[%dma_start3A_46] : memref<10000xi32, #tpu.memory_space<vmem>> -> memref<80xi32, #tpu.memory_space<vmem>>
    %dma_start3A_48 = arith.constant 0 : i32
    %dma_start3A_49 = arith.constant 0 : i32
    %dma_start3A_50 = tpu.memref_slice %arg2[%dma_start3A_48, %dma_start3A_49] : memref<10000x64xi32, #tpu.memory_space<hbm>> -> memref<10000x64xi32, #tpu.memory_space<hbm>>
    tpu.enqueue_indirect_dma source(%dma_start3A_50 : memref<10000x64xi32, #tpu.memory_space<hbm>>) target(%arg12 : memref<80x64xi32, #tpu.memory_space<vmem>>) offsets(%dma_start3A_47 : memref<80xi32, #tpu.memory_space<vmem>>) semaphore(%arg19 : memref<!tpu.dma_semaphore, #tpu.memory_space<semaphore_mem>>)
    %dma_start3A_51 = arith.constant 80 : i32
    %dma_start3A_52 = tpu.memref_slice %arg5[%dma_start3A_51] : memref<10000xi32, #tpu.memory_space<vmem>> -> memref<80xi32, #tpu.memory_space<vmem>>
    %dma_start3A_53 = arith.constant 0 : i32
    %dma_start3A_54 = arith.constant 0 : i32
    %dma_start3A_55 = tpu.memref_slice %arg2[%dma_start3A_53, %dma_start3A_54] : memref<10000x64xi32, #tpu.memory_space<hbm>> -> memref<10000x64xi32, #tpu.memory_space<hbm>>
    tpu.enqueue_indirect_dma source(%dma_start3A_55 : memref<10000x64xi32, #tpu.memory_space<hbm>>) target(%arg8 : memref<80x64xi32, #tpu.memory_space<vmem>>) offsets(%dma_start3A_52 : memref<80xi32, #tpu.memory_space<vmem>>) semaphore(%arg20 : memref<!tpu.dma_semaphore, #tpu.memory_space<semaphore_mem>>)
    %dma_start3A_56 = arith.constant 80 : i32
    %dma_start3A_57 = tpu.memref_slice %arg6[%dma_start3A_56] : memref<10000xi32, #tpu.memory_space<vmem>> -> memref<80xi32, #tpu.memory_space<vmem>>
    %dma_start3A_58 = arith.constant 0 : i32
    %dma_start3A_59 = arith.constant 0 : i32
    %dma_start3A_60 = tpu.memref_slice %arg2[%dma_start3A_58, %dma_start3A_59] : memref<10000x64xi32, #tpu.memory_space<hbm>> -> memref<10000x64xi32, #tpu.memory_space<hbm>>
    tpu.enqueue_indirect_dma source(%dma_start3A_60 : memref<10000x64xi32, #tpu.memory_space<hbm>>) target(%arg13 : memref<80x64xi32, #tpu.memory_space<vmem>>) offsets(%dma_start3A_57 : memref<80xi32, #tpu.memory_space<vmem>>) semaphore(%arg20 : memref<!tpu.dma_semaphore, #tpu.memory_space<semaphore_mem>>)
    %dma_start3A_61 = arith.constant 160 : i32
    %dma_start3A_62 = tpu.memref_slice %arg5[%dma_start3A_61] : memref<10000xi32, #tpu.memory_space<vmem>> -> memref<80xi32, #tpu.memory_space<vmem>>
    %dma_start3A_63 = arith.constant 0 : i32
    %dma_start3A_64 = arith.constant 0 : i32
    %dma_start3A_65 = tpu.memref_slice %arg2[%dma_start3A_63, %dma_start3A_64] : memref<10000x64xi32, #tpu.memory_space<hbm>> -> memref<10000x64xi32, #tpu.memory_space<hbm>>
    tpu.enqueue_indirect_dma source(%dma_start3A_65 : memref<10000x64xi32, #tpu.memory_space<hbm>>) target(%arg9 : memref<80x64xi32, #tpu.memory_space<vmem>>) offsets(%dma_start3A_62 : memref<80xi32, #tpu.memory_space<vmem>>) semaphore(%arg21 : memref<!tpu.dma_semaphore, #tpu.memory_space<semaphore_mem>>)
    %dma_start3A_66 = arith.constant 160 : i32
    %dma_start3A_67 = tpu.memref_slice %arg6[%dma_start3A_66] : memref<10000xi32, #tpu.memory_space<vmem>> -> memref<80xi32, #tpu.memory_space<vmem>>
    %dma_start3A_68 = arith.constant 0 : i32
    %dma_start3A_69 = arith.constant 0 : i32
    %dma_start3A_70 = tpu.memref_slice %arg2[%dma_start3A_68, %dma_start3A_69] : memref<10000x64xi32, #tpu.memory_space<hbm>> -> memref<10000x64xi32, #tpu.memory_space<hbm>>
    tpu.enqueue_indirect_dma source(%dma_start3A_70 : memref<10000x64xi32, #tpu.memory_space<hbm>>) target(%arg14 : memref<80x64xi32, #tpu.memory_space<vmem>>) offsets(%dma_start3A_67 : memref<80xi32, #tpu.memory_space<vmem>>) semaphore(%arg21 : memref<!tpu.dma_semaphore, #tpu.memory_space<semaphore_mem>>)
    %dma_start3A_71 = arith.constant 240 : i32
    %dma_start3A_72 = tpu.memref_slice %arg5[%dma_start3A_71] : memref<10000xi32, #tpu.memory_space<vmem>> -> memref<80xi32, #tpu.memory_space<vmem>>
    %dma_start3A_73 = arith.constant 0 : i32
    %dma_start3A_74 = arith.constant 0 : i32
    %dma_start3A_75 = tpu.memref_slice %arg2[%dma_start3A_73, %dma_start3A_74] : memref<10000x64xi32, #tpu.memory_space<hbm>> -> memref<10000x64xi32, #tpu.memory_space<hbm>>
    tpu.enqueue_indirect_dma source(%dma_start3A_75 : memref<10000x64xi32, #tpu.memory_space<hbm>>) target(%arg10 : memref<80x64xi32, #tpu.memory_space<vmem>>) offsets(%dma_start3A_72 : memref<80xi32, #tpu.memory_space<vmem>>) semaphore(%arg22 : memref<!tpu.dma_semaphore, #tpu.memory_space<semaphore_mem>>)
    %dma_start3A_76 = arith.constant 240 : i32
    %dma_start3A_77 = tpu.memref_slice %arg6[%dma_start3A_76] : memref<10000xi32, #tpu.memory_space<vmem>> -> memref<80xi32, #tpu.memory_space<vmem>>
    %dma_start3A_78 = arith.constant 0 : i32
    %dma_start3A_79 = arith.constant 0 : i32
    %dma_start3A_80 = tpu.memref_slice %arg2[%dma_start3A_78, %dma_start3A_79] : memref<10000x64xi32, #tpu.memory_space<hbm>> -> memref<10000x64xi32, #tpu.memory_space<hbm>>
    tpu.enqueue_indirect_dma source(%dma_start3A_80 : memref<10000x64xi32, #tpu.memory_space<hbm>>) target(%arg15 : memref<80x64xi32, #tpu.memory_space<vmem>>) offsets(%dma_start3A_77 : memref<80xi32, #tpu.memory_space<vmem>>) semaphore(%arg22 : memref<!tpu.dma_semaphore, #tpu.memory_space<semaphore_mem>>)
    %scan3A = arith.constant 0 : i32
    %scan3A_81 = arith.constant 25 : i32
    %scan3A_82 = arith.addi %scan3A, %scan3A_81 : i32
    %scan3A_83 = arith.constant 1 : i32
    scf.for %scan3A_85 = %scan3A to %scan3A_82 step %scan3A_83  : i32 {
      %mul3A_86 = arith.constant 5 : i32
      %mul3A_87 = arith.muli %scan3A_85, %mul3A_86 : i32
      %add3A_88 = arith.constant 0 : i32
      %add3A_89 = arith.addi %add3A_88, %mul3A_87 : i32
      %add3A_90 = arith.constant 0 : i32
      %add3A_91 = arith.addi %add3A_89, %add3A_90 : i32
      %add3A_92 = arith.constant 4 : i32
      %add3A_93 = arith.addi %add3A_91, %add3A_92 : i32
      %le3A = arith.constant 124 : i32
      %le3A_94 = arith.cmpi sle, %add3A_93, %le3A : i32
      %convert_element_type3A = arith.extui %le3A_94 : i1 to i32
      %cond3A = arith.constant 0 : i32
      %cond3A_95 = arith.cmpi ne, %convert_element_type3A, %cond3A : i32
      scf.if %cond3A_95 {
        %mul3A_157 = arith.constant 80 : i32
        %mul3A_158 = arith.muli %add3A_93, %mul3A_157 : i32
        %dma_start3A_159 = tpu.memref_slice %arg5[%mul3A_158] : memref<10000xi32, #tpu.memory_space<vmem>> -> memref<80xi32, #tpu.memory_space<vmem>>
        %dma_start3A_160 = arith.constant 0 : i32
        %dma_start3A_161 = arith.constant 0 : i32
        %dma_start3A_162 = tpu.memref_slice %arg2[%dma_start3A_160, %dma_start3A_161] : memref<10000x64xi32, #tpu.memory_space<hbm>> -> memref<10000x64xi32, #tpu.memory_space<hbm>>
        tpu.enqueue_indirect_dma source(%dma_start3A_162 : memref<10000x64xi32, #tpu.memory_space<hbm>>) target(%arg11 : memref<80x64xi32, #tpu.memory_space<vmem>>) offsets(%dma_start3A_159 : memref<80xi32, #tpu.memory_space<vmem>>) semaphore(%arg23 : memref<!tpu.dma_semaphore, #tpu.memory_space<semaphore_mem>>)
        %dma_start3A_163 = tpu.memref_slice %arg6[%mul3A_158] : memref<10000xi32, #tpu.memory_space<vmem>> -> memref<80xi32, #tpu.memory_space<vmem>>
        %dma_start3A_164 = arith.constant 0 : i32
        %dma_start3A_165 = arith.constant 0 : i32
        %dma_start3A_166 = tpu.memref_slice %arg2[%dma_start3A_164, %dma_start3A_165] : memref<10000x64xi32, #tpu.memory_space<hbm>> -> memref<10000x64xi32, #tpu.memory_space<hbm>>
        tpu.enqueue_indirect_dma source(%dma_start3A_166 : memref<10000x64xi32, #tpu.memory_space<hbm>>) target(%arg16 : memref<80x64xi32, #tpu.memory_space<vmem>>) offsets(%dma_start3A_163 : memref<80xi32, #tpu.memory_space<vmem>>) semaphore(%arg23 : memref<!tpu.dma_semaphore, #tpu.memory_space<semaphore_mem>>)
      } else {
      }
      %le3A_96 = arith.constant 124 : i32
      %le3A_97 = arith.cmpi sle, %add3A_91, %le3A_96 : i32
      %convert_element_type3A_98 = arith.extui %le3A_97 : i1 to i32
      %cond3A_99 = arith.constant 0 : i32
      %cond3A_100 = arith.cmpi ne, %convert_element_type3A_98, %cond3A_99 : i32
      scf.if %cond3A_100 {
        %mul3A_157 = arith.constant 80 : i32
        %mul3A_158 = arith.muli %add3A_91, %mul3A_157 : i32
        %dma_wait3A_159 = tpu.memref_slice %arg5[%mul3A_158] : memref<10000xi32, #tpu.memory_space<vmem>> -> memref<80xi32, #tpu.memory_space<vmem>>
        %dma_wait3A_160 = arith.constant 0 : i32
        %dma_wait3A_161 = arith.constant 0 : i32
        %dma_wait3A_162 = tpu.memref_slice %arg2[%dma_wait3A_160, %dma_wait3A_161] : memref<10000x64xi32, #tpu.memory_space<hbm>> -> memref<10000x64xi32, #tpu.memory_space<hbm>>
        tpu.wait_indirect_dma semaphore(%arg19 : memref<!tpu.dma_semaphore, #tpu.memory_space<semaphore_mem>>) src(%dma_wait3A_162 : memref<10000x64xi32, #tpu.memory_space<hbm>>) dst(%arg7 : memref<80x64xi32, #tpu.memory_space<vmem>>)
        %dma_wait3A_163 = tpu.memref_slice %arg6[%mul3A_158] : memref<10000xi32, #tpu.memory_space<vmem>> -> memref<80xi32, #tpu.memory_space<vmem>>
        %dma_wait3A_164 = arith.constant 0 : i32
        %dma_wait3A_165 = arith.constant 0 : i32
        %dma_wait3A_166 = tpu.memref_slice %arg2[%dma_wait3A_164, %dma_wait3A_165] : memref<10000x64xi32, #tpu.memory_space<hbm>> -> memref<10000x64xi32, #tpu.memory_space<hbm>>
        tpu.wait_indirect_dma semaphore(%arg19 : memref<!tpu.dma_semaphore, #tpu.memory_space<semaphore_mem>>) src(%dma_wait3A_166 : memref<10000x64xi32, #tpu.memory_space<hbm>>) dst(%arg12 : memref<80x64xi32, #tpu.memory_space<vmem>>)
        %parallel_loop3A = arith.constant 0 : i32
        %parallel_loop3A_167 = arith.constant 80 : i32
        %parallel_loop3A_168 = arith.constant 1 : i32
        scf.for %parallel_loop3A_172 = %parallel_loop3A to %parallel_loop3A_167 step %parallel_loop3A_168  : i32 {
          %parallel_loop3A_173 = arith.index_cast %parallel_loop3A_172 : i32 to index
          %parallel_loop3A_174 = arith.constant 0 : index
          %parallel_loop3A_175 = tpu.vector_load %arg7[%parallel_loop3A_173, %parallel_loop3A_174] {strides = array<i32>} : memref<80x64xi32, #tpu.memory_space<vmem>>, vector<16xi32>,
          %parallel_loop3A_176 = vector.bitcast %parallel_loop3A_175 : vector<16xi32> to vector<32xbf16>
          %parallel_loop3A_177 = arith.index_cast %parallel_loop3A_172 : i32 to index
          %parallel_loop3A_178 = arith.constant 0 : index
          %parallel_loop3A_179 = tpu.vector_load %arg12[%parallel_loop3A_177, %parallel_loop3A_178] {strides = array<i32>} : memref<80x64xi32, #tpu.memory_space<vmem>>, vector<16xi32>,
          %parallel_loop3A_180 = vector.bitcast %parallel_loop3A_179 : vector<16xi32> to vector<32xbf16>
          %parallel_loop3A_181 = arith.mulf %parallel_loop3A_176, %parallel_loop3A_180 : vector<32xbf16>
          %parallel_loop3A_182 = tpu.unpack_subelements %parallel_loop3A_181, 0 {pack_format = #tpu.pack_format<interleaved>} : vector<32xbf16> -> vector<16xf32>
          %parallel_loop3A_183 = tpu.unpack_subelements %parallel_loop3A_181, 1 {pack_format = #tpu.pack_format<interleaved>} : vector<32xbf16> -> vector<16xf32>
          %parallel_loop3A_184 = arith.addf %parallel_loop3A_182, %parallel_loop3A_183 : vector<16xf32>
          %parallel_loop3A_185 = arith.index_cast %parallel_loop3A_172 : i32 to index
          %parallel_loop3A_186 = arith.constant 16 : index
          %parallel_loop3A_187 = tpu.vector_load %arg7[%parallel_loop3A_185, %parallel_loop3A_186] {strides = array<i32>} : memref<80x64xi32, #tpu.memory_space<vmem>>, vector<16xi32>,
          %parallel_loop3A_188 = vector.bitcast %parallel_loop3A_187 : vector<16xi32> to vector<32xbf16>
          %parallel_loop3A_189 = arith.index_cast %parallel_loop3A_172 : i32 to index
          %parallel_loop3A_190 = arith.constant 16 : index
          %parallel_loop3A_191 = tpu.vector_load %arg12[%parallel_loop3A_189, %parallel_loop3A_190] {strides = array<i32>} : memref<80x64xi32, #tpu.memory_space<vmem>>, vector<16xi32>,
          %parallel_loop3A_192 = vector.bitcast %parallel_loop3A_191 : vector<16xi32> to vector<32xbf16>
          %parallel_loop3A_193 = arith.mulf %parallel_loop3A_188, %parallel_loop3A_192 : vector<32xbf16>
          %parallel_loop3A_194 = tpu.unpack_subelements %parallel_loop3A_193, 0 {pack_format = #tpu.pack_format<interleaved>} : vector<32xbf16> -> vector<16xf32>
          %parallel_loop3A_195 = tpu.unpack_subelements %parallel_loop3A_193, 1 {pack_format = #tpu.pack_format<interleaved>} : vector<32xbf16> -> vector<16xf32>
          %parallel_loop3A_196 = arith.addf %parallel_loop3A_194, %parallel_loop3A_195 : vector<16xf32>
          %parallel_loop3A_197 = arith.addf %parallel_loop3A_184, %parallel_loop3A_196 : vector<16xf32>
          %parallel_loop3A_198 = arith.index_cast %parallel_loop3A_172 : i32 to index
          %parallel_loop3A_199 = arith.constant 32 : index
          %parallel_loop3A_200 = tpu.vector_load %arg7[%parallel_loop3A_198, %parallel_loop3A_199] {strides = array<i32>} : memref<80x64xi32, #tpu.memory_space<vmem>>, vector<16xi32>,
          %parallel_loop3A_201 = vector.bitcast %parallel_loop3A_200 : vector<16xi32> to vector<32xbf16>
          %parallel_loop3A_202 = arith.index_cast %parallel_loop3A_172 : i32 to index
          %parallel_loop3A_203 = arith.constant 32 : index
          %parallel_loop3A_204 = tpu.vector_load %arg12[%parallel_loop3A_202, %parallel_loop3A_203] {strides = array<i32>} : memref<80x64xi32, #tpu.memory_space<vmem>>, vector<16xi32>,
          %parallel_loop3A_205 = vector.bitcast %parallel_loop3A_204 : vector<16xi32> to vector<32xbf16>
          %parallel_loop3A_206 = arith.mulf %parallel_loop3A_201, %parallel_loop3A_205 : vector<32xbf16>
          %parallel_loop3A_207 = tpu.unpack_subelements %parallel_loop3A_206, 0 {pack_format = #tpu.pack_format<interleaved>} : vector<32xbf16> -> vector<16xf32>
          %parallel_loop3A_208 = tpu.unpack_subelements %parallel_loop3A_206, 1 {pack_format = #tpu.pack_format<interleaved>} : vector<32xbf16> -> vector<16xf32>
          %parallel_loop3A_209 = arith.addf %parallel_loop3A_207, %parallel_loop3A_208 : vector<16xf32>
          %parallel_loop3A_210 = arith.addf %parallel_loop3A_197, %parallel_loop3A_209 : vector<16xf32>
          %parallel_loop3A_211 = arith.index_cast %parallel_loop3A_172 : i32 to index
          %parallel_loop3A_212 = arith.constant 48 : index
          %parallel_loop3A_213 = tpu.vector_load %arg7[%parallel_loop3A_211, %parallel_loop3A_212] {strides = array<i32>} : memref<80x64xi32, #tpu.memory_space<vmem>>, vector<16xi32>,
          %parallel_loop3A_214 = vector.bitcast %parallel_loop3A_213 : vector<16xi32> to vector<32xbf16>
          %parallel_loop3A_215 = arith.index_cast %parallel_loop3A_172 : i32 to index
          %parallel_loop3A_216 = arith.constant 48 : index
          %parallel_loop3A_217 = tpu.vector_load %arg12[%parallel_loop3A_215, %parallel_loop3A_216] {strides = array<i32>} : memref<80x64xi32, #tpu.memory_space<vmem>>, vector<16xi32>,
          %parallel_loop3A_218 = vector.bitcast %parallel_loop3A_217 : vector<16xi32> to vector<32xbf16>
          %parallel_loop3A_219 = arith.mulf %parallel_loop3A_214, %parallel_loop3A_218 : vector<32xbf16>
          %parallel_loop3A_220 = tpu.unpack_subelements %parallel_loop3A_219, 0 {pack_format = #tpu.pack_format<interleaved>} : vector<32xbf16> -> vector<16xf32>
          %parallel_loop3A_221 = tpu.unpack_subelements %parallel_loop3A_219, 1 {pack_format = #tpu.pack_format<interleaved>} : vector<32xbf16> -> vector<16xf32>
          %parallel_loop3A_222 = arith.addf %parallel_loop3A_220, %parallel_loop3A_221 : vector<16xf32>
          %parallel_loop3A_223 = arith.addf %parallel_loop3A_210, %parallel_loop3A_222 : vector<16xf32>
          %parallel_loop3A_224 = arith.constant 16 : i32
          %parallel_loop3A_225 = arith.muli %parallel_loop3A_172, %parallel_loop3A_224 : i32
          %parallel_loop3A_226 = arith.index_cast %parallel_loop3A_225 : i32 to index
          %parallel_loop3A_227 = tpu.vector_load %arg17[%parallel_loop3A_226] {strides = array<i32>} : memref<1280xf32, #tpu.memory_space<vmem>>, vector<16xf32>,
          tpu.vector_store %arg17[%parallel_loop3A_226], %parallel_loop3A_223 {strides = array<i32>} : memref<1280xf32, #tpu.memory_space<vmem>>, vector<16xf32>,
        } {sc.loop_unroll_factor = 2 : i64, sc.parallel_access}
        %parallel_loop3A_169 = arith.constant 0 : i32
        %parallel_loop3A_170 = arith.constant 5 : i32
        %parallel_loop3A_171 = arith.constant 1 : i32
        scf.for %parallel_loop3A_172 = %parallel_loop3A_169 to %parallel_loop3A_170 step %parallel_loop3A_171  : i32 {
          %parallel_loop3A_173 = arith.constant 256 : i32
          %parallel_loop3A_174 = arith.muli %parallel_loop3A_172, %parallel_loop3A_173 : i32
          %parallel_loop3A_175 = vector.broadcast %parallel_loop3A_174 : i32 to vector<16xi32>
          %parallel_loop3A_176 = arith.addi %mul3A_5, %parallel_loop3A_175 : vector<16xi32>
          %parallel_loop3A_177 = tpu.vector_load_idx %arg17[%parallel_loop3A_176] : memref<1280xf32, #tpu.memory_space<vmem>>[vector<16xi32>], vector<16xf32>,
          %parallel_loop3A_178 = arith.constant 256 : i32
          %parallel_loop3A_179 = arith.muli %parallel_loop3A_172, %parallel_loop3A_178 : i32
          %parallel_loop3A_180 = arith.constant 1 : i32
          %parallel_loop3A_181 = arith.addi %parallel_loop3A_179, %parallel_loop3A_180 : i32
          %parallel_loop3A_182 = vector.broadcast %parallel_loop3A_181 : i32 to vector<16xi32>
          %parallel_loop3A_183 = arith.addi %mul3A_5, %parallel_loop3A_182 : vector<16xi32>
          %parallel_loop3A_184 = tpu.vector_load_idx %arg17[%parallel_loop3A_183] : memref<1280xf32, #tpu.memory_space<vmem>>[vector<16xi32>], vector<16xf32>,
          %parallel_loop3A_185 = arith.addf %parallel_loop3A_177, %parallel_loop3A_184 : vector<16xf32>
          %parallel_loop3A_186 = arith.constant 256 : i32
          %parallel_loop3A_187 = arith.muli %parallel_loop3A_172, %parallel_loop3A_186 : i32
          %parallel_loop3A_188 = arith.constant 2 : i32
          %parallel_loop3A_189 = arith.addi %parallel_loop3A_187, %parallel_loop3A_188 : i32
          %parallel_loop3A_190 = vector.broadcast %parallel_loop3A_189 : i32 to vector<16xi32>
          %parallel_loop3A_191 = arith.addi %mul3A_5, %parallel_loop3A_190 : vector<16xi32>
          %parallel_loop3A_192 = tpu.vector_load_idx %arg17[%parallel_loop3A_191] : memref<1280xf32, #tpu.memory_space<vmem>>[vector<16xi32>], vector<16xf32>,
          %parallel_loop3A_193 = arith.addf %parallel_loop3A_185, %parallel_loop3A_192 : vector<16xf32>
          %parallel_loop3A_194 = arith.constant 256 : i32
          %parallel_loop3A_195 = arith.muli %parallel_loop3A_172, %parallel_loop3A_194 : i32
          %parallel_loop3A_196 = arith.constant 3 : i32
          %parallel_loop3A_197 = arith.addi %parallel_loop3A_195, %parallel_loop3A_196 : i32
          %parallel_loop3A_198 = vector.broadcast %parallel_loop3A_197 : i32 to vector<16xi32>
          %parallel_loop3A_199 = arith.addi %mul3A_5, %parallel_loop3A_198 : vector<16xi32>
          %parallel_loop3A_200 = tpu.vector_load_idx %arg17[%parallel_loop3A_199] : memref<1280xf32, #tpu.memory_space<vmem>>[vector<16xi32>], vector<16xf32>,
          %parallel_loop3A_201 = arith.addf %parallel_loop3A_193, %parallel_loop3A_200 : vector<16xf32>
          %parallel_loop3A_202 = arith.constant 256 : i32
          %parallel_loop3A_203 = arith.muli %parallel_loop3A_172, %parallel_loop3A_202 : i32
          %parallel_loop3A_204 = arith.constant 4 : i32
          %parallel_loop3A_205 = arith.addi %parallel_loop3A_203, %parallel_loop3A_204 : i32
          %parallel_loop3A_206 = vector.broadcast %parallel_loop3A_205 : i32 to vector<16xi32>
          %parallel_loop3A_207 = arith.addi %mul3A_5, %parallel_loop3A_206 : vector<16xi32>
          %parallel_loop3A_208 = tpu.vector_load_idx %arg17[%parallel_loop3A_207] : memref<1280xf32, #tpu.memory_space<vmem>>[vector<16xi32>], vector<16xf32>,
          %parallel_loop3A_209 = arith.addf %parallel_loop3A_201, %parallel_loop3A_208 : vector<16xf32>
          %parallel_loop3A_210 = arith.constant 256 : i32
          %parallel_loop3A_211 = arith.muli %parallel_loop3A_172, %parallel_loop3A_210 : i32
          %parallel_loop3A_212 = arith.constant 5 : i32
          %parallel_loop3A_213 = arith.addi %parallel_loop3A_211, %parallel_loop3A_212 : i32
          %parallel_loop3A_214 = vector.broadcast %parallel_loop3A_213 : i32 to vector<16xi32>
          %parallel_loop3A_215 = arith.addi %mul3A_5, %parallel_loop3A_214 : vector<16xi32>
          %parallel_loop3A_216 = tpu.vector_load_idx %arg17[%parallel_loop3A_215] : memref<1280xf32, #tpu.memory_space<vmem>>[vector<16xi32>], vector<16xf32>,
          %parallel_loop3A_217 = arith.addf %parallel_loop3A_209, %parallel_loop3A_216 : vector<16xf32>
          %parallel_loop3A_218 = arith.constant 256 : i32
          %parallel_loop3A_219 = arith.muli %parallel_loop3A_172, %parallel_loop3A_218 : i32
          %parallel_loop3A_220 = arith.constant 6 : i32
          %parallel_loop3A_221 = arith.addi %parallel_loop3A_219, %parallel_loop3A_220 : i32
          %parallel_loop3A_222 = vector.broadcast %parallel_loop3A_221 : i32 to vector<16xi32>
          %parallel_loop3A_223 = arith.addi %mul3A_5, %parallel_loop3A_222 : vector<16xi32>
          %parallel_loop3A_224 = tpu.vector_load_idx %arg17[%parallel_loop3A_223] : memref<1280xf32, #tpu.memory_space<vmem>>[vector<16xi32>], vector<16xf32>,
          %parallel_loop3A_225 = arith.addf %parallel_loop3A_217, %parallel_loop3A_224 : vector<16xf32>
          %parallel_loop3A_226 = arith.constant 256 : i32
          %parallel_loop3A_227 = arith.muli %parallel_loop3A_172, %parallel_loop3A_226 : i32
          %parallel_loop3A_228 = arith.constant 7 : i32
          %parallel_loop3A_229 = arith.addi %parallel_loop3A_227, %parallel_loop3A_228 : i32
          %parallel_loop3A_230 = vector.broadcast %parallel_loop3A_229 : i32 to vector<16xi32>
          %parallel_loop3A_231 = arith.addi %mul3A_5, %parallel_loop3A_230 : vector<16xi32>
          %parallel_loop3A_232 = tpu.vector_load_idx %arg17[%parallel_loop3A_231] : memref<1280xf32, #tpu.memory_space<vmem>>[vector<16xi32>], vector<16xf32>,
          %parallel_loop3A_233 = arith.addf %parallel_loop3A_225, %parallel_loop3A_232 : vector<16xf32>
          %parallel_loop3A_234 = arith.constant 256 : i32
          %parallel_loop3A_235 = arith.muli %parallel_loop3A_172, %parallel_loop3A_234 : i32
          %parallel_loop3A_236 = arith.constant 8 : i32
          %parallel_loop3A_237 = arith.addi %parallel_loop3A_235, %parallel_loop3A_236 : i32
          %parallel_loop3A_238 = vector.broadcast %parallel_loop3A_237 : i32 to vector<16xi32>
          %parallel_loop3A_239 = arith.addi %mul3A_5, %parallel_loop3A_238 : vector<16xi32>
          %parallel_loop3A_240 = tpu.vector_load_idx %arg17[%parallel_loop3A_239] : memref<1280xf32, #tpu.memory_space<vmem>>[vector<16xi32>], vector<16xf32>,
          %parallel_loop3A_241 = arith.addf %parallel_loop3A_233, %parallel_loop3A_240 : vector<16xf32>
          %parallel_loop3A_242 = arith.constant 256 : i32
          %parallel_loop3A_243 = arith.muli %parallel_loop3A_172, %parallel_loop3A_242 : i32
          %parallel_loop3A_244 = arith.constant 9 : i32
          %parallel_loop3A_245 = arith.addi %parallel_loop3A_243, %parallel_loop3A_244 : i32
          %parallel_loop3A_246 = vector.broadcast %parallel_loop3A_245 : i32 to vector<16xi32>
          %parallel_loop3A_247 = arith.addi %mul3A_5, %parallel_loop3A_246 : vector<16xi32>
          %parallel_loop3A_248 = tpu.vector_load_idx %arg17[%parallel_loop3A_247] : memref<1280xf32, #tpu.memory_space<vmem>>[vector<16xi32>], vector<16xf32>,
          %parallel_loop3A_249 = arith.addf %parallel_loop3A_241, %parallel_loop3A_248 : vector<16xf32>
          %parallel_loop3A_250 = arith.constant 256 : i32
          %parallel_loop3A_251 = arith.muli %parallel_loop3A_172, %parallel_loop3A_250 : i32
          %parallel_loop3A_252 = arith.constant 10 : i32
          %parallel_loop3A_253 = arith.addi %parallel_loop3A_251, %parallel_loop3A_252 : i32
          %parallel_loop3A_254 = vector.broadcast %parallel_loop3A_253 : i32 to vector<16xi32>
          %parallel_loop3A_255 = arith.addi %mul3A_5, %parallel_loop3A_254 : vector<16xi32>
          %parallel_loop3A_256 = tpu.vector_load_idx %arg17[%parallel_loop3A_255] : memref<1280xf32, #tpu.memory_space<vmem>>[vector<16xi32>], vector<16xf32>,
          %parallel_loop3A_257 = arith.addf %parallel_loop3A_249, %parallel_loop3A_256 : vector<16xf32>
          %parallel_loop3A_258 = arith.constant 256 : i32
          %parallel_loop3A_259 = arith.muli %parallel_loop3A_172, %parallel_loop3A_258 : i32
          %parallel_loop3A_260 = arith.constant 11 : i32
          %parallel_loop3A_261 = arith.addi %parallel_loop3A_259, %parallel_loop3A_260 : i32
          %parallel_loop3A_262 = vector.broadcast %parallel_loop3A_261 : i32 to vector<16xi32>
          %parallel_loop3A_263 = arith.addi %mul3A_5, %parallel_loop3A_262 : vector<16xi32>
          %parallel_loop3A_264 = tpu.vector_load_idx %arg17[%parallel_loop3A_263] : memref<1280xf32, #tpu.memory_space<vmem>>[vector<16xi32>], vector<16xf32>,
          %parallel_loop3A_265 = arith.addf %parallel_loop3A_257, %parallel_loop3A_264 : vector<16xf32>
          %parallel_loop3A_266 = arith.constant 256 : i32
          %parallel_loop3A_267 = arith.muli %parallel_loop3A_172, %parallel_loop3A_266 : i32
          %parallel_loop3A_268 = arith.constant 12 : i32
          %parallel_loop3A_269 = arith.addi %parallel_loop3A_267, %parallel_loop3A_268 : i32
          %parallel_loop3A_270 = vector.broadcast %parallel_loop3A_269 : i32 to vector<16xi32>
          %parallel_loop3A_271 = arith.addi %mul3A_5, %parallel_loop3A_270 : vector<16xi32>
          %parallel_loop3A_272 = tpu.vector_load_idx %arg17[%parallel_loop3A_271] : memref<1280xf32, #tpu.memory_space<vmem>>[vector<16xi32>], vector<16xf32>,
          %parallel_loop3A_273 = arith.addf %parallel_loop3A_265, %parallel_loop3A_272 : vector<16xf32>
          %parallel_loop3A_274 = arith.constant 256 : i32
          %parallel_loop3A_275 = arith.muli %parallel_loop3A_172, %parallel_loop3A_274 : i32
          %parallel_loop3A_276 = arith.constant 13 : i32
          %parallel_loop3A_277 = arith.addi %parallel_loop3A_275, %parallel_loop3A_276 : i32
          %parallel_loop3A_278 = vector.broadcast %parallel_loop3A_277 : i32 to vector<16xi32>
          %parallel_loop3A_279 = arith.addi %mul3A_5, %parallel_loop3A_278 : vector<16xi32>
          %parallel_loop3A_280 = tpu.vector_load_idx %arg17[%parallel_loop3A_279] : memref<1280xf32, #tpu.memory_space<vmem>>[vector<16xi32>], vector<16xf32>,
          %parallel_loop3A_281 = arith.addf %parallel_loop3A_273, %parallel_loop3A_280 : vector<16xf32>
          %parallel_loop3A_282 = arith.constant 256 : i32
          %parallel_loop3A_283 = arith.muli %parallel_loop3A_172, %parallel_loop3A_282 : i32
          %parallel_loop3A_284 = arith.constant 14 : i32
          %parallel_loop3A_285 = arith.addi %parallel_loop3A_283, %parallel_loop3A_284 : i32
          %parallel_loop3A_286 = vector.broadcast %parallel_loop3A_285 : i32 to vector<16xi32>
          %parallel_loop3A_287 = arith.addi %mul3A_5, %parallel_loop3A_286 : vector<16xi32>
          %parallel_loop3A_288 = tpu.vector_load_idx %arg17[%parallel_loop3A_287] : memref<1280xf32, #tpu.memory_space<vmem>>[vector<16xi32>], vector<16xf32>,
          %parallel_loop3A_289 = arith.addf %parallel_loop3A_281, %parallel_loop3A_288 : vector<16xf32>
          %parallel_loop3A_290 = arith.constant 256 : i32
          %parallel_loop3A_291 = arith.muli %parallel_loop3A_172, %parallel_loop3A_290 : i32
          %parallel_loop3A_292 = arith.constant 15 : i32
          %parallel_loop3A_293 = arith.addi %parallel_loop3A_291, %parallel_loop3A_292 : i32
          %parallel_loop3A_294 = vector.broadcast %parallel_loop3A_293 : i32 to vector<16xi32>
          %parallel_loop3A_295 = arith.addi %mul3A_5, %parallel_loop3A_294 : vector<16xi32>
          %parallel_loop3A_296 = tpu.vector_load_idx %arg17[%parallel_loop3A_295] : memref<1280xf32, #tpu.memory_space<vmem>>[vector<16xi32>], vector<16xf32>,
          %parallel_loop3A_297 = arith.addf %parallel_loop3A_289, %parallel_loop3A_296 : vector<16xf32>
          %parallel_loop3A_298 = arith.constant 80 : i32
          %parallel_loop3A_299 = arith.muli %add3A_91, %parallel_loop3A_298 : i32
          %parallel_loop3A_300 = arith.constant 16 : i32
          %parallel_loop3A_301 = arith.muli %parallel_loop3A_172, %parallel_loop3A_300 : i32
          %parallel_loop3A_302 = arith.addi %parallel_loop3A_299, %parallel_loop3A_301 : i32
          %parallel_loop3A_303 = arith.index_cast %parallel_loop3A_302 : i32 to index
          %parallel_loop3A_304 = tpu.vector_load %arg18[%parallel_loop3A_303] {strides = array<i32>} : memref<10000xf32, #tpu.memory_space<vmem>>, vector<16xf32>,
          tpu.vector_store %arg18[%parallel_loop3A_303], %parallel_loop3A_297 {strides = array<i32>} : memref<10000xf32, #tpu.memory_space<vmem>>, vector<16xf32>,
        } {sc.loop_unroll_factor = 1 : i64, sc.parallel_access}
      } else {
      }
      %add3A_101 = arith.constant 1 : i32
      %add3A_102 = arith.addi %add3A_89, %add3A_101 : i32
      %add3A_103 = arith.constant 4 : i32
      %add3A_104 = arith.addi %add3A_102, %add3A_103 : i32
      %le3A_105 = arith.constant 124 : i32
      %le3A_106 = arith.cmpi sle, %add3A_104, %le3A_105 : i32
      %convert_element_type3A_107 = arith.extui %le3A_106 : i1 to i32
      %cond3A_108 = arith.constant 0 : i32
      %cond3A_109 = arith.cmpi ne, %convert_element_type3A_107, %cond3A_108 : i32
      scf.if %cond3A_109 {
        %mul3A_157 = arith.constant 80 : i32
        %mul3A_158 = arith.muli %add3A_104, %mul3A_157 : i32
        %dma_start3A_159 = tpu.memref_slice %arg5[%mul3A_158] : memref<10000xi32, #tpu.memory_space<vmem>> -> memref<80xi32, #tpu.memory_space<vmem>>
        %dma_start3A_160 = arith.constant 0 : i32
        %dma_start3A_161 = arith.constant 0 : i32
        %dma_start3A_162 = tpu.memref_slice %arg2[%dma_start3A_160, %dma_start3A_161] : memref<10000x64xi32, #tpu.memory_space<hbm>> -> memref<10000x64xi32, #tpu.memory_space<hbm>>
        tpu.enqueue_indirect_dma source(%dma_start3A_162 : memref<10000x64xi32, #tpu.memory_space<hbm>>) target(%arg7 : memref<80x64xi32, #tpu.memory_space<vmem>>) offsets(%dma_start3A_159 : memref<80xi32, #tpu.memory_space<vmem>>) semaphore(%arg19 : memref<!tpu.dma_semaphore, #tpu.memory_space<semaphore_mem>>)
        %dma_start3A_163 = tpu.memref_slice %arg6[%mul3A_158] : memref<10000xi32, #tpu.memory_space<vmem>> -> memref<80xi32, #tpu.memory_space<vmem>>
        %dma_start3A_164 = arith.constant 0 : i32
        %dma_start3A_165 = arith.constant 0 : i32
        %dma_start3A_166 = tpu.memref_slice %arg2[%dma_start3A_164, %dma_start3A_165] : memref<10000x64xi32, #tpu.memory_space<hbm>> -> memref<10000x64xi32, #tpu.memory_space<hbm>>
        tpu.enqueue_indirect_dma source(%dma_start3A_166 : memref<10000x64xi32, #tpu.memory_space<hbm>>) target(%arg12 : memref<80x64xi32, #tpu.memory_space<vmem>>) offsets(%dma_start3A_163 : memref<80xi32, #tpu.memory_space<vmem>>) semaphore(%arg19 : memref<!tpu.dma_semaphore, #tpu.memory_space<semaphore_mem>>)
      } else {
      }
      %le3A_110 = arith.constant 124 : i32
      %le3A_111 = arith.cmpi sle, %add3A_102, %le3A_110 : i32
      %convert_element_type3A_112 = arith.extui %le3A_111 : i1 to i32
      %cond3A_113 = arith.constant 0 : i32
      %cond3A_114 = arith.cmpi ne, %convert_element_type3A_112, %cond3A_113 : i32
      scf.if %cond3A_114 {
        %mul3A_157 = arith.constant 80 : i32
        %mul3A_158 = arith.muli %add3A_102, %mul3A_157 : i32
        %dma_wait3A_159 = tpu.memref_slice %arg5[%mul3A_158] : memref<10000xi32, #tpu.memory_space<vmem>> -> memref<80xi32, #tpu.memory_space<vmem>>
        %dma_wait3A_160 = arith.constant 0 : i32
        %dma_wait3A_161 = arith.constant 0 : i32
        %dma_wait3A_162 = tpu.memref_slice %arg2[%dma_wait3A_160, %dma_wait3A_161] : memref<10000x64xi32, #tpu.memory_space<hbm>> -> memref<10000x64xi32, #tpu.memory_space<hbm>>
        tpu.wait_indirect_dma semaphore(%arg20 : memref<!tpu.dma_semaphore, #tpu.memory_space<semaphore_mem>>) src(%dma_wait3A_162 : memref<10000x64xi32, #tpu.memory_space<hbm>>) dst(%arg8 : memref<80x64xi32, #tpu.memory_space<vmem>>)
        %dma_wait3A_163 = tpu.memref_slice %arg6[%mul3A_158] : memref<10000xi32, #tpu.memory_space<vmem>> -> memref<80xi32, #tpu.memory_space<vmem>>
        %dma_wait3A_164 = arith.constant 0 : i32
        %dma_wait3A_165 = arith.constant 0 : i32
        %dma_wait3A_166 = tpu.memref_slice %arg2[%dma_wait3A_164, %dma_wait3A_165] : memref<10000x64xi32, #tpu.memory_space<hbm>> -> memref<10000x64xi32, #tpu.memory_space<hbm>>
        tpu.wait_indirect_dma semaphore(%arg20 : memref<!tpu.dma_semaphore, #tpu.memory_space<semaphore_mem>>) src(%dma_wait3A_166 : memref<10000x64xi32, #tpu.memory_space<hbm>>) dst(%arg13 : memref<80x64xi32, #tpu.memory_space<vmem>>)
        %parallel_loop3A = arith.constant 0 : i32
        %parallel_loop3A_167 = arith.constant 80 : i32
        %parallel_loop3A_168 = arith.constant 1 : i32
        scf.for %parallel_loop3A_172 = %parallel_loop3A to %parallel_loop3A_167 step %parallel_loop3A_168  : i32 {
          %parallel_loop3A_173 = arith.index_cast %parallel_loop3A_172 : i32 to index
          %parallel_loop3A_174 = arith.constant 0 : index
          %parallel_loop3A_175 = tpu.vector_load %arg8[%parallel_loop3A_173, %parallel_loop3A_174] {strides = array<i32>} : memref<80x64xi32, #tpu.memory_space<vmem>>, vector<16xi32>,
          %parallel_loop3A_176 = vector.bitcast %parallel_loop3A_175 : vector<16xi32> to vector<32xbf16>
          %parallel_loop3A_177 = arith.index_cast %parallel_loop3A_172 : i32 to index
          %parallel_loop3A_178 = arith.constant 0 : index
          %parallel_loop3A_179 = tpu.vector_load %arg13[%parallel_loop3A_177, %parallel_loop3A_178] {strides = array<i32>} : memref<80x64xi32, #tpu.memory_space<vmem>>, vector<16xi32>,
          %parallel_loop3A_180 = vector.bitcast %parallel_loop3A_179 : vector<16xi32> to vector<32xbf16>
          %parallel_loop3A_181 = arith.mulf %parallel_loop3A_176, %parallel_loop3A_180 : vector<32xbf16>
          %parallel_loop3A_182 = tpu.unpack_subelements %parallel_loop3A_181, 0 {pack_format = #tpu.pack_format<interleaved>} : vector<32xbf16> -> vector<16xf32>
          %parallel_loop3A_183 = tpu.unpack_subelements %parallel_loop3A_181, 1 {pack_format = #tpu.pack_format<interleaved>} : vector<32xbf16> -> vector<16xf32>
          %parallel_loop3A_184 = arith.addf %parallel_loop3A_182, %parallel_loop3A_183 : vector<16xf32>
          %parallel_loop3A_185 = arith.index_cast %parallel_loop3A_172 : i32 to index
          %parallel_loop3A_186 = arith.constant 16 : index
          %parallel_loop3A_187 = tpu.vector_load %arg8[%parallel_loop3A_185, %parallel_loop3A_186] {strides = array<i32>} : memref<80x64xi32, #tpu.memory_space<vmem>>, vector<16xi32>,
          %parallel_loop3A_188 = vector.bitcast %parallel_loop3A_187 : vector<16xi32> to vector<32xbf16>
          %parallel_loop3A_189 = arith.index_cast %parallel_loop3A_172 : i32 to index
          %parallel_loop3A_190 = arith.constant 16 : index
          %parallel_loop3A_191 = tpu.vector_load %arg13[%parallel_loop3A_189, %parallel_loop3A_190] {strides = array<i32>} : memref<80x64xi32, #tpu.memory_space<vmem>>, vector<16xi32>,
          %parallel_loop3A_192 = vector.bitcast %parallel_loop3A_191 : vector<16xi32> to vector<32xbf16>
          %parallel_loop3A_193 = arith.mulf %parallel_loop3A_188, %parallel_loop3A_192 : vector<32xbf16>
          %parallel_loop3A_194 = tpu.unpack_subelements %parallel_loop3A_193, 0 {pack_format = #tpu.pack_format<interleaved>} : vector<32xbf16> -> vector<16xf32>
          %parallel_loop3A_195 = tpu.unpack_subelements %parallel_loop3A_193, 1 {pack_format = #tpu.pack_format<interleaved>} : vector<32xbf16> -> vector<16xf32>
          %parallel_loop3A_196 = arith.addf %parallel_loop3A_194, %parallel_loop3A_195 : vector<16xf32>
          %parallel_loop3A_197 = arith.addf %parallel_loop3A_184, %parallel_loop3A_196 : vector<16xf32>
          %parallel_loop3A_198 = arith.index_cast %parallel_loop3A_172 : i32 to index
          %parallel_loop3A_199 = arith.constant 32 : index
          %parallel_loop3A_200 = tpu.vector_load %arg8[%parallel_loop3A_198, %parallel_loop3A_199] {strides = array<i32>} : memref<80x64xi32, #tpu.memory_space<vmem>>, vector<16xi32>,
          %parallel_loop3A_201 = vector.bitcast %parallel_loop3A_200 : vector<16xi32> to vector<32xbf16>
          %parallel_loop3A_202 = arith.index_cast %parallel_loop3A_172 : i32 to index
          %parallel_loop3A_203 = arith.constant 32 : index
          %parallel_loop3A_204 = tpu.vector_load %arg13[%parallel_loop3A_202, %parallel_loop3A_203] {strides = array<i32>} : memref<80x64xi32, #tpu.memory_space<vmem>>, vector<16xi32>,
          %parallel_loop3A_205 = vector.bitcast %parallel_loop3A_204 : vector<16xi32> to vector<32xbf16>
          %parallel_loop3A_206 = arith.mulf %parallel_loop3A_201, %parallel_loop3A_205 : vector<32xbf16>
          %parallel_loop3A_207 = tpu.unpack_subelements %parallel_loop3A_206, 0 {pack_format = #tpu.pack_format<interleaved>} : vector<32xbf16> -> vector<16xf32>
          %parallel_loop3A_208 = tpu.unpack_subelements %parallel_loop3A_206, 1 {pack_format = #tpu.pack_format<interleaved>} : vector<32xbf16> -> vector<16xf32>
          %parallel_loop3A_209 = arith.addf %parallel_loop3A_207, %parallel_loop3A_208 : vector<16xf32>
          %parallel_loop3A_210 = arith.addf %parallel_loop3A_197, %parallel_loop3A_209 : vector<16xf32>
          %parallel_loop3A_211 = arith.index_cast %parallel_loop3A_172 : i32 to index
          %parallel_loop3A_212 = arith.constant 48 : index
          %parallel_loop3A_213 = tpu.vector_load %arg8[%parallel_loop3A_211, %parallel_loop3A_212] {strides = array<i32>} : memref<80x64xi32, #tpu.memory_space<vmem>>, vector<16xi32>,
          %parallel_loop3A_214 = vector.bitcast %parallel_loop3A_213 : vector<16xi32> to vector<32xbf16>
          %parallel_loop3A_215 = arith.index_cast %parallel_loop3A_172 : i32 to index
          %parallel_loop3A_216 = arith.constant 48 : index
          %parallel_loop3A_217 = tpu.vector_load %arg13[%parallel_loop3A_215, %parallel_loop3A_216] {strides = array<i32>} : memref<80x64xi32, #tpu.memory_space<vmem>>, vector<16xi32>,
          %parallel_loop3A_218 = vector.bitcast %parallel_loop3A_217 : vector<16xi32> to vector<32xbf16>
          %parallel_loop3A_219 = arith.mulf %parallel_loop3A_214, %parallel_loop3A_218 : vector<32xbf16>
          %parallel_loop3A_220 = tpu.unpack_subelements %parallel_loop3A_219, 0 {pack_format = #tpu.pack_format<interleaved>} : vector<32xbf16> -> vector<16xf32>
          %parallel_loop3A_221 = tpu.unpack_subelements %parallel_loop3A_219, 1 {pack_format = #tpu.pack_format<interleaved>} : vector<32xbf16> -> vector<16xf32>
          %parallel_loop3A_222 = arith.addf %parallel_loop3A_220, %parallel_loop3A_221 : vector<16xf32>
          %parallel_loop3A_223 = arith.addf %parallel_loop3A_210, %parallel_loop3A_222 : vector<16xf32>
          %parallel_loop3A_224 = arith.constant 16 : i32
          %parallel_loop3A_225 = arith.muli %parallel_loop3A_172, %parallel_loop3A_224 : i32
          %parallel_loop3A_226 = arith.index_cast %parallel_loop3A_225 : i32 to index
          %parallel_loop3A_227 = tpu.vector_load %arg17[%parallel_loop3A_226] {strides = array<i32>} : memref<1280xf32, #tpu.memory_space<vmem>>, vector<16xf32>,
          tpu.vector_store %arg17[%parallel_loop3A_226], %parallel_loop3A_223 {strides = array<i32>} : memref<1280xf32, #tpu.memory_space<vmem>>, vector<16xf32>,
        } {sc.loop_unroll_factor = 2 : i64, sc.parallel_access}
        %parallel_loop3A_169 = arith.constant 0 : i32
        %parallel_loop3A_170 = arith.constant 5 : i32
        %parallel_loop3A_171 = arith.constant 1 : i32
        scf.for %parallel_loop3A_172 = %parallel_loop3A_169 to %parallel_loop3A_170 step %parallel_loop3A_171  : i32 {
          %parallel_loop3A_173 = arith.constant 256 : i32
          %parallel_loop3A_174 = arith.muli %parallel_loop3A_172, %parallel_loop3A_173 : i32
          %parallel_loop3A_175 = vector.broadcast %parallel_loop3A_174 : i32 to vector<16xi32>
          %parallel_loop3A_176 = arith.addi %mul3A_5, %parallel_loop3A_175 : vector<16xi32>
          %parallel_loop3A_177 = tpu.vector_load_idx %arg17[%parallel_loop3A_176] : memref<1280xf32, #tpu.memory_space<vmem>>[vector<16xi32>], vector<16xf32>,
          %parallel_loop3A_178 = arith.constant 256 : i32
          %parallel_loop3A_179 = arith.muli %parallel_loop3A_172, %parallel_loop3A_178 : i32
          %parallel_loop3A_180 = arith.constant 1 : i32
          %parallel_loop3A_181 = arith.addi %parallel_loop3A_179, %parallel_loop3A_180 : i32
          %parallel_loop3A_182 = vector.broadcast %parallel_loop3A_181 : i32 to vector<16xi32>
          %parallel_loop3A_183 = arith.addi %mul3A_5, %parallel_loop3A_182 : vector<16xi32>
          %parallel_loop3A_184 = tpu.vector_load_idx %arg17[%parallel_loop3A_183] : memref<1280xf32, #tpu.memory_space<vmem>>[vector<16xi32>], vector<16xf32>,
          %parallel_loop3A_185 = arith.addf %parallel_loop3A_177, %parallel_loop3A_184 : vector<16xf32>
          %parallel_loop3A_186 = arith.constant 256 : i32
          %parallel_loop3A_187 = arith.muli %parallel_loop3A_172, %parallel_loop3A_186 : i32
          %parallel_loop3A_188 = arith.constant 2 : i32
          %parallel_loop3A_189 = arith.addi %parallel_loop3A_187, %parallel_loop3A_188 : i32
          %parallel_loop3A_190 = vector.broadcast %parallel_loop3A_189 : i32 to vector<16xi32>
          %parallel_loop3A_191 = arith.addi %mul3A_5, %parallel_loop3A_190 : vector<16xi32>
          %parallel_loop3A_192 = tpu.vector_load_idx %arg17[%parallel_loop3A_191] : memref<1280xf32, #tpu.memory_space<vmem>>[vector<16xi32>], vector<16xf32>,
          %parallel_loop3A_193 = arith.addf %parallel_loop3A_185, %parallel_loop3A_192 : vector<16xf32>
          %parallel_loop3A_194 = arith.constant 256 : i32
          %parallel_loop3A_195 = arith.muli %parallel_loop3A_172, %parallel_loop3A_194 : i32
          %parallel_loop3A_196 = arith.constant 3 : i32
          %parallel_loop3A_197 = arith.addi %parallel_loop3A_195, %parallel_loop3A_196 : i32
          %parallel_loop3A_198 = vector.broadcast %parallel_loop3A_197 : i32 to vector<16xi32>
          %parallel_loop3A_199 = arith.addi %mul3A_5, %parallel_loop3A_198 : vector<16xi32>
          %parallel_loop3A_200 = tpu.vector_load_idx %arg17[%parallel_loop3A_199] : memref<1280xf32, #tpu.memory_space<vmem>>[vector<16xi32>], vector<16xf32>,
          %parallel_loop3A_201 = arith.addf %parallel_loop3A_193, %parallel_loop3A_200 : vector<16xf32>
          %parallel_loop3A_202 = arith.constant 256 : i32
          %parallel_loop3A_203 = arith.muli %parallel_loop3A_172, %parallel_loop3A_202 : i32
          %parallel_loop3A_204 = arith.constant 4 : i32
          %parallel_loop3A_205 = arith.addi %parallel_loop3A_203, %parallel_loop3A_204 : i32
          %parallel_loop3A_206 = vector.broadcast %parallel_loop3A_205 : i32 to vector<16xi32>
          %parallel_loop3A_207 = arith.addi %mul3A_5, %parallel_loop3A_206 : vector<16xi32>
          %parallel_loop3A_208 = tpu.vector_load_idx %arg17[%parallel_loop3A_207] : memref<1280xf32, #tpu.memory_space<vmem>>[vector<16xi32>], vector<16xf32>,
          %parallel_loop3A_209 = arith.addf %parallel_loop3A_201, %parallel_loop3A_208 : vector<16xf32>
          %parallel_loop3A_210 = arith.constant 256 : i32
          %parallel_loop3A_211 = arith.muli %parallel_loop3A_172, %parallel_loop3A_210 : i32
          %parallel_loop3A_212 = arith.constant 5 : i32
          %parallel_loop3A_213 = arith.addi %parallel_loop3A_211, %parallel_loop3A_212 : i32
          %parallel_loop3A_214 = vector.broadcast %parallel_loop3A_213 : i32 to vector<16xi32>
          %parallel_loop3A_215 = arith.addi %mul3A_5, %parallel_loop3A_214 : vector<16xi32>
          %parallel_loop3A_216 = tpu.vector_load_idx %arg17[%parallel_loop3A_215] : memref<1280xf32, #tpu.memory_space<vmem>>[vector<16xi32>], vector<16xf32>,
          %parallel_loop3A_217 = arith.addf %parallel_loop3A_209, %parallel_loop3A_216 : vector<16xf32>
          %parallel_loop3A_218 = arith.constant 256 : i32
          %parallel_loop3A_219 = arith.muli %parallel_loop3A_172, %parallel_loop3A_218 : i32
          %parallel_loop3A_220 = arith.constant 6 : i32
          %parallel_loop3A_221 = arith.addi %parallel_loop3A_219, %parallel_loop3A_220 : i32
          %parallel_loop3A_222 = vector.broadcast %parallel_loop3A_221 : i32 to vector<16xi32>
          %parallel_loop3A_223 = arith.addi %mul3A_5, %parallel_loop3A_222 : vector<16xi32>
          %parallel_loop3A_224 = tpu.vector_load_idx %arg17[%parallel_loop3A_223] : memref<1280xf32, #tpu.memory_space<vmem>>[vector<16xi32>], vector<16xf32>,
          %parallel_loop3A_225 = arith.addf %parallel_loop3A_217, %parallel_loop3A_224 : vector<16xf32>
          %parallel_loop3A_226 = arith.constant 256 : i32
          %parallel_loop3A_227 = arith.muli %parallel_loop3A_172, %parallel_loop3A_226 : i32
          %parallel_loop3A_228 = arith.constant 7 : i32
          %parallel_loop3A_229 = arith.addi %parallel_loop3A_227, %parallel_loop3A_228 : i32
          %parallel_loop3A_230 = vector.broadcast %parallel_loop3A_229 : i32 to vector<16xi32>
          %parallel_loop3A_231 = arith.addi %mul3A_5, %parallel_loop3A_230 : vector<16xi32>
          %parallel_loop3A_232 = tpu.vector_load_idx %arg17[%parallel_loop3A_231] : memref<1280xf32, #tpu.memory_space<vmem>>[vector<16xi32>], vector<16xf32>,
          %parallel_loop3A_233 = arith.addf %parallel_loop3A_225, %parallel_loop3A_232 : vector<16xf32>
          %parallel_loop3A_234 = arith.constant 256 : i32
          %parallel_loop3A_235 = arith.muli %parallel_loop3A_172, %parallel_loop3A_234 : i32
          %parallel_loop3A_236 = arith.constant 8 : i32
          %parallel_loop3A_237 = arith.addi %parallel_loop3A_235, %parallel_loop3A_236 : i32
          %parallel_loop3A_238 = vector.broadcast %parallel_loop3A_237 : i32 to vector<16xi32>
          %parallel_loop3A_239 = arith.addi %mul3A_5, %parallel_loop3A_238 : vector<16xi32>
          %parallel_loop3A_240 = tpu.vector_load_idx %arg17[%parallel_loop3A_239] : memref<1280xf32, #tpu.memory_space<vmem>>[vector<16xi32>], vector<16xf32>,
          %parallel_loop3A_241 = arith.addf %parallel_loop3A_233, %parallel_loop3A_240 : vector<16xf32>
          %parallel_loop3A_242 = arith.constant 256 : i32
          %parallel_loop3A_243 = arith.muli %parallel_loop3A_172, %parallel_loop3A_242 : i32
          %parallel_loop3A_244 = arith.constant 9 : i32
          %parallel_loop3A_245 = arith.addi %parallel_loop3A_243, %parallel_loop3A_244 : i32
          %parallel_loop3A_246 = vector.broadcast %parallel_loop3A_245 : i32 to vector<16xi32>
          %parallel_loop3A_247 = arith.addi %mul3A_5, %parallel_loop3A_246 : vector<16xi32>
          %parallel_loop3A_248 = tpu.vector_load_idx %arg17[%parallel_loop3A_247] : memref<1280xf32, #tpu.memory_space<vmem>>[vector<16xi32>], vector<16xf32>,
          %parallel_loop3A_249 = arith.addf %parallel_loop3A_241, %parallel_loop3A_248 : vector<16xf32>
          %parallel_loop3A_250 = arith.constant 256 : i32
          %parallel_loop3A_251 = arith.muli %parallel_loop3A_172, %parallel_loop3A_250 : i32
          %parallel_loop3A_252 = arith.constant 10 : i32
          %parallel_loop3A_253 = arith.addi %parallel_loop3A_251, %parallel_loop3A_252 : i32
          %parallel_loop3A_254 = vector.broadcast %parallel_loop3A_253 : i32 to vector<16xi32>
          %parallel_loop3A_255 = arith.addi %mul3A_5, %parallel_loop3A_254 : vector<16xi32>
          %parallel_loop3A_256 = tpu.vector_load_idx %arg17[%parallel_loop3A_255] : memref<1280xf32, #tpu.memory_space<vmem>>[vector<16xi32>], vector<16xf32>,
          %parallel_loop3A_257 = arith.addf %parallel_loop3A_249, %parallel_loop3A_256 : vector<16xf32>
          %parallel_loop3A_258 = arith.constant 256 : i32
          %parallel_loop3A_259 = arith.muli %parallel_loop3A_172, %parallel_loop3A_258 : i32
          %parallel_loop3A_260 = arith.constant 11 : i32
          %parallel_loop3A_261 = arith.addi %parallel_loop3A_259, %parallel_loop3A_260 : i32
          %parallel_loop3A_262 = vector.broadcast %parallel_loop3A_261 : i32 to vector<16xi32>
          %parallel_loop3A_263 = arith.addi %mul3A_5, %parallel_loop3A_262 : vector<16xi32>
          %parallel_loop3A_264 = tpu.vector_load_idx %arg17[%parallel_loop3A_263] : memref<1280xf32, #tpu.memory_space<vmem>>[vector<16xi32>], vector<16xf32>,
          %parallel_loop3A_265 = arith.addf %parallel_loop3A_257, %parallel_loop3A_264 : vector<16xf32>
          %parallel_loop3A_266 = arith.constant 256 : i32
          %parallel_loop3A_267 = arith.muli %parallel_loop3A_172, %parallel_loop3A_266 : i32
          %parallel_loop3A_268 = arith.constant 12 : i32
          %parallel_loop3A_269 = arith.addi %parallel_loop3A_267, %parallel_loop3A_268 : i32
          %parallel_loop3A_270 = vector.broadcast %parallel_loop3A_269 : i32 to vector<16xi32>
          %parallel_loop3A_271 = arith.addi %mul3A_5, %parallel_loop3A_270 : vector<16xi32>
          %parallel_loop3A_272 = tpu.vector_load_idx %arg17[%parallel_loop3A_271] : memref<1280xf32, #tpu.memory_space<vmem>>[vector<16xi32>], vector<16xf32>,
          %parallel_loop3A_273 = arith.addf %parallel_loop3A_265, %parallel_loop3A_272 : vector<16xf32>
          %parallel_loop3A_274 = arith.constant 256 : i32
          %parallel_loop3A_275 = arith.muli %parallel_loop3A_172, %parallel_loop3A_274 : i32
          %parallel_loop3A_276 = arith.constant 13 : i32
          %parallel_loop3A_277 = arith.addi %parallel_loop3A_275, %parallel_loop3A_276 : i32
          %parallel_loop3A_278 = vector.broadcast %parallel_loop3A_277 : i32 to vector<16xi32>
          %parallel_loop3A_279 = arith.addi %mul3A_5, %parallel_loop3A_278 : vector<16xi32>
          %parallel_loop3A_280 = tpu.vector_load_idx %arg17[%parallel_loop3A_279] : memref<1280xf32, #tpu.memory_space<vmem>>[vector<16xi32>], vector<16xf32>,
          %parallel_loop3A_281 = arith.addf %parallel_loop3A_273, %parallel_loop3A_280 : vector<16xf32>
          %parallel_loop3A_282 = arith.constant 256 : i32
          %parallel_loop3A_283 = arith.muli %parallel_loop3A_172, %parallel_loop3A_282 : i32
          %parallel_loop3A_284 = arith.constant 14 : i32
          %parallel_loop3A_285 = arith.addi %parallel_loop3A_283, %parallel_loop3A_284 : i32
          %parallel_loop3A_286 = vector.broadcast %parallel_loop3A_285 : i32 to vector<16xi32>
          %parallel_loop3A_287 = arith.addi %mul3A_5, %parallel_loop3A_286 : vector<16xi32>
          %parallel_loop3A_288 = tpu.vector_load_idx %arg17[%parallel_loop3A_287] : memref<1280xf32, #tpu.memory_space<vmem>>[vector<16xi32>], vector<16xf32>,
          %parallel_loop3A_289 = arith.addf %parallel_loop3A_281, %parallel_loop3A_288 : vector<16xf32>
          %parallel_loop3A_290 = arith.constant 256 : i32
          %parallel_loop3A_291 = arith.muli %parallel_loop3A_172, %parallel_loop3A_290 : i32
          %parallel_loop3A_292 = arith.constant 15 : i32
          %parallel_loop3A_293 = arith.addi %parallel_loop3A_291, %parallel_loop3A_292 : i32
          %parallel_loop3A_294 = vector.broadcast %parallel_loop3A_293 : i32 to vector<16xi32>
          %parallel_loop3A_295 = arith.addi %mul3A_5, %parallel_loop3A_294 : vector<16xi32>
          %parallel_loop3A_296 = tpu.vector_load_idx %arg17[%parallel_loop3A_295] : memref<1280xf32, #tpu.memory_space<vmem>>[vector<16xi32>], vector<16xf32>,
          %parallel_loop3A_297 = arith.addf %parallel_loop3A_289, %parallel_loop3A_296 : vector<16xf32>
          %parallel_loop3A_298 = arith.constant 80 : i32
          %parallel_loop3A_299 = arith.muli %add3A_102, %parallel_loop3A_298 : i32
          %parallel_loop3A_300 = arith.constant 16 : i32
          %parallel_loop3A_301 = arith.muli %parallel_loop3A_172, %parallel_loop3A_300 : i32
          %parallel_loop3A_302 = arith.addi %parallel_loop3A_299, %parallel_loop3A_301 : i32
          %parallel_loop3A_303 = arith.index_cast %parallel_loop3A_302 : i32 to index
          %parallel_loop3A_304 = tpu.vector_load %arg18[%parallel_loop3A_303] {strides = array<i32>} : memref<10000xf32, #tpu.memory_space<vmem>>, vector<16xf32>,
          tpu.vector_store %arg18[%parallel_loop3A_303], %parallel_loop3A_297 {strides = array<i32>} : memref<10000xf32, #tpu.memory_space<vmem>>, vector<16xf32>,
        } {sc.loop_unroll_factor = 1 : i64, sc.parallel_access}
      } else {
      }
      %add3A_115 = arith.constant 2 : i32
      %add3A_116 = arith.addi %add3A_89, %add3A_115 : i32
      %add3A_117 = arith.constant 4 : i32
      %add3A_118 = arith.addi %add3A_116, %add3A_117 : i32
      %le3A_119 = arith.constant 124 : i32
      %le3A_120 = arith.cmpi sle, %add3A_118, %le3A_119 : i32
      %convert_element_type3A_121 = arith.extui %le3A_120 : i1 to i32
      %cond3A_122 = arith.constant 0 : i32
      %cond3A_123 = arith.cmpi ne, %convert_element_type3A_121, %cond3A_122 : i32
      scf.if %cond3A_123 {
        %mul3A_157 = arith.constant 80 : i32
        %mul3A_158 = arith.muli %add3A_118, %mul3A_157 : i32
        %dma_start3A_159 = tpu.memref_slice %arg5[%mul3A_158] : memref<10000xi32, #tpu.memory_space<vmem>> -> memref<80xi32, #tpu.memory_space<vmem>>
        %dma_start3A_160 = arith.constant 0 : i32
        %dma_start3A_161 = arith.constant 0 : i32
        %dma_start3A_162 = tpu.memref_slice %arg2[%dma_start3A_160, %dma_start3A_161] : memref<10000x64xi32, #tpu.memory_space<hbm>> -> memref<10000x64xi32, #tpu.memory_space<hbm>>
        tpu.enqueue_indirect_dma source(%dma_start3A_162 : memref<10000x64xi32, #tpu.memory_space<hbm>>) target(%arg8 : memref<80x64xi32, #tpu.memory_space<vmem>>) offsets(%dma_start3A_159 : memref<80xi32, #tpu.memory_space<vmem>>) semaphore(%arg20 : memref<!tpu.dma_semaphore, #tpu.memory_space<semaphore_mem>>)
        %dma_start3A_163 = tpu.memref_slice %arg6[%mul3A_158] : memref<10000xi32, #tpu.memory_space<vmem>> -> memref<80xi32, #tpu.memory_space<vmem>>
        %dma_start3A_164 = arith.constant 0 : i32
        %dma_start3A_165 = arith.constant 0 : i32
        %dma_start3A_166 = tpu.memref_slice %arg2[%dma_start3A_164, %dma_start3A_165] : memref<10000x64xi32, #tpu.memory_space<hbm>> -> memref<10000x64xi32, #tpu.memory_space<hbm>>
        tpu.enqueue_indirect_dma source(%dma_start3A_166 : memref<10000x64xi32, #tpu.memory_space<hbm>>) target(%arg13 : memref<80x64xi32, #tpu.memory_space<vmem>>) offsets(%dma_start3A_163 : memref<80xi32, #tpu.memory_space<vmem>>) semaphore(%arg20 : memref<!tpu.dma_semaphore, #tpu.memory_space<semaphore_mem>>)
      } else {
      }
      %le3A_124 = arith.constant 124 : i32
      %le3A_125 = arith.cmpi sle, %add3A_116, %le3A_124 : i32
      %convert_element_type3A_126 = arith.extui %le3A_125 : i1 to i32
      %cond3A_127 = arith.constant 0 : i32
      %cond3A_128 = arith.cmpi ne, %convert_element_type3A_126, %cond3A_127 : i32
      scf.if %cond3A_128 {
        %mul3A_157 = arith.constant 80 : i32
        %mul3A_158 = arith.muli %add3A_116, %mul3A_157 : i32
        %dma_wait3A_159 = tpu.memref_slice %arg5[%mul3A_158] : memref<10000xi32, #tpu.memory_space<vmem>> -> memref<80xi32, #tpu.memory_space<vmem>>
        %dma_wait3A_160 = arith.constant 0 : i32
        %dma_wait3A_161 = arith.constant 0 : i32
        %dma_wait3A_162 = tpu.memref_slice %arg2[%dma_wait3A_160, %dma_wait3A_161] : memref<10000x64xi32, #tpu.memory_space<hbm>> -> memref<10000x64xi32, #tpu.memory_space<hbm>>
        tpu.wait_indirect_dma semaphore(%arg21 : memref<!tpu.dma_semaphore, #tpu.memory_space<semaphore_mem>>) src(%dma_wait3A_162 : memref<10000x64xi32, #tpu.memory_space<hbm>>) dst(%arg9 : memref<80x64xi32, #tpu.memory_space<vmem>>)
        %dma_wait3A_163 = tpu.memref_slice %arg6[%mul3A_158] : memref<10000xi32, #tpu.memory_space<vmem>> -> memref<80xi32, #tpu.memory_space<vmem>>
        %dma_wait3A_164 = arith.constant 0 : i32
        %dma_wait3A_165 = arith.constant 0 : i32
        %dma_wait3A_166 = tpu.memref_slice %arg2[%dma_wait3A_164, %dma_wait3A_165] : memref<10000x64xi32, #tpu.memory_space<hbm>> -> memref<10000x64xi32, #tpu.memory_space<hbm>>
        tpu.wait_indirect_dma semaphore(%arg21 : memref<!tpu.dma_semaphore, #tpu.memory_space<semaphore_mem>>) src(%dma_wait3A_166 : memref<10000x64xi32, #tpu.memory_space<hbm>>) dst(%arg14 : memref<80x64xi32, #tpu.memory_space<vmem>>)
        %parallel_loop3A = arith.constant 0 : i32
        %parallel_loop3A_167 = arith.constant 80 : i32
        %parallel_loop3A_168 = arith.constant 1 : i32
        scf.for %parallel_loop3A_172 = %parallel_loop3A to %parallel_loop3A_167 step %parallel_loop3A_168  : i32 {
          %parallel_loop3A_173 = arith.index_cast %parallel_loop3A_172 : i32 to index
          %parallel_loop3A_174 = arith.constant 0 : index
          %parallel_loop3A_175 = tpu.vector_load %arg9[%parallel_loop3A_173, %parallel_loop3A_174] {strides = array<i32>} : memref<80x64xi32, #tpu.memory_space<vmem>>, vector<16xi32>,
          %parallel_loop3A_176 = vector.bitcast %parallel_loop3A_175 : vector<16xi32> to vector<32xbf16>
          %parallel_loop3A_177 = arith.index_cast %parallel_loop3A_172 : i32 to index
          %parallel_loop3A_178 = arith.constant 0 : index
          %parallel_loop3A_179 = tpu.vector_load %arg14[%parallel_loop3A_177, %parallel_loop3A_178] {strides = array<i32>} : memref<80x64xi32, #tpu.memory_space<vmem>>, vector<16xi32>,
          %parallel_loop3A_180 = vector.bitcast %parallel_loop3A_179 : vector<16xi32> to vector<32xbf16>
          %parallel_loop3A_181 = arith.mulf %parallel_loop3A_176, %parallel_loop3A_180 : vector<32xbf16>
          %parallel_loop3A_182 = tpu.unpack_subelements %parallel_loop3A_181, 0 {pack_format = #tpu.pack_format<interleaved>} : vector<32xbf16> -> vector<16xf32>
          %parallel_loop3A_183 = tpu.unpack_subelements %parallel_loop3A_181, 1 {pack_format = #tpu.pack_format<interleaved>} : vector<32xbf16> -> vector<16xf32>
          %parallel_loop3A_184 = arith.addf %parallel_loop3A_182, %parallel_loop3A_183 : vector<16xf32>
          %parallel_loop3A_185 = arith.index_cast %parallel_loop3A_172 : i32 to index
          %parallel_loop3A_186 = arith.constant 16 : index
          %parallel_loop3A_187 = tpu.vector_load %arg9[%parallel_loop3A_185, %parallel_loop3A_186] {strides = array<i32>} : memref<80x64xi32, #tpu.memory_space<vmem>>, vector<16xi32>,
          %parallel_loop3A_188 = vector.bitcast %parallel_loop3A_187 : vector<16xi32> to vector<32xbf16>
          %parallel_loop3A_189 = arith.index_cast %parallel_loop3A_172 : i32 to index
          %parallel_loop3A_190 = arith.constant 16 : index
          %parallel_loop3A_191 = tpu.vector_load %arg14[%parallel_loop3A_189, %parallel_loop3A_190] {strides = array<i32>} : memref<80x64xi32, #tpu.memory_space<vmem>>, vector<16xi32>,
          %parallel_loop3A_192 = vector.bitcast %parallel_loop3A_191 : vector<16xi32> to vector<32xbf16>
          %parallel_loop3A_193 = arith.mulf %parallel_loop3A_188, %parallel_loop3A_192 : vector<32xbf16>
          %parallel_loop3A_194 = tpu.unpack_subelements %parallel_loop3A_193, 0 {pack_format = #tpu.pack_format<interleaved>} : vector<32xbf16> -> vector<16xf32>
          %parallel_loop3A_195 = tpu.unpack_subelements %parallel_loop3A_193, 1 {pack_format = #tpu.pack_format<interleaved>} : vector<32xbf16> -> vector<16xf32>
          %parallel_loop3A_196 = arith.addf %parallel_loop3A_194, %parallel_loop3A_195 : vector<16xf32>
          %parallel_loop3A_197 = arith.addf %parallel_loop3A_184, %parallel_loop3A_196 : vector<16xf32>
          %parallel_loop3A_198 = arith.index_cast %parallel_loop3A_172 : i32 to index
          %parallel_loop3A_199 = arith.constant 32 : index
          %parallel_loop3A_200 = tpu.vector_load %arg9[%parallel_loop3A_198, %parallel_loop3A_199] {strides = array<i32>} : memref<80x64xi32, #tpu.memory_space<vmem>>, vector<16xi32>,
          %parallel_loop3A_201 = vector.bitcast %parallel_loop3A_200 : vector<16xi32> to vector<32xbf16>
          %parallel_loop3A_202 = arith.index_cast %parallel_loop3A_172 : i32 to index
          %parallel_loop3A_203 = arith.constant 32 : index
          %parallel_loop3A_204 = tpu.vector_load %arg14[%parallel_loop3A_202, %parallel_loop3A_203] {strides = array<i32>} : memref<80x64xi32, #tpu.memory_space<vmem>>, vector<16xi32>,
          %parallel_loop3A_205 = vector.bitcast %parallel_loop3A_204 : vector<16xi32> to vector<32xbf16>
          %parallel_loop3A_206 = arith.mulf %parallel_loop3A_201, %parallel_loop3A_205 : vector<32xbf16>
          %parallel_loop3A_207 = tpu.unpack_subelements %parallel_loop3A_206, 0 {pack_format = #tpu.pack_format<interleaved>} : vector<32xbf16> -> vector<16xf32>
          %parallel_loop3A_208 = tpu.unpack_subelements %parallel_loop3A_206, 1 {pack_format = #tpu.pack_format<interleaved>} : vector<32xbf16> -> vector<16xf32>
          %parallel_loop3A_209 = arith.addf %parallel_loop3A_207, %parallel_loop3A_208 : vector<16xf32>
          %parallel_loop3A_210 = arith.addf %parallel_loop3A_197, %parallel_loop3A_209 : vector<16xf32>
          %parallel_loop3A_211 = arith.index_cast %parallel_loop3A_172 : i32 to index
          %parallel_loop3A_212 = arith.constant 48 : index
          %parallel_loop3A_213 = tpu.vector_load %arg9[%parallel_loop3A_211, %parallel_loop3A_212] {strides = array<i32>} : memref<80x64xi32, #tpu.memory_space<vmem>>, vector<16xi32>,
          %parallel_loop3A_214 = vector.bitcast %parallel_loop3A_213 : vector<16xi32> to vector<32xbf16>
          %parallel_loop3A_215 = arith.index_cast %parallel_loop3A_172 : i32 to index
          %parallel_loop3A_216 = arith.constant 48 : index
          %parallel_loop3A_217 = tpu.vector_load %arg14[%parallel_loop3A_215, %parallel_loop3A_216] {strides = array<i32>} : memref<80x64xi32, #tpu.memory_space<vmem>>, vector<16xi32>,
          %parallel_loop3A_218 = vector.bitcast %parallel_loop3A_217 : vector<16xi32> to vector<32xbf16>
          %parallel_loop3A_219 = arith.mulf %parallel_loop3A_214, %parallel_loop3A_218 : vector<32xbf16>
          %parallel_loop3A_220 = tpu.unpack_subelements %parallel_loop3A_219, 0 {pack_format = #tpu.pack_format<interleaved>} : vector<32xbf16> -> vector<16xf32>
          %parallel_loop3A_221 = tpu.unpack_subelements %parallel_loop3A_219, 1 {pack_format = #tpu.pack_format<interleaved>} : vector<32xbf16> -> vector<16xf32>
          %parallel_loop3A_222 = arith.addf %parallel_loop3A_220, %parallel_loop3A_221 : vector<16xf32>
          %parallel_loop3A_223 = arith.addf %parallel_loop3A_210, %parallel_loop3A_222 : vector<16xf32>
          %parallel_loop3A_224 = arith.constant 16 : i32
          %parallel_loop3A_225 = arith.muli %parallel_loop3A_172, %parallel_loop3A_224 : i32
          %parallel_loop3A_226 = arith.index_cast %parallel_loop3A_225 : i32 to index
          %parallel_loop3A_227 = tpu.vector_load %arg17[%parallel_loop3A_226] {strides = array<i32>} : memref<1280xf32, #tpu.memory_space<vmem>>, vector<16xf32>,
          tpu.vector_store %arg17[%parallel_loop3A_226], %parallel_loop3A_223 {strides = array<i32>} : memref<1280xf32, #tpu.memory_space<vmem>>, vector<16xf32>,
        } {sc.loop_unroll_factor = 2 : i64, sc.parallel_access}
        %parallel_loop3A_169 = arith.constant 0 : i32
        %parallel_loop3A_170 = arith.constant 5 : i32
        %parallel_loop3A_171 = arith.constant 1 : i32
        scf.for %parallel_loop3A_172 = %parallel_loop3A_169 to %parallel_loop3A_170 step %parallel_loop3A_171  : i32 {
          %parallel_loop3A_173 = arith.constant 256 : i32
          %parallel_loop3A_174 = arith.muli %parallel_loop3A_172, %parallel_loop3A_173 : i32
          %parallel_loop3A_175 = vector.broadcast %parallel_loop3A_174 : i32 to vector<16xi32>
          %parallel_loop3A_176 = arith.addi %mul3A_5, %parallel_loop3A_175 : vector<16xi32>
          %parallel_loop3A_177 = tpu.vector_load_idx %arg17[%parallel_loop3A_176] : memref<1280xf32, #tpu.memory_space<vmem>>[vector<16xi32>], vector<16xf32>,
          %parallel_loop3A_178 = arith.constant 256 : i32
          %parallel_loop3A_179 = arith.muli %parallel_loop3A_172, %parallel_loop3A_178 : i32
          %parallel_loop3A_180 = arith.constant 1 : i32
          %parallel_loop3A_181 = arith.addi %parallel_loop3A_179, %parallel_loop3A_180 : i32
          %parallel_loop3A_182 = vector.broadcast %parallel_loop3A_181 : i32 to vector<16xi32>
          %parallel_loop3A_183 = arith.addi %mul3A_5, %parallel_loop3A_182 : vector<16xi32>
          %parallel_loop3A_184 = tpu.vector_load_idx %arg17[%parallel_loop3A_183] : memref<1280xf32, #tpu.memory_space<vmem>>[vector<16xi32>], vector<16xf32>,
          %parallel_loop3A_185 = arith.addf %parallel_loop3A_177, %parallel_loop3A_184 : vector<16xf32>
          %parallel_loop3A_186 = arith.constant 256 : i32
          %parallel_loop3A_187 = arith.muli %parallel_loop3A_172, %parallel_loop3A_186 : i32
          %parallel_loop3A_188 = arith.constant 2 : i32
          %parallel_loop3A_189 = arith.addi %parallel_loop3A_187, %parallel_loop3A_188 : i32
          %parallel_loop3A_190 = vector.broadcast %parallel_loop3A_189 : i32 to vector<16xi32>
          %parallel_loop3A_191 = arith.addi %mul3A_5, %parallel_loop3A_190 : vector<16xi32>
          %parallel_loop3A_192 = tpu.vector_load_idx %arg17[%parallel_loop3A_191] : memref<1280xf32, #tpu.memory_space<vmem>>[vector<16xi32>], vector<16xf32>,
          %parallel_loop3A_193 = arith.addf %parallel_loop3A_185, %parallel_loop3A_192 : vector<16xf32>
          %parallel_loop3A_194 = arith.constant 256 : i32
          %parallel_loop3A_195 = arith.muli %parallel_loop3A_172, %parallel_loop3A_194 : i32
          %parallel_loop3A_196 = arith.constant 3 : i32
          %parallel_loop3A_197 = arith.addi %parallel_loop3A_195, %parallel_loop3A_196 : i32
          %parallel_loop3A_198 = vector.broadcast %parallel_loop3A_197 : i32 to vector<16xi32>
          %parallel_loop3A_199 = arith.addi %mul3A_5, %parallel_loop3A_198 : vector<16xi32>
          %parallel_loop3A_200 = tpu.vector_load_idx %arg17[%parallel_loop3A_199] : memref<1280xf32, #tpu.memory_space<vmem>>[vector<16xi32>], vector<16xf32>,
          %parallel_loop3A_201 = arith.addf %parallel_loop3A_193, %parallel_loop3A_200 : vector<16xf32>
          %parallel_loop3A_202 = arith.constant 256 : i32
          %parallel_loop3A_203 = arith.muli %parallel_loop3A_172, %parallel_loop3A_202 : i32
          %parallel_loop3A_204 = arith.constant 4 : i32
          %parallel_loop3A_205 = arith.addi %parallel_loop3A_203, %parallel_loop3A_204 : i32
          %parallel_loop3A_206 = vector.broadcast %parallel_loop3A_205 : i32 to vector<16xi32>
          %parallel_loop3A_207 = arith.addi %mul3A_5, %parallel_loop3A_206 : vector<16xi32>
          %parallel_loop3A_208 = tpu.vector_load_idx %arg17[%parallel_loop3A_207] : memref<1280xf32, #tpu.memory_space<vmem>>[vector<16xi32>], vector<16xf32>,
          %parallel_loop3A_209 = arith.addf %parallel_loop3A_201, %parallel_loop3A_208 : vector<16xf32>
          %parallel_loop3A_210 = arith.constant 256 : i32
          %parallel_loop3A_211 = arith.muli %parallel_loop3A_172, %parallel_loop3A_210 : i32
          %parallel_loop3A_212 = arith.constant 5 : i32
          %parallel_loop3A_213 = arith.addi %parallel_loop3A_211, %parallel_loop3A_212 : i32
          %parallel_loop3A_214 = vector.broadcast %parallel_loop3A_213 : i32 to vector<16xi32>
          %parallel_loop3A_215 = arith.addi %mul3A_5, %parallel_loop3A_214 : vector<16xi32>
          %parallel_loop3A_216 = tpu.vector_load_idx %arg17[%parallel_loop3A_215] : memref<1280xf32, #tpu.memory_space<vmem>>[vector<16xi32>], vector<16xf32>,
          %parallel_loop3A_217 = arith.addf %parallel_loop3A_209, %parallel_loop3A_216 : vector<16xf32>
          %parallel_loop3A_218 = arith.constant 256 : i32
          %parallel_loop3A_219 = arith.muli %parallel_loop3A_172, %parallel_loop3A_218 : i32
          %parallel_loop3A_220 = arith.constant 6 : i32
          %parallel_loop3A_221 = arith.addi %parallel_loop3A_219, %parallel_loop3A_220 : i32
          %parallel_loop3A_222 = vector.broadcast %parallel_loop3A_221 : i32 to vector<16xi32>
          %parallel_loop3A_223 = arith.addi %mul3A_5, %parallel_loop3A_222 : vector<16xi32>
          %parallel_loop3A_224 = tpu.vector_load_idx %arg17[%parallel_loop3A_223] : memref<1280xf32, #tpu.memory_space<vmem>>[vector<16xi32>], vector<16xf32>,
          %parallel_loop3A_225 = arith.addf %parallel_loop3A_217, %parallel_loop3A_224 : vector<16xf32>
          %parallel_loop3A_226 = arith.constant 256 : i32
          %parallel_loop3A_227 = arith.muli %parallel_loop3A_172, %parallel_loop3A_226 : i32
          %parallel_loop3A_228 = arith.constant 7 : i32
          %parallel_loop3A_229 = arith.addi %parallel_loop3A_227, %parallel_loop3A_228 : i32
          %parallel_loop3A_230 = vector.broadcast %parallel_loop3A_229 : i32 to vector<16xi32>
          %parallel_loop3A_231 = arith.addi %mul3A_5, %parallel_loop3A_230 : vector<16xi32>
          %parallel_loop3A_232 = tpu.vector_load_idx %arg17[%parallel_loop3A_231] : memref<1280xf32, #tpu.memory_space<vmem>>[vector<16xi32>], vector<16xf32>,
          %parallel_loop3A_233 = arith.addf %parallel_loop3A_225, %parallel_loop3A_232 : vector<16xf32>
          %parallel_loop3A_234 = arith.constant 256 : i32
          %parallel_loop3A_235 = arith.muli %parallel_loop3A_172, %parallel_loop3A_234 : i32
          %parallel_loop3A_236 = arith.constant 8 : i32
          %parallel_loop3A_237 = arith.addi %parallel_loop3A_235, %parallel_loop3A_236 : i32
          %parallel_loop3A_238 = vector.broadcast %parallel_loop3A_237 : i32 to vector<16xi32>
          %parallel_loop3A_239 = arith.addi %mul3A_5, %parallel_loop3A_238 : vector<16xi32>
          %parallel_loop3A_240 = tpu.vector_load_idx %arg17[%parallel_loop3A_239] : memref<1280xf32, #tpu.memory_space<vmem>>[vector<16xi32>], vector<16xf32>,
          %parallel_loop3A_241 = arith.addf %parallel_loop3A_233, %parallel_loop3A_240 : vector<16xf32>
          %parallel_loop3A_242 = arith.constant 256 : i32
          %parallel_loop3A_243 = arith.muli %parallel_loop3A_172, %parallel_loop3A_242 : i32
          %parallel_loop3A_244 = arith.constant 9 : i32
          %parallel_loop3A_245 = arith.addi %parallel_loop3A_243, %parallel_loop3A_244 : i32
          %parallel_loop3A_246 = vector.broadcast %parallel_loop3A_245 : i32 to vector<16xi32>
          %parallel_loop3A_247 = arith.addi %mul3A_5, %parallel_loop3A_246 : vector<16xi32>
          %parallel_loop3A_248 = tpu.vector_load_idx %arg17[%parallel_loop3A_247] : memref<1280xf32, #tpu.memory_space<vmem>>[vector<16xi32>], vector<16xf32>,
          %parallel_loop3A_249 = arith.addf %parallel_loop3A_241, %parallel_loop3A_248 : vector<16xf32>
          %parallel_loop3A_250 = arith.constant 256 : i32
          %parallel_loop3A_251 = arith.muli %parallel_loop3A_172, %parallel_loop3A_250 : i32
          %parallel_loop3A_252 = arith.constant 10 : i32
          %parallel_loop3A_253 = arith.addi %parallel_loop3A_251, %parallel_loop3A_252 : i32
          %parallel_loop3A_254 = vector.broadcast %parallel_loop3A_253 : i32 to vector<16xi32>
          %parallel_loop3A_255 = arith.addi %mul3A_5, %parallel_loop3A_254 : vector<16xi32>
          %parallel_loop3A_256 = tpu.vector_load_idx %arg17[%parallel_loop3A_255] : memref<1280xf32, #tpu.memory_space<vmem>>[vector<16xi32>], vector<16xf32>,
          %parallel_loop3A_257 = arith.addf %parallel_loop3A_249, %parallel_loop3A_256 : vector<16xf32>
          %parallel_loop3A_258 = arith.constant 256 : i32
          %parallel_loop3A_259 = arith.muli %parallel_loop3A_172, %parallel_loop3A_258 : i32
          %parallel_loop3A_260 = arith.constant 11 : i32
          %parallel_loop3A_261 = arith.addi %parallel_loop3A_259, %parallel_loop3A_260 : i32
          %parallel_loop3A_262 = vector.broadcast %parallel_loop3A_261 : i32 to vector<16xi32>
          %parallel_loop3A_263 = arith.addi %mul3A_5, %parallel_loop3A_262 : vector<16xi32>
          %parallel_loop3A_264 = tpu.vector_load_idx %arg17[%parallel_loop3A_263] : memref<1280xf32, #tpu.memory_space<vmem>>[vector<16xi32>], vector<16xf32>,
          %parallel_loop3A_265 = arith.addf %parallel_loop3A_257, %parallel_loop3A_264 : vector<16xf32>
          %parallel_loop3A_266 = arith.constant 256 : i32
          %parallel_loop3A_267 = arith.muli %parallel_loop3A_172, %parallel_loop3A_266 : i32
          %parallel_loop3A_268 = arith.constant 12 : i32
          %parallel_loop3A_269 = arith.addi %parallel_loop3A_267, %parallel_loop3A_268 : i32
          %parallel_loop3A_270 = vector.broadcast %parallel_loop3A_269 : i32 to vector<16xi32>
          %parallel_loop3A_271 = arith.addi %mul3A_5, %parallel_loop3A_270 : vector<16xi32>
          %parallel_loop3A_272 = tpu.vector_load_idx %arg17[%parallel_loop3A_271] : memref<1280xf32, #tpu.memory_space<vmem>>[vector<16xi32>], vector<16xf32>,
          %parallel_loop3A_273 = arith.addf %parallel_loop3A_265, %parallel_loop3A_272 : vector<16xf32>
          %parallel_loop3A_274 = arith.constant 256 : i32
          %parallel_loop3A_275 = arith.muli %parallel_loop3A_172, %parallel_loop3A_274 : i32
          %parallel_loop3A_276 = arith.constant 13 : i32
          %parallel_loop3A_277 = arith.addi %parallel_loop3A_275, %parallel_loop3A_276 : i32
          %parallel_loop3A_278 = vector.broadcast %parallel_loop3A_277 : i32 to vector<16xi32>
          %parallel_loop3A_279 = arith.addi %mul3A_5, %parallel_loop3A_278 : vector<16xi32>
          %parallel_loop3A_280 = tpu.vector_load_idx %arg17[%parallel_loop3A_279] : memref<1280xf32, #tpu.memory_space<vmem>>[vector<16xi32>], vector<16xf32>,
          %parallel_loop3A_281 = arith.addf %parallel_loop3A_273, %parallel_loop3A_280 : vector<16xf32>
          %parallel_loop3A_282 = arith.constant 256 : i32
          %parallel_loop3A_283 = arith.muli %parallel_loop3A_172, %parallel_loop3A_282 : i32
          %parallel_loop3A_284 = arith.constant 14 : i32
          %parallel_loop3A_285 = arith.addi %parallel_loop3A_283, %parallel_loop3A_284 : i32
          %parallel_loop3A_286 = vector.broadcast %parallel_loop3A_285 : i32 to vector<16xi32>
          %parallel_loop3A_287 = arith.addi %mul3A_5, %parallel_loop3A_286 : vector<16xi32>
          %parallel_loop3A_288 = tpu.vector_load_idx %arg17[%parallel_loop3A_287] : memref<1280xf32, #tpu.memory_space<vmem>>[vector<16xi32>], vector<16xf32>,
          %parallel_loop3A_289 = arith.addf %parallel_loop3A_281, %parallel_loop3A_288 : vector<16xf32>
          %parallel_loop3A_290 = arith.constant 256 : i32
          %parallel_loop3A_291 = arith.muli %parallel_loop3A_172, %parallel_loop3A_290 : i32
          %parallel_loop3A_292 = arith.constant 15 : i32
          %parallel_loop3A_293 = arith.addi %parallel_loop3A_291, %parallel_loop3A_292 : i32
          %parallel_loop3A_294 = vector.broadcast %parallel_loop3A_293 : i32 to vector<16xi32>
          %parallel_loop3A_295 = arith.addi %mul3A_5, %parallel_loop3A_294 : vector<16xi32>
          %parallel_loop3A_296 = tpu.vector_load_idx %arg17[%parallel_loop3A_295] : memref<1280xf32, #tpu.memory_space<vmem>>[vector<16xi32>], vector<16xf32>,
          %parallel_loop3A_297 = arith.addf %parallel_loop3A_289, %parallel_loop3A_296 : vector<16xf32>
          %parallel_loop3A_298 = arith.constant 80 : i32
          %parallel_loop3A_299 = arith.muli %add3A_116, %parallel_loop3A_298 : i32
          %parallel_loop3A_300 = arith.constant 16 : i32
          %parallel_loop3A_301 = arith.muli %parallel_loop3A_172, %parallel_loop3A_300 : i32
          %parallel_loop3A_302 = arith.addi %parallel_loop3A_299, %parallel_loop3A_301 : i32
          %parallel_loop3A_303 = arith.index_cast %parallel_loop3A_302 : i32 to index
          %parallel_loop3A_304 = tpu.vector_load %arg18[%parallel_loop3A_303] {strides = array<i32>} : memref<10000xf32, #tpu.memory_space<vmem>>, vector<16xf32>,
          tpu.vector_store %arg18[%parallel_loop3A_303], %parallel_loop3A_297 {strides = array<i32>} : memref<10000xf32, #tpu.memory_space<vmem>>, vector<16xf32>,
        } {sc.loop_unroll_factor = 1 : i64, sc.parallel_access}
      } else {
      }
      %add3A_129 = arith.constant 3 : i32
      %add3A_130 = arith.addi %add3A_89, %add3A_129 : i32
      %add3A_131 = arith.constant 4 : i32
      %add3A_132 = arith.addi %add3A_130, %add3A_131 : i32
      %le3A_133 = arith.constant 124 : i32
      %le3A_134 = arith.cmpi sle, %add3A_132, %le3A_133 : i32
      %convert_element_type3A_135 = arith.extui %le3A_134 : i1 to i32
      %cond3A_136 = arith.constant 0 : i32
      %cond3A_137 = arith.cmpi ne, %convert_element_type3A_135, %cond3A_136 : i32
      scf.if %cond3A_137 {
        %mul3A_157 = arith.constant 80 : i32
        %mul3A_158 = arith.muli %add3A_132, %mul3A_157 : i32
        %dma_start3A_159 = tpu.memref_slice %arg5[%mul3A_158] : memref<10000xi32, #tpu.memory_space<vmem>> -> memref<80xi32, #tpu.memory_space<vmem>>
        %dma_start3A_160 = arith.constant 0 : i32
        %dma_start3A_161 = arith.constant 0 : i32
        %dma_start3A_162 = tpu.memref_slice %arg2[%dma_start3A_160, %dma_start3A_161] : memref<10000x64xi32, #tpu.memory_space<hbm>> -> memref<10000x64xi32, #tpu.memory_space<hbm>>
        tpu.enqueue_indirect_dma source(%dma_start3A_162 : memref<10000x64xi32, #tpu.memory_space<hbm>>) target(%arg9 : memref<80x64xi32, #tpu.memory_space<vmem>>) offsets(%dma_start3A_159 : memref<80xi32, #tpu.memory_space<vmem>>) semaphore(%arg21 : memref<!tpu.dma_semaphore, #tpu.memory_space<semaphore_mem>>)
        %dma_start3A_163 = tpu.memref_slice %arg6[%mul3A_158] : memref<10000xi32, #tpu.memory_space<vmem>> -> memref<80xi32, #tpu.memory_space<vmem>>
        %dma_start3A_164 = arith.constant 0 : i32
        %dma_start3A_165 = arith.constant 0 : i32
        %dma_start3A_166 = tpu.memref_slice %arg2[%dma_start3A_164, %dma_start3A_165] : memref<10000x64xi32, #tpu.memory_space<hbm>> -> memref<10000x64xi32, #tpu.memory_space<hbm>>
        tpu.enqueue_indirect_dma source(%dma_start3A_166 : memref<10000x64xi32, #tpu.memory_space<hbm>>) target(%arg14 : memref<80x64xi32, #tpu.memory_space<vmem>>) offsets(%dma_start3A_163 : memref<80xi32, #tpu.memory_space<vmem>>) semaphore(%arg21 : memref<!tpu.dma_semaphore, #tpu.memory_space<semaphore_mem>>)
      } else {
      }
      %le3A_138 = arith.constant 124 : i32
      %le3A_139 = arith.cmpi sle, %add3A_130, %le3A_138 : i32
      %convert_element_type3A_140 = arith.extui %le3A_139 : i1 to i32
      %cond3A_141 = arith.constant 0 : i32
      %cond3A_142 = arith.cmpi ne, %convert_element_type3A_140, %cond3A_141 : i32
      scf.if %cond3A_142 {
        %mul3A_157 = arith.constant 80 : i32
        %mul3A_158 = arith.muli %add3A_130, %mul3A_157 : i32
        %dma_wait3A_159 = tpu.memref_slice %arg5[%mul3A_158] : memref<10000xi32, #tpu.memory_space<vmem>> -> memref<80xi32, #tpu.memory_space<vmem>>
        %dma_wait3A_160 = arith.constant 0 : i32
        %dma_wait3A_161 = arith.constant 0 : i32
        %dma_wait3A_162 = tpu.memref_slice %arg2[%dma_wait3A_160, %dma_wait3A_161] : memref<10000x64xi32, #tpu.memory_space<hbm>> -> memref<10000x64xi32, #tpu.memory_space<hbm>>
        tpu.wait_indirect_dma semaphore(%arg22 : memref<!tpu.dma_semaphore, #tpu.memory_space<semaphore_mem>>) src(%dma_wait3A_162 : memref<10000x64xi32, #tpu.memory_space<hbm>>) dst(%arg10 : memref<80x64xi32, #tpu.memory_space<vmem>>)
        %dma_wait3A_163 = tpu.memref_slice %arg6[%mul3A_158] : memref<10000xi32, #tpu.memory_space<vmem>> -> memref<80xi32, #tpu.memory_space<vmem>>
        %dma_wait3A_164 = arith.constant 0 : i32
        %dma_wait3A_165 = arith.constant 0 : i32
        %dma_wait3A_166 = tpu.memref_slice %arg2[%dma_wait3A_164, %dma_wait3A_165] : memref<10000x64xi32, #tpu.memory_space<hbm>> -> memref<10000x64xi32, #tpu.memory_space<hbm>>
        tpu.wait_indirect_dma semaphore(%arg22 : memref<!tpu.dma_semaphore, #tpu.memory_space<semaphore_mem>>) src(%dma_wait3A_166 : memref<10000x64xi32, #tpu.memory_space<hbm>>) dst(%arg15 : memref<80x64xi32, #tpu.memory_space<vmem>>)
        %parallel_loop3A = arith.constant 0 : i32
        %parallel_loop3A_167 = arith.constant 80 : i32
        %parallel_loop3A_168 = arith.constant 1 : i32
        scf.for %parallel_loop3A_172 = %parallel_loop3A to %parallel_loop3A_167 step %parallel_loop3A_168  : i32 {
          %parallel_loop3A_173 = arith.index_cast %parallel_loop3A_172 : i32 to index
          %parallel_loop3A_174 = arith.constant 0 : index
          %parallel_loop3A_175 = tpu.vector_load %arg10[%parallel_loop3A_173, %parallel_loop3A_174] {strides = array<i32>} : memref<80x64xi32, #tpu.memory_space<vmem>>, vector<16xi32>,
          %parallel_loop3A_176 = vector.bitcast %parallel_loop3A_175 : vector<16xi32> to vector<32xbf16>
          %parallel_loop3A_177 = arith.index_cast %parallel_loop3A_172 : i32 to index
          %parallel_loop3A_178 = arith.constant 0 : index
          %parallel_loop3A_179 = tpu.vector_load %arg15[%parallel_loop3A_177, %parallel_loop3A_178] {strides = array<i32>} : memref<80x64xi32, #tpu.memory_space<vmem>>, vector<16xi32>,
          %parallel_loop3A_180 = vector.bitcast %parallel_loop3A_179 : vector<16xi32> to vector<32xbf16>
          %parallel_loop3A_181 = arith.mulf %parallel_loop3A_176, %parallel_loop3A_180 : vector<32xbf16>
          %parallel_loop3A_182 = tpu.unpack_subelements %parallel_loop3A_181, 0 {pack_format = #tpu.pack_format<interleaved>} : vector<32xbf16> -> vector<16xf32>
          %parallel_loop3A_183 = tpu.unpack_subelements %parallel_loop3A_181, 1 {pack_format = #tpu.pack_format<interleaved>} : vector<32xbf16> -> vector<16xf32>
          %parallel_loop3A_184 = arith.addf %parallel_loop3A_182, %parallel_loop3A_183 : vector<16xf32>
          %parallel_loop3A_185 = arith.index_cast %parallel_loop3A_172 : i32 to index
          %parallel_loop3A_186 = arith.constant 16 : index
          %parallel_loop3A_187 = tpu.vector_load %arg10[%parallel_loop3A_185, %parallel_loop3A_186] {strides = array<i32>} : memref<80x64xi32, #tpu.memory_space<vmem>>, vector<16xi32>,
          %parallel_loop3A_188 = vector.bitcast %parallel_loop3A_187 : vector<16xi32> to vector<32xbf16>
          %parallel_loop3A_189 = arith.index_cast %parallel_loop3A_172 : i32 to index
          %parallel_loop3A_190 = arith.constant 16 : index
          %parallel_loop3A_191 = tpu.vector_load %arg15[%parallel_loop3A_189, %parallel_loop3A_190] {strides = array<i32>} : memref<80x64xi32, #tpu.memory_space<vmem>>, vector<16xi32>,
          %parallel_loop3A_192 = vector.bitcast %parallel_loop3A_191 : vector<16xi32> to vector<32xbf16>
          %parallel_loop3A_193 = arith.mulf %parallel_loop3A_188, %parallel_loop3A_192 : vector<32xbf16>
          %parallel_loop3A_194 = tpu.unpack_subelements %parallel_loop3A_193, 0 {pack_format = #tpu.pack_format<interleaved>} : vector<32xbf16> -> vector<16xf32>
          %parallel_loop3A_195 = tpu.unpack_subelements %parallel_loop3A_193, 1 {pack_format = #tpu.pack_format<interleaved>} : vector<32xbf16> -> vector<16xf32>
          %parallel_loop3A_196 = arith.addf %parallel_loop3A_194, %parallel_loop3A_195 : vector<16xf32>
          %parallel_loop3A_197 = arith.addf %parallel_loop3A_184, %parallel_loop3A_196 : vector<16xf32>
          %parallel_loop3A_198 = arith.index_cast %parallel_loop3A_172 : i32 to index
          %parallel_loop3A_199 = arith.constant 32 : index
          %parallel_loop3A_200 = tpu.vector_load %arg10[%parallel_loop3A_198, %parallel_loop3A_199] {strides = array<i32>} : memref<80x64xi32, #tpu.memory_space<vmem>>, vector<16xi32>,
          %parallel_loop3A_201 = vector.bitcast %parallel_loop3A_200 : vector<16xi32> to vector<32xbf16>
          %parallel_loop3A_202 = arith.index_cast %parallel_loop3A_172 : i32 to index
          %parallel_loop3A_203 = arith.constant 32 : index
          %parallel_loop3A_204 = tpu.vector_load %arg15[%parallel_loop3A_202, %parallel_loop3A_203] {strides = array<i32>} : memref<80x64xi32, #tpu.memory_space<vmem>>, vector<16xi32>,
          %parallel_loop3A_205 = vector.bitcast %parallel_loop3A_204 : vector<16xi32> to vector<32xbf16>
          %parallel_loop3A_206 = arith.mulf %parallel_loop3A_201, %parallel_loop3A_205 : vector<32xbf16>
          %parallel_loop3A_207 = tpu.unpack_subelements %parallel_loop3A_206, 0 {pack_format = #tpu.pack_format<interleaved>} : vector<32xbf16> -> vector<16xf32>
          %parallel_loop3A_208 = tpu.unpack_subelements %parallel_loop3A_206, 1 {pack_format = #tpu.pack_format<interleaved>} : vector<32xbf16> -> vector<16xf32>
          %parallel_loop3A_209 = arith.addf %parallel_loop3A_207, %parallel_loop3A_208 : vector<16xf32>
          %parallel_loop3A_210 = arith.addf %parallel_loop3A_197, %parallel_loop3A_209 : vector<16xf32>
          %parallel_loop3A_211 = arith.index_cast %parallel_loop3A_172 : i32 to index
          %parallel_loop3A_212 = arith.constant 48 : index
          %parallel_loop3A_213 = tpu.vector_load %arg10[%parallel_loop3A_211, %parallel_loop3A_212] {strides = array<i32>} : memref<80x64xi32, #tpu.memory_space<vmem>>, vector<16xi32>,
          %parallel_loop3A_214 = vector.bitcast %parallel_loop3A_213 : vector<16xi32> to vector<32xbf16>
          %parallel_loop3A_215 = arith.index_cast %parallel_loop3A_172 : i32 to index
          %parallel_loop3A_216 = arith.constant 48 : index
          %parallel_loop3A_217 = tpu.vector_load %arg15[%parallel_loop3A_215, %parallel_loop3A_216] {strides = array<i32>} : memref<80x64xi32, #tpu.memory_space<vmem>>, vector<16xi32>,
          %parallel_loop3A_218 = vector.bitcast %parallel_loop3A_217 : vector<16xi32> to vector<32xbf16>
          %parallel_loop3A_219 = arith.mulf %parallel_loop3A_214, %parallel_loop3A_218 : vector<32xbf16>
          %parallel_loop3A_220 = tpu.unpack_subelements %parallel_loop3A_219, 0 {pack_format = #tpu.pack_format<interleaved>} : vector<32xbf16> -> vector<16xf32>
          %parallel_loop3A_221 = tpu.unpack_subelements %parallel_loop3A_219, 1 {pack_format = #tpu.pack_format<interleaved>} : vector<32xbf16> -> vector<16xf32>
          %parallel_loop3A_222 = arith.addf %parallel_loop3A_220, %parallel_loop3A_221 : vector<16xf32>
          %parallel_loop3A_223 = arith.addf %parallel_loop3A_210, %parallel_loop3A_222 : vector<16xf32>
          %parallel_loop3A_224 = arith.constant 16 : i32
          %parallel_loop3A_225 = arith.muli %parallel_loop3A_172, %parallel_loop3A_224 : i32
          %parallel_loop3A_226 = arith.index_cast %parallel_loop3A_225 : i32 to index
          %parallel_loop3A_227 = tpu.vector_load %arg17[%parallel_loop3A_226] {strides = array<i32>} : memref<1280xf32, #tpu.memory_space<vmem>>, vector<16xf32>,
          tpu.vector_store %arg17[%parallel_loop3A_226], %parallel_loop3A_223 {strides = array<i32>} : memref<1280xf32, #tpu.memory_space<vmem>>, vector<16xf32>,
        } {sc.loop_unroll_factor = 2 : i64, sc.parallel_access}
        %parallel_loop3A_169 = arith.constant 0 : i32
        %parallel_loop3A_170 = arith.constant 5 : i32
        %parallel_loop3A_171 = arith.constant 1 : i32
        scf.for %parallel_loop3A_172 = %parallel_loop3A_169 to %parallel_loop3A_170 step %parallel_loop3A_171  : i32 {
          %parallel_loop3A_173 = arith.constant 256 : i32
          %parallel_loop3A_174 = arith.muli %parallel_loop3A_172, %parallel_loop3A_173 : i32
          %parallel_loop3A_175 = vector.broadcast %parallel_loop3A_174 : i32 to vector<16xi32>
          %parallel_loop3A_176 = arith.addi %mul3A_5, %parallel_loop3A_175 : vector<16xi32>
          %parallel_loop3A_177 = tpu.vector_load_idx %arg17[%parallel_loop3A_176] : memref<1280xf32, #tpu.memory_space<vmem>>[vector<16xi32>], vector<16xf32>,
          %parallel_loop3A_178 = arith.constant 256 : i32
          %parallel_loop3A_179 = arith.muli %parallel_loop3A_172, %parallel_loop3A_178 : i32
          %parallel_loop3A_180 = arith.constant 1 : i32
          %parallel_loop3A_181 = arith.addi %parallel_loop3A_179, %parallel_loop3A_180 : i32
          %parallel_loop3A_182 = vector.broadcast %parallel_loop3A_181 : i32 to vector<16xi32>
          %parallel_loop3A_183 = arith.addi %mul3A_5, %parallel_loop3A_182 : vector<16xi32>
          %parallel_loop3A_184 = tpu.vector_load_idx %arg17[%parallel_loop3A_183] : memref<1280xf32, #tpu.memory_space<vmem>>[vector<16xi32>], vector<16xf32>,
          %parallel_loop3A_185 = arith.addf %parallel_loop3A_177, %parallel_loop3A_184 : vector<16xf32>
          %parallel_loop3A_186 = arith.constant 256 : i32
          %parallel_loop3A_187 = arith.muli %parallel_loop3A_172, %parallel_loop3A_186 : i32
          %parallel_loop3A_188 = arith.constant 2 : i32
          %parallel_loop3A_189 = arith.addi %parallel_loop3A_187, %parallel_loop3A_188 : i32
          %parallel_loop3A_190 = vector.broadcast %parallel_loop3A_189 : i32 to vector<16xi32>
          %parallel_loop3A_191 = arith.addi %mul3A_5, %parallel_loop3A_190 : vector<16xi32>
          %parallel_loop3A_192 = tpu.vector_load_idx %arg17[%parallel_loop3A_191] : memref<1280xf32, #tpu.memory_space<vmem>>[vector<16xi32>], vector<16xf32>,
          %parallel_loop3A_193 = arith.addf %parallel_loop3A_185, %parallel_loop3A_192 : vector<16xf32>
          %parallel_loop3A_194 = arith.constant 256 : i32
          %parallel_loop3A_195 = arith.muli %parallel_loop3A_172, %parallel_loop3A_194 : i32
          %parallel_loop3A_196 = arith.constant 3 : i32
          %parallel_loop3A_197 = arith.addi %parallel_loop3A_195, %parallel_loop3A_196 : i32
          %parallel_loop3A_198 = vector.broadcast %parallel_loop3A_197 : i32 to vector<16xi32>
          %parallel_loop3A_199 = arith.addi %mul3A_5, %parallel_loop3A_198 : vector<16xi32>
          %parallel_loop3A_200 = tpu.vector_load_idx %arg17[%parallel_loop3A_199] : memref<1280xf32, #tpu.memory_space<vmem>>[vector<16xi32>], vector<16xf32>,
          %parallel_loop3A_201 = arith.addf %parallel_loop3A_193, %parallel_loop3A_200 : vector<16xf32>
          %parallel_loop3A_202 = arith.constant 256 : i32
          %parallel_loop3A_203 = arith.muli %parallel_loop3A_172, %parallel_loop3A_202 : i32
          %parallel_loop3A_204 = arith.constant 4 : i32
          %parallel_loop3A_205 = arith.addi %parallel_loop3A_203, %parallel_loop3A_204 : i32
          %parallel_loop3A_206 = vector.broadcast %parallel_loop3A_205 : i32 to vector<16xi32>
          %parallel_loop3A_207 = arith.addi %mul3A_5, %parallel_loop3A_206 : vector<16xi32>
          %parallel_loop3A_208 = tpu.vector_load_idx %arg17[%parallel_loop3A_207] : memref<1280xf32, #tpu.memory_space<vmem>>[vector<16xi32>], vector<16xf32>,
          %parallel_loop3A_209 = arith.addf %parallel_loop3A_201, %parallel_loop3A_208 : vector<16xf32>
          %parallel_loop3A_210 = arith.constant 256 : i32
          %parallel_loop3A_211 = arith.muli %parallel_loop3A_172, %parallel_loop3A_210 : i32
          %parallel_loop3A_212 = arith.constant 5 : i32
          %parallel_loop3A_213 = arith.addi %parallel_loop3A_211, %parallel_loop3A_212 : i32
          %parallel_loop3A_214 = vector.broadcast %parallel_loop3A_213 : i32 to vector<16xi32>
          %parallel_loop3A_215 = arith.addi %mul3A_5, %parallel_loop3A_214 : vector<16xi32>
          %parallel_loop3A_216 = tpu.vector_load_idx %arg17[%parallel_loop3A_215] : memref<1280xf32, #tpu.memory_space<vmem>>[vector<16xi32>], vector<16xf32>,
          %parallel_loop3A_217 = arith.addf %parallel_loop3A_209, %parallel_loop3A_216 : vector<16xf32>
          %parallel_loop3A_218 = arith.constant 256 : i32
          %parallel_loop3A_219 = arith.muli %parallel_loop3A_172, %parallel_loop3A_218 : i32
          %parallel_loop3A_220 = arith.constant 6 : i32
          %parallel_loop3A_221 = arith.addi %parallel_loop3A_219, %parallel_loop3A_220 : i32
          %parallel_loop3A_222 = vector.broadcast %parallel_loop3A_221 : i32 to vector<16xi32>
          %parallel_loop3A_223 = arith.addi %mul3A_5, %parallel_loop3A_222 : vector<16xi32>
          %parallel_loop3A_224 = tpu.vector_load_idx %arg17[%parallel_loop3A_223] : memref<1280xf32, #tpu.memory_space<vmem>>[vector<16xi32>], vector<16xf32>,
          %parallel_loop3A_225 = arith.addf %parallel_loop3A_217, %parallel_loop3A_224 : vector<16xf32>
          %parallel_loop3A_226 = arith.constant 256 : i32
          %parallel_loop3A_227 = arith.muli %parallel_loop3A_172, %parallel_loop3A_226 : i32
          %parallel_loop3A_228 = arith.constant 7 : i32
          %parallel_loop3A_229 = arith.addi %parallel_loop3A_227, %parallel_loop3A_228 : i32
          %parallel_loop3A_230 = vector.broadcast %parallel_loop3A_229 : i32 to vector<16xi32>
          %parallel_loop3A_231 = arith.addi %mul3A_5, %parallel_loop3A_230 : vector<16xi32>
          %parallel_loop3A_232 = tpu.vector_load_idx %arg17[%parallel_loop3A_231] : memref<1280xf32, #tpu.memory_space<vmem>>[vector<16xi32>], vector<16xf32>,
          %parallel_loop3A_233 = arith.addf %parallel_loop3A_225, %parallel_loop3A_232 : vector<16xf32>
          %parallel_loop3A_234 = arith.constant 256 : i32
          %parallel_loop3A_235 = arith.muli %parallel_loop3A_172, %parallel_loop3A_234 : i32
          %parallel_loop3A_236 = arith.constant 8 : i32
          %parallel_loop3A_237 = arith.addi %parallel_loop3A_235, %parallel_loop3A_236 : i32
          %parallel_loop3A_238 = vector.broadcast %parallel_loop3A_237 : i32 to vector<16xi32>
          %parallel_loop3A_239 = arith.addi %mul3A_5, %parallel_loop3A_238 : vector<16xi32>
          %parallel_loop3A_240 = tpu.vector_load_idx %arg17[%parallel_loop3A_239] : memref<1280xf32, #tpu.memory_space<vmem>>[vector<16xi32>], vector<16xf32>,
          %parallel_loop3A_241 = arith.addf %parallel_loop3A_233, %parallel_loop3A_240 : vector<16xf32>
          %parallel_loop3A_242 = arith.constant 256 : i32
          %parallel_loop3A_243 = arith.muli %parallel_loop3A_172, %parallel_loop3A_242 : i32
          %parallel_loop3A_244 = arith.constant 9 : i32
          %parallel_loop3A_245 = arith.addi %parallel_loop3A_243, %parallel_loop3A_244 : i32
          %parallel_loop3A_246 = vector.broadcast %parallel_loop3A_245 : i32 to vector<16xi32>
          %parallel_loop3A_247 = arith.addi %mul3A_5, %parallel_loop3A_246 : vector<16xi32>
          %parallel_loop3A_248 = tpu.vector_load_idx %arg17[%parallel_loop3A_247] : memref<1280xf32, #tpu.memory_space<vmem>>[vector<16xi32>], vector<16xf32>,
          %parallel_loop3A_249 = arith.addf %parallel_loop3A_241, %parallel_loop3A_248 : vector<16xf32>
          %parallel_loop3A_250 = arith.constant 256 : i32
          %parallel_loop3A_251 = arith.muli %parallel_loop3A_172, %parallel_loop3A_250 : i32
          %parallel_loop3A_252 = arith.constant 10 : i32
          %parallel_loop3A_253 = arith.addi %parallel_loop3A_251, %parallel_loop3A_252 : i32
          %parallel_loop3A_254 = vector.broadcast %parallel_loop3A_253 : i32 to vector<16xi32>
          %parallel_loop3A_255 = arith.addi %mul3A_5, %parallel_loop3A_254 : vector<16xi32>
          %parallel_loop3A_256 = tpu.vector_load_idx %arg17[%parallel_loop3A_255] : memref<1280xf32, #tpu.memory_space<vmem>>[vector<16xi32>], vector<16xf32>,
          %parallel_loop3A_257 = arith.addf %parallel_loop3A_249, %parallel_loop3A_256 : vector<16xf32>
          %parallel_loop3A_258 = arith.constant 256 : i32
          %parallel_loop3A_259 = arith.muli %parallel_loop3A_172, %parallel_loop3A_258 : i32
          %parallel_loop3A_260 = arith.constant 11 : i32
          %parallel_loop3A_261 = arith.addi %parallel_loop3A_259, %parallel_loop3A_260 : i32
          %parallel_loop3A_262 = vector.broadcast %parallel_loop3A_261 : i32 to vector<16xi32>
          %parallel_loop3A_263 = arith.addi %mul3A_5, %parallel_loop3A_262 : vector<16xi32>
          %parallel_loop3A_264 = tpu.vector_load_idx %arg17[%parallel_loop3A_263] : memref<1280xf32, #tpu.memory_space<vmem>>[vector<16xi32>], vector<16xf32>,
          %parallel_loop3A_265 = arith.addf %parallel_loop3A_257, %parallel_loop3A_264 : vector<16xf32>
          %parallel_loop3A_266 = arith.constant 256 : i32
          %parallel_loop3A_267 = arith.muli %parallel_loop3A_172, %parallel_loop3A_266 : i32
          %parallel_loop3A_268 = arith.constant 12 : i32
          %parallel_loop3A_269 = arith.addi %parallel_loop3A_267, %parallel_loop3A_268 : i32
          %parallel_loop3A_270 = vector.broadcast %parallel_loop3A_269 : i32 to vector<16xi32>
          %parallel_loop3A_271 = arith.addi %mul3A_5, %parallel_loop3A_270 : vector<16xi32>
          %parallel_loop3A_272 = tpu.vector_load_idx %arg17[%parallel_loop3A_271] : memref<1280xf32, #tpu.memory_space<vmem>>[vector<16xi32>], vector<16xf32>,
          %parallel_loop3A_273 = arith.addf %parallel_loop3A_265, %parallel_loop3A_272 : vector<16xf32>
          %parallel_loop3A_274 = arith.constant 256 : i32
          %parallel_loop3A_275 = arith.muli %parallel_loop3A_172, %parallel_loop3A_274 : i32
          %parallel_loop3A_276 = arith.constant 13 : i32
          %parallel_loop3A_277 = arith.addi %parallel_loop3A_275, %parallel_loop3A_276 : i32
          %parallel_loop3A_278 = vector.broadcast %parallel_loop3A_277 : i32 to vector<16xi32>
          %parallel_loop3A_279 = arith.addi %mul3A_5, %parallel_loop3A_278 : vector<16xi32>
          %parallel_loop3A_280 = tpu.vector_load_idx %arg17[%parallel_loop3A_279] : memref<1280xf32, #tpu.memory_space<vmem>>[vector<16xi32>], vector<16xf32>,
          %parallel_loop3A_281 = arith.addf %parallel_loop3A_273, %parallel_loop3A_280 : vector<16xf32>
          %parallel_loop3A_282 = arith.constant 256 : i32
          %parallel_loop3A_283 = arith.muli %parallel_loop3A_172, %parallel_loop3A_282 : i32
          %parallel_loop3A_284 = arith.constant 14 : i32
          %parallel_loop3A_285 = arith.addi %parallel_loop3A_283, %parallel_loop3A_284 : i32
          %parallel_loop3A_286 = vector.broadcast %parallel_loop3A_285 : i32 to vector<16xi32>
          %parallel_loop3A_287 = arith.addi %mul3A_5, %parallel_loop3A_286 : vector<16xi32>
          %parallel_loop3A_288 = tpu.vector_load_idx %arg17[%parallel_loop3A_287] : memref<1280xf32, #tpu.memory_space<vmem>>[vector<16xi32>], vector<16xf32>,
          %parallel_loop3A_289 = arith.addf %parallel_loop3A_281, %parallel_loop3A_288 : vector<16xf32>
          %parallel_loop3A_290 = arith.constant 256 : i32
          %parallel_loop3A_291 = arith.muli %parallel_loop3A_172, %parallel_loop3A_290 : i32
          %parallel_loop3A_292 = arith.constant 15 : i32
          %parallel_loop3A_293 = arith.addi %parallel_loop3A_291, %parallel_loop3A_292 : i32
          %parallel_loop3A_294 = vector.broadcast %parallel_loop3A_293 : i32 to vector<16xi32>
          %parallel_loop3A_295 = arith.addi %mul3A_5, %parallel_loop3A_294 : vector<16xi32>
          %parallel_loop3A_296 = tpu.vector_load_idx %arg17[%parallel_loop3A_295] : memref<1280xf32, #tpu.memory_space<vmem>>[vector<16xi32>], vector<16xf32>,
          %parallel_loop3A_297 = arith.addf %parallel_loop3A_289, %parallel_loop3A_296 : vector<16xf32>
          %parallel_loop3A_298 = arith.constant 80 : i32
          %parallel_loop3A_299 = arith.muli %add3A_130, %parallel_loop3A_298 : i32
          %parallel_loop3A_300 = arith.constant 16 : i32
          %parallel_loop3A_301 = arith.muli %parallel_loop3A_172, %parallel_loop3A_300 : i32
          %parallel_loop3A_302 = arith.addi %parallel_loop3A_299, %parallel_loop3A_301 : i32
          %parallel_loop3A_303 = arith.index_cast %parallel_loop3A_302 : i32 to index
          %parallel_loop3A_304 = tpu.vector_load %arg18[%parallel_loop3A_303] {strides = array<i32>} : memref<10000xf32, #tpu.memory_space<vmem>>, vector<16xf32>,
          tpu.vector_store %arg18[%parallel_loop3A_303], %parallel_loop3A_297 {strides = array<i32>} : memref<10000xf32, #tpu.memory_space<vmem>>, vector<16xf32>,
        } {sc.loop_unroll_factor = 1 : i64, sc.parallel_access}
      } else {
      }
      %add3A_143 = arith.constant 4 : i32
      %add3A_144 = arith.addi %add3A_89, %add3A_143 : i32
      %add3A_145 = arith.constant 4 : i32
      %add3A_146 = arith.addi %add3A_144, %add3A_145 : i32
      %le3A_147 = arith.constant 124 : i32
      %le3A_148 = arith.cmpi sle, %add3A_146, %le3A_147 : i32
      %convert_element_type3A_149 = arith.extui %le3A_148 : i1 to i32
      %cond3A_150 = arith.constant 0 : i32
      %cond3A_151 = arith.cmpi ne, %convert_element_type3A_149, %cond3A_150 : i32
      scf.if %cond3A_151 {
        %mul3A_157 = arith.constant 80 : i32
        %mul3A_158 = arith.muli %add3A_146, %mul3A_157 : i32
        %dma_start3A_159 = tpu.memref_slice %arg5[%mul3A_158] : memref<10000xi32, #tpu.memory_space<vmem>> -> memref<80xi32, #tpu.memory_space<vmem>>
        %dma_start3A_160 = arith.constant 0 : i32
        %dma_start3A_161 = arith.constant 0 : i32
        %dma_start3A_162 = tpu.memref_slice %arg2[%dma_start3A_160, %dma_start3A_161] : memref<10000x64xi32, #tpu.memory_space<hbm>> -> memref<10000x64xi32, #tpu.memory_space<hbm>>
        tpu.enqueue_indirect_dma source(%dma_start3A_162 : memref<10000x64xi32, #tpu.memory_space<hbm>>) target(%arg10 : memref<80x64xi32, #tpu.memory_space<vmem>>) offsets(%dma_start3A_159 : memref<80xi32, #tpu.memory_space<vmem>>) semaphore(%arg22 : memref<!tpu.dma_semaphore, #tpu.memory_space<semaphore_mem>>)
        %dma_start3A_163 = tpu.memref_slice %arg6[%mul3A_158] : memref<10000xi32, #tpu.memory_space<vmem>> -> memref<80xi32, #tpu.memory_space<vmem>>
        %dma_start3A_164 = arith.constant 0 : i32
        %dma_start3A_165 = arith.constant 0 : i32
        %dma_start3A_166 = tpu.memref_slice %arg2[%dma_start3A_164, %dma_start3A_165] : memref<10000x64xi32, #tpu.memory_space<hbm>> -> memref<10000x64xi32, #tpu.memory_space<hbm>>
        tpu.enqueue_indirect_dma source(%dma_start3A_166 : memref<10000x64xi32, #tpu.memory_space<hbm>>) target(%arg15 : memref<80x64xi32, #tpu.memory_space<vmem>>) offsets(%dma_start3A_163 : memref<80xi32, #tpu.memory_space<vmem>>) semaphore(%arg22 : memref<!tpu.dma_semaphore, #tpu.memory_space<semaphore_mem>>)
      } else {
      }
      %le3A_152 = arith.constant 124 : i32
      %le3A_153 = arith.cmpi sle, %add3A_144, %le3A_152 : i32
      %convert_element_type3A_154 = arith.extui %le3A_153 : i1 to i32
      %cond3A_155 = arith.constant 0 : i32
      %cond3A_156 = arith.cmpi ne, %convert_element_type3A_154, %cond3A_155 : i32
      scf.if %cond3A_156 {
        %mul3A_157 = arith.constant 80 : i32
        %mul3A_158 = arith.muli %add3A_144, %mul3A_157 : i32
        %dma_wait3A_159 = tpu.memref_slice %arg5[%mul3A_158] : memref<10000xi32, #tpu.memory_space<vmem>> -> memref<80xi32, #tpu.memory_space<vmem>>
        %dma_wait3A_160 = arith.constant 0 : i32
        %dma_wait3A_161 = arith.constant 0 : i32
        %dma_wait3A_162 = tpu.memref_slice %arg2[%dma_wait3A_160, %dma_wait3A_161] : memref<10000x64xi32, #tpu.memory_space<hbm>> -> memref<10000x64xi32, #tpu.memory_space<hbm>>
        tpu.wait_indirect_dma semaphore(%arg23 : memref<!tpu.dma_semaphore, #tpu.memory_space<semaphore_mem>>) src(%dma_wait3A_162 : memref<10000x64xi32, #tpu.memory_space<hbm>>) dst(%arg11 : memref<80x64xi32, #tpu.memory_space<vmem>>)
        %dma_wait3A_163 = tpu.memref_slice %arg6[%mul3A_158] : memref<10000xi32, #tpu.memory_space<vmem>> -> memref<80xi32, #tpu.memory_space<vmem>>
        %dma_wait3A_164 = arith.constant 0 : i32
        %dma_wait3A_165 = arith.constant 0 : i32
        %dma_wait3A_166 = tpu.memref_slice %arg2[%dma_wait3A_164, %dma_wait3A_165] : memref<10000x64xi32, #tpu.memory_space<hbm>> -> memref<10000x64xi32, #tpu.memory_space<hbm>>
        tpu.wait_indirect_dma semaphore(%arg23 : memref<!tpu.dma_semaphore, #tpu.memory_space<semaphore_mem>>) src(%dma_wait3A_166 : memref<10000x64xi32, #tpu.memory_space<hbm>>) dst(%arg16 : memref<80x64xi32, #tpu.memory_space<vmem>>)
        %parallel_loop3A = arith.constant 0 : i32
        %parallel_loop3A_167 = arith.constant 80 : i32
        %parallel_loop3A_168 = arith.constant 1 : i32
        scf.for %parallel_loop3A_172 = %parallel_loop3A to %parallel_loop3A_167 step %parallel_loop3A_168  : i32 {
          %parallel_loop3A_173 = arith.index_cast %parallel_loop3A_172 : i32 to index
          %parallel_loop3A_174 = arith.constant 0 : index
          %parallel_loop3A_175 = tpu.vector_load %arg11[%parallel_loop3A_173, %parallel_loop3A_174] {strides = array<i32>} : memref<80x64xi32, #tpu.memory_space<vmem>>, vector<16xi32>,
          %parallel_loop3A_176 = vector.bitcast %parallel_loop3A_175 : vector<16xi32> to vector<32xbf16>
          %parallel_loop3A_177 = arith.index_cast %parallel_loop3A_172 : i32 to index
          %parallel_loop3A_178 = arith.constant 0 : index
          %parallel_loop3A_179 = tpu.vector_load %arg16[%parallel_loop3A_177, %parallel_loop3A_178] {strides = array<i32>} : memref<80x64xi32, #tpu.memory_space<vmem>>, vector<16xi32>,
          %parallel_loop3A_180 = vector.bitcast %parallel_loop3A_179 : vector<16xi32> to vector<32xbf16>
          %parallel_loop3A_181 = arith.mulf %parallel_loop3A_176, %parallel_loop3A_180 : vector<32xbf16>
          %parallel_loop3A_182 = tpu.unpack_subelements %parallel_loop3A_181, 0 {pack_format = #tpu.pack_format<interleaved>} : vector<32xbf16> -> vector<16xf32>
          %parallel_loop3A_183 = tpu.unpack_subelements %parallel_loop3A_181, 1 {pack_format = #tpu.pack_format<interleaved>} : vector<32xbf16> -> vector<16xf32>
          %parallel_loop3A_184 = arith.addf %parallel_loop3A_182, %parallel_loop3A_183 : vector<16xf32>
          %parallel_loop3A_185 = arith.index_cast %parallel_loop3A_172 : i32 to index
          %parallel_loop3A_186 = arith.constant 16 : index
          %parallel_loop3A_187 = tpu.vector_load %arg11[%parallel_loop3A_185, %parallel_loop3A_186] {strides = array<i32>} : memref<80x64xi32, #tpu.memory_space<vmem>>, vector<16xi32>,
          %parallel_loop3A_188 = vector.bitcast %parallel_loop3A_187 : vector<16xi32> to vector<32xbf16>
          %parallel_loop3A_189 = arith.index_cast %parallel_loop3A_172 : i32 to index
          %parallel_loop3A_190 = arith.constant 16 : index
          %parallel_loop3A_191 = tpu.vector_load %arg16[%parallel_loop3A_189, %parallel_loop3A_190] {strides = array<i32>} : memref<80x64xi32, #tpu.memory_space<vmem>>, vector<16xi32>,
          %parallel_loop3A_192 = vector.bitcast %parallel_loop3A_191 : vector<16xi32> to vector<32xbf16>
          %parallel_loop3A_193 = arith.mulf %parallel_loop3A_188, %parallel_loop3A_192 : vector<32xbf16>
          %parallel_loop3A_194 = tpu.unpack_subelements %parallel_loop3A_193, 0 {pack_format = #tpu.pack_format<interleaved>} : vector<32xbf16> -> vector<16xf32>
          %parallel_loop3A_195 = tpu.unpack_subelements %parallel_loop3A_193, 1 {pack_format = #tpu.pack_format<interleaved>} : vector<32xbf16> -> vector<16xf32>
          %parallel_loop3A_196 = arith.addf %parallel_loop3A_194, %parallel_loop3A_195 : vector<16xf32>
          %parallel_loop3A_197 = arith.addf %parallel_loop3A_184, %parallel_loop3A_196 : vector<16xf32>
          %parallel_loop3A_198 = arith.index_cast %parallel_loop3A_172 : i32 to index
          %parallel_loop3A_199 = arith.constant 32 : index
          %parallel_loop3A_200 = tpu.vector_load %arg11[%parallel_loop3A_198, %parallel_loop3A_199] {strides = array<i32>} : memref<80x64xi32, #tpu.memory_space<vmem>>, vector<16xi32>,
          %parallel_loop3A_201 = vector.bitcast %parallel_loop3A_200 : vector<16xi32> to vector<32xbf16>
          %parallel_loop3A_202 = arith.index_cast %parallel_loop3A_172 : i32 to index
          %parallel_loop3A_203 = arith.constant 32 : index
          %parallel_loop3A_204 = tpu.vector_load %arg16[%parallel_loop3A_202, %parallel_loop3A_203] {strides = array<i32>} : memref<80x64xi32, #tpu.memory_space<vmem>>, vector<16xi32>,
          %parallel_loop3A_205 = vector.bitcast %parallel_loop3A_204 : vector<16xi32> to vector<32xbf16>
          %parallel_loop3A_206 = arith.mulf %parallel_loop3A_201, %parallel_loop3A_205 : vector<32xbf16>
          %parallel_loop3A_207 = tpu.unpack_subelements %parallel_loop3A_206, 0 {pack_format = #tpu.pack_format<interleaved>} : vector<32xbf16> -> vector<16xf32>
          %parallel_loop3A_208 = tpu.unpack_subelements %parallel_loop3A_206, 1 {pack_format = #tpu.pack_format<interleaved>} : vector<32xbf16> -> vector<16xf32>
          %parallel_loop3A_209 = arith.addf %parallel_loop3A_207, %parallel_loop3A_208 : vector<16xf32>
          %parallel_loop3A_210 = arith.addf %parallel_loop3A_197, %parallel_loop3A_209 : vector<16xf32>
          %parallel_loop3A_211 = arith.index_cast %parallel_loop3A_172 : i32 to index
          %parallel_loop3A_212 = arith.constant 48 : index
          %parallel_loop3A_213 = tpu.vector_load %arg11[%parallel_loop3A_211, %parallel_loop3A_212] {strides = array<i32>} : memref<80x64xi32, #tpu.memory_space<vmem>>, vector<16xi32>,
          %parallel_loop3A_214 = vector.bitcast %parallel_loop3A_213 : vector<16xi32> to vector<32xbf16>
          %parallel_loop3A_215 = arith.index_cast %parallel_loop3A_172 : i32 to index
          %parallel_loop3A_216 = arith.constant 48 : index
          %parallel_loop3A_217 = tpu.vector_load %arg16[%parallel_loop3A_215, %parallel_loop3A_216] {strides = array<i32>} : memref<80x64xi32, #tpu.memory_space<vmem>>, vector<16xi32>,
          %parallel_loop3A_218 = vector.bitcast %parallel_loop3A_217 : vector<16xi32> to vector<32xbf16>
          %parallel_loop3A_219 = arith.mulf %parallel_loop3A_214, %parallel_loop3A_218 : vector<32xbf16>
          %parallel_loop3A_220 = tpu.unpack_subelements %parallel_loop3A_219, 0 {pack_format = #tpu.pack_format<interleaved>} : vector<32xbf16> -> vector<16xf32>
          %parallel_loop3A_221 = tpu.unpack_subelements %parallel_loop3A_219, 1 {pack_format = #tpu.pack_format<interleaved>} : vector<32xbf16> -> vector<16xf32>
          %parallel_loop3A_222 = arith.addf %parallel_loop3A_220, %parallel_loop3A_221 : vector<16xf32>
          %parallel_loop3A_223 = arith.addf %parallel_loop3A_210, %parallel_loop3A_222 : vector<16xf32>
          %parallel_loop3A_224 = arith.constant 16 : i32
          %parallel_loop3A_225 = arith.muli %parallel_loop3A_172, %parallel_loop3A_224 : i32
          %parallel_loop3A_226 = arith.index_cast %parallel_loop3A_225 : i32 to index
          %parallel_loop3A_227 = tpu.vector_load %arg17[%parallel_loop3A_226] {strides = array<i32>} : memref<1280xf32, #tpu.memory_space<vmem>>, vector<16xf32>,
          tpu.vector_store %arg17[%parallel_loop3A_226], %parallel_loop3A_223 {strides = array<i32>} : memref<1280xf32, #tpu.memory_space<vmem>>, vector<16xf32>,
        } {sc.loop_unroll_factor = 2 : i64, sc.parallel_access}
        %parallel_loop3A_169 = arith.constant 0 : i32
        %parallel_loop3A_170 = arith.constant 5 : i32
        %parallel_loop3A_171 = arith.constant 1 : i32
        scf.for %parallel_loop3A_172 = %parallel_loop3A_169 to %parallel_loop3A_170 step %parallel_loop3A_171  : i32 {
          %parallel_loop3A_173 = arith.constant 256 : i32
          %parallel_loop3A_174 = arith.muli %parallel_loop3A_172, %parallel_loop3A_173 : i32
          %parallel_loop3A_175 = vector.broadcast %parallel_loop3A_174 : i32 to vector<16xi32>
          %parallel_loop3A_176 = arith.addi %mul3A_5, %parallel_loop3A_175 : vector<16xi32>
          %parallel_loop3A_177 = tpu.vector_load_idx %arg17[%parallel_loop3A_176] : memref<1280xf32, #tpu.memory_space<vmem>>[vector<16xi32>], vector<16xf32>,
          %parallel_loop3A_178 = arith.constant 256 : i32
          %parallel_loop3A_179 = arith.muli %parallel_loop3A_172, %parallel_loop3A_178 : i32
          %parallel_loop3A_180 = arith.constant 1 : i32
          %parallel_loop3A_181 = arith.addi %parallel_loop3A_179, %parallel_loop3A_180 : i32
          %parallel_loop3A_182 = vector.broadcast %parallel_loop3A_181 : i32 to vector<16xi32>
          %parallel_loop3A_183 = arith.addi %mul3A_5, %parallel_loop3A_182 : vector<16xi32>
          %parallel_loop3A_184 = tpu.vector_load_idx %arg17[%parallel_loop3A_183] : memref<1280xf32, #tpu.memory_space<vmem>>[vector<16xi32>], vector<16xf32>,
          %parallel_loop3A_185 = arith.addf %parallel_loop3A_177, %parallel_loop3A_184 : vector<16xf32>
          %parallel_loop3A_186 = arith.constant 256 : i32
          %parallel_loop3A_187 = arith.muli %parallel_loop3A_172, %parallel_loop3A_186 : i32
          %parallel_loop3A_188 = arith.constant 2 : i32
          %parallel_loop3A_189 = arith.addi %parallel_loop3A_187, %parallel_loop3A_188 : i32
          %parallel_loop3A_190 = vector.broadcast %parallel_loop3A_189 : i32 to vector<16xi32>
          %parallel_loop3A_191 = arith.addi %mul3A_5, %parallel_loop3A_190 : vector<16xi32>
          %parallel_loop3A_192 = tpu.vector_load_idx %arg17[%parallel_loop3A_191] : memref<1280xf32, #tpu.memory_space<vmem>>[vector<16xi32>], vector<16xf32>,
          %parallel_loop3A_193 = arith.addf %parallel_loop3A_185, %parallel_loop3A_192 : vector<16xf32>
          %parallel_loop3A_194 = arith.constant 256 : i32
          %parallel_loop3A_195 = arith.muli %parallel_loop3A_172, %parallel_loop3A_194 : i32
          %parallel_loop3A_196 = arith.constant 3 : i32
          %parallel_loop3A_197 = arith.addi %parallel_loop3A_195, %parallel_loop3A_196 : i32
          %parallel_loop3A_198 = vector.broadcast %parallel_loop3A_197 : i32 to vector<16xi32>
          %parallel_loop3A_199 = arith.addi %mul3A_5, %parallel_loop3A_198 : vector<16xi32>
          %parallel_loop3A_200 = tpu.vector_load_idx %arg17[%parallel_loop3A_199] : memref<1280xf32, #tpu.memory_space<vmem>>[vector<16xi32>], vector<16xf32>,
          %parallel_loop3A_201 = arith.addf %parallel_loop3A_193, %parallel_loop3A_200 : vector<16xf32>
          %parallel_loop3A_202 = arith.constant 256 : i32
          %parallel_loop3A_203 = arith.muli %parallel_loop3A_172, %parallel_loop3A_202 : i32
          %parallel_loop3A_204 = arith.constant 4 : i32
          %parallel_loop3A_205 = arith.addi %parallel_loop3A_203, %parallel_loop3A_204 : i32
          %parallel_loop3A_206 = vector.broadcast %parallel_loop3A_205 : i32 to vector<16xi32>
          %parallel_loop3A_207 = arith.addi %mul3A_5, %parallel_loop3A_206 : vector<16xi32>
          %parallel_loop3A_208 = tpu.vector_load_idx %arg17[%parallel_loop3A_207] : memref<1280xf32, #tpu.memory_space<vmem>>[vector<16xi32>], vector<16xf32>,
          %parallel_loop3A_209 = arith.addf %parallel_loop3A_201, %parallel_loop3A_208 : vector<16xf32>
          %parallel_loop3A_210 = arith.constant 256 : i32
          %parallel_loop3A_211 = arith.muli %parallel_loop3A_172, %parallel_loop3A_210 : i32
          %parallel_loop3A_212 = arith.constant 5 : i32
          %parallel_loop3A_213 = arith.addi %parallel_loop3A_211, %parallel_loop3A_212 : i32
          %parallel_loop3A_214 = vector.broadcast %parallel_loop3A_213 : i32 to vector<16xi32>
          %parallel_loop3A_215 = arith.addi %mul3A_5, %parallel_loop3A_214 : vector<16xi32>
          %parallel_loop3A_216 = tpu.vector_load_idx %arg17[%parallel_loop3A_215] : memref<1280xf32, #tpu.memory_space<vmem>>[vector<16xi32>], vector<16xf32>,
          %parallel_loop3A_217 = arith.addf %parallel_loop3A_209, %parallel_loop3A_216 : vector<16xf32>
          %parallel_loop3A_218 = arith.constant 256 : i32
          %parallel_loop3A_219 = arith.muli %parallel_loop3A_172, %parallel_loop3A_218 : i32
          %parallel_loop3A_220 = arith.constant 6 : i32
          %parallel_loop3A_221 = arith.addi %parallel_loop3A_219, %parallel_loop3A_220 : i32
          %parallel_loop3A_222 = vector.broadcast %parallel_loop3A_221 : i32 to vector<16xi32>
          %parallel_loop3A_223 = arith.addi %mul3A_5, %parallel_loop3A_222 : vector<16xi32>
          %parallel_loop3A_224 = tpu.vector_load_idx %arg17[%parallel_loop3A_223] : memref<1280xf32, #tpu.memory_space<vmem>>[vector<16xi32>], vector<16xf32>,
          %parallel_loop3A_225 = arith.addf %parallel_loop3A_217, %parallel_loop3A_224 : vector<16xf32>
          %parallel_loop3A_226 = arith.constant 256 : i32
          %parallel_loop3A_227 = arith.muli %parallel_loop3A_172, %parallel_loop3A_226 : i32
          %parallel_loop3A_228 = arith.constant 7 : i32
          %parallel_loop3A_229 = arith.addi %parallel_loop3A_227, %parallel_loop3A_228 : i32
          %parallel_loop3A_230 = vector.broadcast %parallel_loop3A_229 : i32 to vector<16xi32>
          %parallel_loop3A_231 = arith.addi %mul3A_5, %parallel_loop3A_230 : vector<16xi32>
          %parallel_loop3A_232 = tpu.vector_load_idx %arg17[%parallel_loop3A_231] : memref<1280xf32, #tpu.memory_space<vmem>>[vector<16xi32>], vector<16xf32>,
          %parallel_loop3A_233 = arith.addf %parallel_loop3A_225, %parallel_loop3A_232 : vector<16xf32>
          %parallel_loop3A_234 = arith.constant 256 : i32
          %parallel_loop3A_235 = arith.muli %parallel_loop3A_172, %parallel_loop3A_234 : i32
          %parallel_loop3A_236 = arith.constant 8 : i32
          %parallel_loop3A_237 = arith.addi %parallel_loop3A_235, %parallel_loop3A_236 : i32
          %parallel_loop3A_238 = vector.broadcast %parallel_loop3A_237 : i32 to vector<16xi32>
          %parallel_loop3A_239 = arith.addi %mul3A_5, %parallel_loop3A_238 : vector<16xi32>
          %parallel_loop3A_240 = tpu.vector_load_idx %arg17[%parallel_loop3A_239] : memref<1280xf32, #tpu.memory_space<vmem>>[vector<16xi32>], vector<16xf32>,
          %parallel_loop3A_241 = arith.addf %parallel_loop3A_233, %parallel_loop3A_240 : vector<16xf32>
          %parallel_loop3A_242 = arith.constant 256 : i32
          %parallel_loop3A_243 = arith.muli %parallel_loop3A_172, %parallel_loop3A_242 : i32
          %parallel_loop3A_244 = arith.constant 9 : i32
          %parallel_loop3A_245 = arith.addi %parallel_loop3A_243, %parallel_loop3A_244 : i32
          %parallel_loop3A_246 = vector.broadcast %parallel_loop3A_245 : i32 to vector<16xi32>
          %parallel_loop3A_247 = arith.addi %mul3A_5, %parallel_loop3A_246 : vector<16xi32>
          %parallel_loop3A_248 = tpu.vector_load_idx %arg17[%parallel_loop3A_247] : memref<1280xf32, #tpu.memory_space<vmem>>[vector<16xi32>], vector<16xf32>,
          %parallel_loop3A_249 = arith.addf %parallel_loop3A_241, %parallel_loop3A_248 : vector<16xf32>
          %parallel_loop3A_250 = arith.constant 256 : i32
          %parallel_loop3A_251 = arith.muli %parallel_loop3A_172, %parallel_loop3A_250 : i32
          %parallel_loop3A_252 = arith.constant 10 : i32
          %parallel_loop3A_253 = arith.addi %parallel_loop3A_251, %parallel_loop3A_252 : i32
          %parallel_loop3A_254 = vector.broadcast %parallel_loop3A_253 : i32 to vector<16xi32>
          %parallel_loop3A_255 = arith.addi %mul3A_5, %parallel_loop3A_254 : vector<16xi32>
          %parallel_loop3A_256 = tpu.vector_load_idx %arg17[%parallel_loop3A_255] : memref<1280xf32, #tpu.memory_space<vmem>>[vector<16xi32>], vector<16xf32>,
          %parallel_loop3A_257 = arith.addf %parallel_loop3A_249, %parallel_loop3A_256 : vector<16xf32>
          %parallel_loop3A_258 = arith.constant 256 : i32
          %parallel_loop3A_259 = arith.muli %parallel_loop3A_172, %parallel_loop3A_258 : i32
          %parallel_loop3A_260 = arith.constant 11 : i32
          %parallel_loop3A_261 = arith.addi %parallel_loop3A_259, %parallel_loop3A_260 : i32
          %parallel_loop3A_262 = vector.broadcast %parallel_loop3A_261 : i32 to vector<16xi32>
          %parallel_loop3A_263 = arith.addi %mul3A_5, %parallel_loop3A_262 : vector<16xi32>
          %parallel_loop3A_264 = tpu.vector_load_idx %arg17[%parallel_loop3A_263] : memref<1280xf32, #tpu.memory_space<vmem>>[vector<16xi32>], vector<16xf32>,
          %parallel_loop3A_265 = arith.addf %parallel_loop3A_257, %parallel_loop3A_264 : vector<16xf32>
          %parallel_loop3A_266 = arith.constant 256 : i32
          %parallel_loop3A_267 = arith.muli %parallel_loop3A_172, %parallel_loop3A_266 : i32
          %parallel_loop3A_268 = arith.constant 12 : i32
          %parallel_loop3A_269 = arith.addi %parallel_loop3A_267, %parallel_loop3A_268 : i32
          %parallel_loop3A_270 = vector.broadcast %parallel_loop3A_269 : i32 to vector<16xi32>
          %parallel_loop3A_271 = arith.addi %mul3A_5, %parallel_loop3A_270 : vector<16xi32>
          %parallel_loop3A_272 = tpu.vector_load_idx %arg17[%parallel_loop3A_271] : memref<1280xf32, #tpu.memory_space<vmem>>[vector<16xi32>], vector<16xf32>,
          %parallel_loop3A_273 = arith.addf %parallel_loop3A_265, %parallel_loop3A_272 : vector<16xf32>
          %parallel_loop3A_274 = arith.constant 256 : i32
          %parallel_loop3A_275 = arith.muli %parallel_loop3A_172, %parallel_loop3A_274 : i32
          %parallel_loop3A_276 = arith.constant 13 : i32
          %parallel_loop3A_277 = arith.addi %parallel_loop3A_275, %parallel_loop3A_276 : i32
          %parallel_loop3A_278 = vector.broadcast %parallel_loop3A_277 : i32 to vector<16xi32>
          %parallel_loop3A_279 = arith.addi %mul3A_5, %parallel_loop3A_278 : vector<16xi32>
          %parallel_loop3A_280 = tpu.vector_load_idx %arg17[%parallel_loop3A_279] : memref<1280xf32, #tpu.memory_space<vmem>>[vector<16xi32>], vector<16xf32>,
          %parallel_loop3A_281 = arith.addf %parallel_loop3A_273, %parallel_loop3A_280 : vector<16xf32>
          %parallel_loop3A_282 = arith.constant 256 : i32
          %parallel_loop3A_283 = arith.muli %parallel_loop3A_172, %parallel_loop3A_282 : i32
          %parallel_loop3A_284 = arith.constant 14 : i32
          %parallel_loop3A_285 = arith.addi %parallel_loop3A_283, %parallel_loop3A_284 : i32
          %parallel_loop3A_286 = vector.broadcast %parallel_loop3A_285 : i32 to vector<16xi32>
          %parallel_loop3A_287 = arith.addi %mul3A_5, %parallel_loop3A_286 : vector<16xi32>
          %parallel_loop3A_288 = tpu.vector_load_idx %arg17[%parallel_loop3A_287] : memref<1280xf32, #tpu.memory_space<vmem>>[vector<16xi32>], vector<16xf32>,
          %parallel_loop3A_289 = arith.addf %parallel_loop3A_281, %parallel_loop3A_288 : vector<16xf32>
          %parallel_loop3A_290 = arith.constant 256 : i32
          %parallel_loop3A_291 = arith.muli %parallel_loop3A_172, %parallel_loop3A_290 : i32
          %parallel_loop3A_292 = arith.constant 15 : i32
          %parallel_loop3A_293 = arith.addi %parallel_loop3A_291, %parallel_loop3A_292 : i32
          %parallel_loop3A_294 = vector.broadcast %parallel_loop3A_293 : i32 to vector<16xi32>
          %parallel_loop3A_295 = arith.addi %mul3A_5, %parallel_loop3A_294 : vector<16xi32>
          %parallel_loop3A_296 = tpu.vector_load_idx %arg17[%parallel_loop3A_295] : memref<1280xf32, #tpu.memory_space<vmem>>[vector<16xi32>], vector<16xf32>,
          %parallel_loop3A_297 = arith.addf %parallel_loop3A_289, %parallel_loop3A_296 : vector<16xf32>
          %parallel_loop3A_298 = arith.constant 80 : i32
          %parallel_loop3A_299 = arith.muli %add3A_144, %parallel_loop3A_298 : i32
          %parallel_loop3A_300 = arith.constant 16 : i32
          %parallel_loop3A_301 = arith.muli %parallel_loop3A_172, %parallel_loop3A_300 : i32
          %parallel_loop3A_302 = arith.addi %parallel_loop3A_299, %parallel_loop3A_301 : i32
          %parallel_loop3A_303 = arith.index_cast %parallel_loop3A_302 : i32 to index
          %parallel_loop3A_304 = tpu.vector_load %arg18[%parallel_loop3A_303] {strides = array<i32>} : memref<10000xf32, #tpu.memory_space<vmem>>, vector<16xf32>,
          tpu.vector_store %arg18[%parallel_loop3A_303], %parallel_loop3A_297 {strides = array<i32>} : memref<10000xf32, #tpu.memory_space<vmem>>, vector<16xf32>,
        } {sc.loop_unroll_factor = 1 : i64, sc.parallel_access}
      } else {
      }
    }
    %scan3A_84 = arith.constant 25 : i32
    "tpu.region"() ({
      %run_scoped3A = tpu.sem_alloc : memref<!tpu.dma_semaphore, #tpu.memory_space<semaphore_mem>>
      %dma_start3A_85 = arith.constant 0 : i32
      %dma_start3A_86 = tpu.memref_slice %arg18[%dma_start3A_85] : memref<10000xf32, #tpu.memory_space<vmem>> -> memref<10000xf32, #tpu.memory_space<vmem>>
      %dma_start3A_87 = tpu.memref_slice %arg4[%mul3A_2] : memref<320000xf32, #tpu.memory_space<hbm>> -> memref<10000xf32, #tpu.memory_space<hbm>>
      %dma_start3A_88 = tpu.memref_slice %arg4[%mul3A_2] : memref<320000xf32, #tpu.memory_space<hbm>> -> memref<10000xf32, #tpu.memory_space<hbm>>
      %dma_start3A_89 = arith.constant 0 : i32
      %dma_start3A_90 = tpu.memref_slice %arg18[%dma_start3A_89] : memref<10000xf32, #tpu.memory_space<vmem>> -> memref<10000xf32, #tpu.memory_space<vmem>>
      tpu.enqueue_dma source(%dma_start3A_90 : memref<10000xf32, #tpu.memory_space<vmem>>) target(%dma_start3A_88 : memref<10000xf32, #tpu.memory_space<hbm>>) target_semaphore(%run_scoped3A : memref<!tpu.dma_semaphore, #tpu.memory_space<semaphore_mem>>)
      %dma_wait3A_91 = arith.constant 0 : i32
      %dma_wait3A_92 = tpu.memref_slice %arg18[%dma_wait3A_91] : memref<10000xf32, #tpu.memory_space<vmem>> -> memref<10000xf32, #tpu.memory_space<vmem>>
      %dma_wait3A_93 = tpu.memref_slice %arg4[%mul3A_2] : memref<320000xf32, #tpu.memory_space<hbm>> -> memref<10000xf32, #tpu.memory_space<hbm>>
      %dma_wait3A_94 = tpu.memref_slice %arg4[%mul3A_2] : memref<320000xf32, #tpu.memory_space<hbm>> -> memref<10000xf32, #tpu.memory_space<hbm>>
      %dma_wait3A_95 = arith.constant 0 : i32
      %dma_wait3A_96 = tpu.memref_slice %arg18[%dma_wait3A_95] : memref<10000xf32, #tpu.memory_space<vmem>> -> memref<10000xf32, #tpu.memory_space<vmem>>
      tpu.wait_dma2 semaphore(%run_scoped3A : memref<!tpu.dma_semaphore, #tpu.memory_space<semaphore_mem>>) src(%dma_wait3A_96 : memref<10000xf32, #tpu.memory_space<vmem>>) dst(%dma_wait3A_94 : memref<10000xf32, #tpu.memory_space<hbm>>)
      tpu.yield
    }) : () -> ()
    return
  }
}

</mosaic_0001>

<sc_bundles>
// kernel: kernel.3.cloned.1.call-start
scs
__scs_entry_jumppad:
0x0: {  	(pc) =	sbr.rel $0x88, $3  }
0x1: {  	(tag) =	ssettag $0x0;
	lr =	simm.s32 $0x1  }
0x2: {  	[smem:$0x3F9F] =	sst lr;
	_ =	strace $0xD0000000  }
0x3: {  	_ = 	snop  }
0x4: {  	_ = 	snop  }
0x5: {  	_ = 	snop  }
0x6: {  	_ = 	snop  }
0x7: {  	_ = 	snop  }
__scs_overlays_trampoline_lowered:
0x8: {  	[smem:$0x3FAE] =	sst s0  }
0x9: {  	[smem:$0x3FAF] =	sst s1  }
0xa: {  	[smem:$0x3FB0] =	sst s2  }
0xb: {  	[smem:$0x3FB1] =	sst s3  }
0xc: {  	[smem:$0x3FB2] =	sst s4  }
0xd: {  	[smem:$0x3FB3] =	sst s5  }
0xe: {  	[smem:$0x3FB4] =	sst s6  }
0xf: {  	[smem:$0x3FB5] =	sst s7  }
0x10: {  	[smem:$0x3FB6] =	sst s8  }
0x11: {  	[smem:$0x3FB7] =	sst s9;
	s0 =	simm.s32 @!p0 $0x0  }
0x12: {  	s1 =	sld [smem:$0x3F9D];
	s0 =	simm.s32 @p0 $0x1  }
0x13: {  	[smem:$0x3FB8] =	sst s0;
	s0 =	simm.s32 @!p1 $0x0  }
0x14: {  	s2 =	sld [smem:$0x3F9C];
	s0 =	simm.s32 @p1 $0x1  }
0x15: {  	[smem:$0x3FB9] =	sst s0;
	s0 =	simm.s32 @!p2 $0x0  }
0x16: {  	s3 =	sld [smem:$0x3FDB];
	s0 =	simm.s32 @p2 $0x1  }
0x17: {  	s4 =	simm.s32 $0x1BF5;
	[smem:$0x3FBB] =	sst s0  }
0x18: {  	s0 =	sld [smem:$0x3F9E];
	_ =	swait.ge [sflag:s4], $0x0  }
0x19: {  	s7 =	sld [smem:$0x3F9F]  }
0x1a: {  	s8 =	sadd.s32 $0xFFFFE003, lr  }
0x1b: {  	s9 =	sadd.s32 $0xFFFFFEF7, lr;
	s5 =	simm.s32 $0xFFFFFFFF;
	p2 =	slt.u32 s8, $0xFFFFF086  }
0x1c: {  	p1 =	slt.u32 s9, $0xF7A;
	s5 =	simm.s32 @!p2 $0x0  }
0x1d: {  	s5 =	simm.s32 @p1 $0x1;
	p0 =	seq.s32 s7, s2  }
0x1e: {  	s7 =	smul.u32 @!p0 $0xF7A, s2;
	p2 =	seq.s32 @!p0 s5, $0x0  }
0x1f: {  	s9 =	smul.u32 $0xF7A, s1;
	s8 =	simm.s32 @!p0 $0x1BF5;
	p2 =	por !p2, p0  }
0x20: {  	[sflag:s8] =	ssyncset.s32 @!p0 $0xFFFFF086;
	s6 =	sadd.s32 @!p0 s3, s7;
	s7 =	simm.s32 @!p0 $0x108  }
0x21: {  	s3 =	sadd.s32 s3, s9;
	s6 =	sadd.s32 @!p0 $0x88, s6;
	s7 =	simm.s32 @p2 $0x1082  }
0x22: {  	[simem:s7], [sflag:s8] =	dma.local @!p0 [hbm:s6], $0xF7A  }
0x23: {  	s9 =	sor.u32 $0xD0000000, s2;
	s6 =	simm.s32 $0x108;
	_ =	swait.ge @!p0 [sflag:s8], $0x0  }
0x24: {  	s3 =	sadd.s32 $0x88, s3;
	s6 =	simm.s32 @!p1 $0x1082;
	[sflag:s4] =	ssyncset.s32 $0xFFFFF086  }
0x25: {  	[simem:s6], [sflag:s4] =	dma.local [hbm:s3], $0xF7A  }
0x26: {  	[smem:$0x3F9F] =	sst s1;
	(tag) =	ssettag s2;
	_ =	strace s9  }
0x27: {  	s1 =	sld [smem:$0x3FAF]  }
0x28: {  	s2 =	sld [smem:$0x3FB0]  }
0x29: {  	s4 =	sld [smem:$0x3FB2]  }
0x2a: {  	p0 =	seq.s32 s5, $0x0;
	s5 =	sld [smem:$0x3FB3]  }
0x2b: {  	s6 =	sld [smem:$0x3FB4]  }
0x2c: {  	s7 =	sld [smem:$0x3FB5]  }
0x2d: {  	s3 =	simm.s32 $0x108;
	s8 =	sld [smem:$0x3FB6]  }
0x2e: {  	s3 =	simm.s32 @!p0 $0x1082;
	s9 =	sld [smem:$0x3FB7]  }
0x2f: {  	lr =	sadd.s32 s0, s3;
	s0 =	sld [smem:$0x3FAE]  }
0x30: {  	s3 =	sld [smem:$0x3FB1]  }
0x31: {  	[smem:$0x3FBA] =	sst s10  }
0x32: {  	s10 =	sld [smem:$0x3FB8];
	_ =	sdelay $0x3  }
0x33: {  	p0 =	seq.s32 s10, $0x1;
	s10 =	sld [smem:$0x3FBA];
	_ =	sdelay $0x3  }
0x34: {  	[smem:$0x3FBA] =	sst s10  }
0x35: {  	s10 =	sld [smem:$0x3FB9];
	_ =	sdelay $0x3  }
0x36: {  	p1 =	seq.s32 s10, $0x1;
	s10 =	sld [smem:$0x3FBA];
	_ =	sdelay $0x3  }
0x37: {  	[smem:$0x3FBA] =	sst s10  }
0x38: {  	s10 =	sld [smem:$0x3FBB]  }
0x39: {  	_ = 	snop;
	(pc) =	sbr.ind lr, $3  }
0x3a: {  	_ = 	snop  }
0x3b: {  	_ = 	snop  }
0x3c: {  	p2 =	seq.s32 s10, $0x1;
	s10 =	sld [smem:$0x3FBA]  }
0x3d: {  	_ =	shalt  }
0x3e: {  	_ =	shalt  }
0x3f: {  	_ =	shalt  }
0x40: {  	_ =	shalt  }
0x41: {  	_ =	shalt  }
0x42: {  	_ =	shalt  }
0x43: {  	_ =	shalt  }
0x44: {  	_ =	shalt  }
0x45: {  	_ =	shalt  }
0x46: {  	_ =	shalt  }
0x47: {  	_ =	shalt  }
0x48: {  	_ =	shalt  }
0x49: {  	_ =	shalt  }
0x4a: {  	_ =	shalt  }
0x4b: {  	_ =	shalt  }
0x4c: {  	_ =	shalt  }
0x4d: {  	_ =	shalt  }
0x4e: {  	_ =	shalt  }
0x4f: {  	_ =	shalt  }
0x50: {  	_ =	shalt  }
0x51: {  	_ =	shalt  }
0x52: {  	_ =	shalt  }
0x53: {  	_ =	shalt  }
0x54: {  	_ =	shalt  }
0x55: {  	_ =	shalt  }
0x56: {  	_ =	shalt  }
0x57: {  	_ =	shalt  }
0x58: {  	_ =	shalt  }
0x59: {  	_ =	shalt  }
0x5a: {  	_ =	shalt  }
0x5b: {  	_ =	shalt  }
0x5c: {  	_ =	shalt  }
0x5d: {  	_ =	shalt  }
0x5e: {  	_ =	shalt  }
0x5f: {  	_ =	shalt  }
0x60: {  	_ =	shalt  }
0x61: {  	_ =	shalt  }
0x62: {  	_ =	shalt  }
0x63: {  	_ =	shalt  }
0x64: {  	_ =	shalt  }
0x65: {  	_ =	shalt  }
0x66: {  	_ =	shalt  }
0x67: {  	_ =	shalt  }
0x68: {  	_ =	shalt  }
0x69: {  	_ =	shalt  }
0x6a: {  	_ =	shalt  }
0x6b: {  	_ =	shalt  }
0x6c: {  	_ =	shalt  }
0x6d: {  	_ =	shalt  }
0x6e: {  	_ =	shalt  }
0x6f: {  	_ =	shalt  }
0x70: {  	_ =	shalt  }
0x71: {  	_ =	shalt  }
0x72: {  	_ =	shalt  }
0x73: {  	_ =	shalt  }
0x74: {  	_ =	shalt  }
0x75: {  	_ =	shalt  }
0x76: {  	_ =	shalt  }
0x77: {  	_ =	shalt  }
0x78: {  	_ =	shalt  }
0x79: {  	_ =	shalt  }
0x7a: {  	_ =	shalt  }
0x7b: {  	_ =	shalt  }
0x7c: {  	_ =	shalt  }
0x7d: {  	_ =	shalt  }
0x7e: {  	_ =	shalt  }
0x7f: {  	_ =	shalt  }
0x80: {  	_ =	shalt  }
0x81: {  	_ =	shalt  }
0x82: {  	_ =	shalt  }
0x83: {  	_ =	shalt  }
0x84: {  	_ =	shalt  }
0x85: {  	_ =	shalt  }
0x86: {  	_ =	shalt  }
0x87: {  	_ =	shalt  }
.Lfunc_end0:
.L_simem_size_0:
called_computation_lowered:
.L_overlay_start_0:
0x88: {  	s2 =	sld [smem:$0x3FD9]  }
0x89: {  	s3 =	sld [smem:$0x3FFE];
	_ =	sdelay $0x1  }
0x8a: {  	s1 =	srdreg.scid  }
0x8b: {  	s0 =	sand.u32 $0x1, s1  }
0x8c: {  	s17 =	sshll.u32 s0, $0xA;
	s2 =	sadd.s32 s3, s2  }
0x8d: {  	s2 =	sadd.s32 s2, s17  }
0x8e: {  	[smem:$0x3FC6] =	sst s2  }
0x8f: {  	_ = 	snop  }
0x90: {  	s2 =	sld [smem:$0x3FD0];
	(tm) =	ssettm $0x1  }
0x91: {  	s18 =	sld [smem:$0x3FFB];
	_ =	sdelay $0x3  }
0x92: {  	_ =	strace s18  }
0x93: {  	s3 =	sld [smem:$0x3FFC];
	_ =	sdelay $0x3  }
0x94: {  	_ =	strace s3  }
0x95: {  	s3 =	sld [smem:$0x3FFD];
	_ =	sdelay $0x3  }
0x96: {  	_ =	strace s3  }
0x97: {  	_ =	strace $0x8FFFFFFF  }
0x98: {  	s19 =	sld [smem:$0x3FDB];
	_ =	sdelay $0x1  }
0x99: {  	s4 =	simm.s32 $_scs_section_size  }
0x9a: {  	s5 =	simm.s32 $_size__tile_overlayer_lowered;
	s6 =	simm.s32 $_tile_overlayer_lowered  }
0x9b: {  	s22 =	simm.s32 $0x1BFF;
	s21 =	sshll.u32 s6, $0x1;
	s3 =	sadd.s32 s4, s19  }
0x9c: {  	s7 =	simm.s32 $0x0;
	s20 =	sshll.u32 s5, $0x1;
	s5 =	sadd.s32 s21, s3  }
0x9d: {  	[timem:s7], [sflag:s22] =	dma.local [hbm:s5], s20  }
0x9e: {  	_ =	swait.ge [sflag:s22], s20  }
0x9f: {  	s4 =	ssub.s32 $0x0, s20;
	[sflag:s22] =	ssyncset.done $0x0  }
0xa0: {  	[sflag:s22] =	ssyncadd.s32 s4;
	_ =	sdelay $0x1  }
0xa1: {  	s23 =	simm.s32 $0x1B8B  }
0xa2: {  	_ =	swait.ge [sflag:s23], $0x1  }
0xa3: {  	[sflag:s23] =	ssyncset.done $0x0  }
0xa4: {  	s25 =	simm.s32 $0x1B8E;
	s24 =	sld [smem:$0x3FFE];
	[sflag:s23] =	ssyncadd.s32 $0xFFFFFFFF  }
0xa5: {  	s26 =	simm.s32 $execute0_lowered;
	[smem:$0x3FD2] =	sst s25  }
0xa6: {  	s5 =	sshll.u32 s26, $0x1;
	_ =	strace $0x80000046;
	[dreg:$0x1] =	wrdreg $0xFFFFFFFF  }
0xa7: {  	s28 =	simm.s32 $_size_execute0_lowered;
	s3 =	sadd.s32 s3, s5;
	[dreg:$0x0] =	wrdreg $0x0  }
0xa8: {  	s5 =	sshll.u32 s28, $0x1;
	[dreg:$0x2] =	wrdreg s3  }
0xa9: {  	[dreg:$0x3] =	wrdreg s5  }
0xaa: {  	[dreg:$0x4] =	wrdreg $0xC0  }
0xab: {  	_ =	task [dreg:s7], $0x5FFFF  }
0xac: {  	[dreg:$0x1] =	wrdreg $0xFFFFFFFF  }
0xad: {  	[dreg:$0x0] =	wrdreg $0x60  }
0xae: {  	[dreg:$0x2] =	wrdreg s24  }
0xaf: {  	[dreg:$0x3] =	wrdreg s2  }
0xb0: {  	[dreg:$0x4] =	wrdreg $0x9  }
0xb1: {  	_ =	task.clear_ibuf [dreg:s7], $0x5FFFF;
	_ =	strace $0x90000046  }
0xb2: {  	s29 =	simm.s32 $0x9;
	_ =	strace $0x80000048  }
0xb3: {  	_ =	swait.ge [sflag:s29], $0x1  }
0xb4: {  	[sflag:s29] =	ssyncadd.s32 $0xFFFFFFFF  }
0xb5: {  	_ =	strace $0x90000048  }
0xb6: {  	_ =	sfence  }
0xb7: {  	s30 =	sld [smem:$0x0];
	_ =	sdelay $0x2  }
0xb8: {  	s31 =	sshll.u32 s1, $0xD;
	s1 =	sshrl.u32 s1, $0x2  }
0xb9: {  	s3 =	sand.u32 $0x4000, s31;
	s1 =	sadd.s32 s1, s30  }
0xba: {  	s0 =	sor.u32 s3, s0;
	s1 =	sshll.u32 s1, $0x11  }
0xbb: {  	s0 =	sor.u32 s1, s0  }
0xbc: {  	s0 =	sadd.s32 $0x8F2B, s0  }
0xbd: {  	[sflag:s0] =	ssyncadd.remote.s32 $0x1  }
0xbe: {  	_ =	sfence.sel $0xFFFF  }
0xbf: {  	[dreg:$0x0] =	wrdreg $0xFFFFFFFF;
	(pc) =	sbr.abs _section_cstart, $3  }
0xc0: {  	[dreg:$0x1] =	wrdreg $0xFFFFFFFF  }
0xc1: {  	_ =	task.clear_ibuf [dreg:s7], $0x2FFFF;
	_ =	strace $0x9FFFFFFF  }
0xc2: {  	(tm) =	ssettm $0x7FFFFFFF  }
0xc3: {  	_ =	shalt  }
tec
execute0_lowered:
.L_overlay_start_1:
0x0: {  	(tag) =	ssettag $0x1  }
0x1: {  	s0 =	srdreg.scid;
	s3 =	rddreg [dreg:$0x0]  }
0x2: {  	s1 =	stileid.u32;
	s6 =	rddreg [dreg:$0x1];
	s2 =	simm.s32 $0x0  }
0x3: {  	s9 =	simm.s32 $0x6;
	s10 =	simm.s32 $0x50;
	s24 =	simm.s32 $0x9E20  }
0x4: {  	s25 =	simm.s32 $0x10220;
	s28 =	simm.s32 $0x11620;
	s29 =	simm.s32 $0x2  }
0x5: {  	s30 =	simm.s32 $0x3;
	s0 =	sand.u32 $0x1, s0;
	s1 =	sshll.u32 s1, $0x1  }
0x6: {  	s31 =	simm.s32 $0x4;
	s11 =	simm.s32 $0x7;
	s1 =	sor.u32 s0, s1  }
0x7: {  	v0 =	vlaneseq.u32;
	s12 =	simm.s32 $0x0;
	s0 =	ssub.s32 $0x2, s0;
	s1 =	smul.u32 $0x2710, s1  }
.Ltmp0:
0x8: {  	[smem:$0x7FF] =	sst s2;
	v0 =	vmul.u32 $0x10, v0;
	s4 =	sshrl.u32 s0, $0x1;
	(pc) =	sbr.rel .LBB2_1-.Ltmp0, $4  }
0x9: {  	_ =	strace $0x80000047;
	s0 =	ssub.s32 s0, s4;
	s1 =	sshrl.u32 s1, $0x3  }
0xa: {  	v1 =	vor.u32 $0x1, v0;
	s7 =	smax.u32 s0, $0x1;
	s5 =	sadd.s32 s1, s3;
	s3 =	sadd.s32 $0x600, s3  }
0xb: {  	v2 =	vor.u32 $0x2, v0;
	v3 =	vor.u32 $0x3, v0;
	v4 =	vor.u32 $0x4, v0;
	s6 =	sadd.s32 s6, s1;
	s1 =	simm.s32 $0x5;
	s26 =	sadd.s32 $0x14000, s5  }
0xc: {  	v5 =	vor.u32 $0x5, v0;
	v6 =	vor.u32 $0x6, v0;
	v7 =	vor.u32 $0x7, v0;
	s5 =	sadd.s32 $0x1DC40, s5;
	[dreg:$0x3] =	wrdreg s26;
	s26 =	simm.s32 $0x1  }
.LBB2_63:
0xd: {  	s12 =	sadd.s32 $0x1, s12  }
0xe: {  	p0 =	sne.s32 s12, s7  }
.Ltmp1:
0xf: {  	s0 =	simm.s32 $0x11B20;
	(pc) =	sbr.rel @!p0 .LBB2_64-.Ltmp1, $4  }
0x10: {  	[hbm4b:s6+s2] =	stream.linear.scatter [tilespmem:s0], [sflag:$0x7], $0x2710, $0x38;
	[tilespmem:$0x14230] =	vst v63  }
0x11: {  	_ =	swait.ge [sflag:s11], $0x2710  }
0x12: {  	[sflag:s11] =	ssyncset.done $0x0  }
0x13: {  	[sflag:s11] =	ssyncadd.s32 $0xFFFFD8F0  }
.LBB2_1:
0x14: {  	s0 =	rddreg [dreg:$0x3]  }
0x15: {  	[tilespmem:s2], [sflag:$0x6] =	stream.linear.gather [hbm4b:s0+s2], $0x2710, $0x38;
	[tilespmem:$0x14230] =	vst v63  }
0x16: {  	s23 =	simm.s32 $0x2710  }
0x17: {  	[tilespmem:s23], [sflag:$0x6] =	stream.linear.gather [hbm4b:s5+s2], $0x2710, $0x38;
	[tilespmem:$0x14230] =	vst v63  }
0x18: {  	_ =	swait.ge [sflag:s9], $0x2710  }
0x19: {  	[sflag:s9] =	ssyncset.done $0x0  }
0x1a: {  	[sflag:s9] =	ssyncadd.s32 $0xFFFFD8F0  }
0x1b: {  	_ =	swait.ge [sflag:s9], $0x2710  }
0x1c: {  	[sflag:s9] =	ssyncset.done $0x0  }
0x1d: {  	s4 =	simm.s32 $0x4E20;
	[sflag:s9] =	ssyncadd.s32 $0xFFFFD8F0  }
0x1e: {  	[tilespmem:s4], [sflag:$0x1] =	stream.indirect.gather [hbm4b:s3+s10], $0x40, s2, s10, $0xb8;
	[tilespmem:$0x14230] =	vst v63  }
0x1f: {  	s8 =	simm.s32 $0xB220  }
0x20: {  	[tilespmem:s8], [sflag:$0x1] =	stream.indirect.gather [hbm4b:s3+s10], $0x40, s23, s10, $0xb8;
	[tilespmem:$0x14230] =	vst v63  }
0x21: {  	s13 =	simm.s32 $0x6220;
	s14 =	simm.s32 $0x2760  }
0x22: {  	[tilespmem:s13], [sflag:$0x2] =	stream.indirect.gather [hbm4b:s3+s10], $0x40, s10, s10, $0xb8;
	[tilespmem:$0x14230] =	vst v63  }
0x23: {  	s15 =	simm.s32 $0xC620;
	s16 =	simm.s32 $0xA0;
	s17 =	simm.s32 $0x7620  }
0x24: {  	[tilespmem:s15], [sflag:$0x2] =	stream.indirect.gather [hbm4b:s3+s10], $0x40, s14, s10, $0xb8;
	[tilespmem:$0x14230] =	vst v63  }
0x25: {  	s18 =	simm.s32 $0x27B0;
	s19 =	simm.s32 $0xDA20;
	s20 =	simm.s32 $0xF0  }
0x26: {  	[tilespmem:s17], [sflag:$0x3] =	stream.indirect.gather [hbm4b:s3+s10], $0x40, s16, s10, $0xb8;
	[tilespmem:$0x14230] =	vst v63  }
0x27: {  	s21 =	simm.s32 $0x8A20;
	s22 =	simm.s32 $0x2800;
	s0 =	simm.s32 $0x11B70  }
0x28: {  	[tilespmem:s19], [sflag:$0x3] =	stream.indirect.gather [hbm4b:s3+s10], $0x40, s18, s10, $0xb8;
	[tilespmem:$0x14230] =	vst v63  }
0x29: {  	s23 =	simm.s32 $0xEE20;
	s14 =	simm.s32 $0x11BC0;
	s15 =	simm.s32 $0x11C10  }
0x2a: {  	[tilespmem:s21], [sflag:$0x4] =	stream.indirect.gather [hbm4b:s3+s10], $0x40, s20, s10, $0xb8;
	[tilespmem:$0x14230] =	vst v63  }
0x2b: {  	s16 =	simm.s32 $0x11B20;
	s17 =	simm.s32 $0x0;
	s18 =	simm.s32 $0x11C60  }
0x2c: {  	[tilespmem:s23], [sflag:$0x4] =	stream.indirect.gather [hbm4b:s3+s10], $0x40, s22, s10, $0xb8;
	[tilespmem:$0x14230] =	vst v63  }
.LBB2_2:
0x2d: {  	s13 =	smul.u32 $0x190, s17;
	_ =	sdelay $0x1  }
0x2e: {  	s19 =	sadd.s32 $0x140, s13  }
0x2f: {  	[tilespmem:s24], [sflag:$0x5] =	stream.indirect.gather [hbm4b:s3+s10], $0x40, s19, s10, $0xb8;
	[tilespmem:$0x14230] =	vst v63  }
0x30: {  	s13 =	sadd.s32 $0x2850, s13  }
0x31: {  	[tilespmem:s25], [sflag:$0x5] =	stream.indirect.gather [hbm4b:s3+s10], $0x40, s13, s10, $0xb8;
	[tilespmem:$0x14230] =	vst v63  }
0x32: {  	_ =	swait.ge [sflag:s26], $0x1400  }
0x33: {  	[sflag:s26] =	ssyncset.done $0x0  }
0x34: {  	[sflag:s26] =	ssyncadd.s32 $0xFFFFEC00  }
0x35: {  	_ =	swait.ge [sflag:s26], $0x1400  }
0x36: {  	[sflag:s26] =	ssyncset.done $0x0  }
0x37: {  	s22 =	simm.s32 $0x4E60;
	[sflag:s26] =	ssyncadd.s32 $0xFFFFEC00  }
0x38: {  	v8 =	vld [tilespmem:s22+$0x20]  }
0x39: {  	s23 =	simm.s32 $0xB260;
	v9 =	vld [tilespmem:s22+$0x0]  }
0x3a: {  	v10 =	vld [tilespmem:s23+$0x0]  }
0x3b: {  	v11 =	vld [tilespmem:s22+$0x10]  }
0x3c: {  	v12 =	vld [tilespmem:s23+$0x10]  }
0x3d: {  	v13 =	vld [tilespmem:s23+$0x20]  }
0x3e: {  	v14 =	vld [tilespmem:s23+$0xFFFFFFC0]  }
0x3f: {  	v15 =	vld [tilespmem:s22+$0x30]  }
0x40: {  	v16 =	vld [tilespmem:s23+$0x30]  }
0x41: {  	v17 =	vld [tilespmem:s22+$0xFFFFFFD0]  }
0x42: {  	v20 =	vld [tilespmem:s23+$0xFFFFFFE0]  }
0x43: {  	v9 =	vmul.bf16 v10, v9;
	v10 =	vld [tilespmem:s23+$0xFFFFFFD0]  }
0x44: {  	v11 =	vmul.bf16 v12, v11;
	v12 =	vld [tilespmem:s22+$0xFFFFFFC0]  }
0x45: {  	v8 =	vmul.bf16 v13, v8;
	v13 =	vld [tilespmem:s22+$0xFFFFFFE0];
	v18 =	vunpack.i.u.bf16.f32 v9  }
0x46: {  	v9 =	vunpack.i.l.bf16.f32 v9;
	v19 =	vunpack.i.u.bf16.f32 v11;
	v11 =	vunpack.i.l.bf16.f32 v11  }
0x47: {  	s13 =	simm.s32 $0xB2E0;
	v21 =	vld [tilespmem:s23+$0xFFFFFFF0];
	v9 =	vadd.f32 v9, v18;
	v11 =	vadd.f32 v11, v19  }
0x48: {  	v15 =	vmul.bf16 v16, v15;
	v16 =	vld [tilespmem:s13+$0x0];
	v19 =	vunpack.i.u.bf16.f32 v8;
	v8 =	vunpack.i.l.bf16.f32 v8  }
0x49: {  	s20 =	simm.s32 $0x4EE0;
	v18 =	vld [tilespmem:s22+$0xFFFFFFF0];
	v8 =	vadd.f32 v8, v19;
	v9 =	vadd.f32 v11, v9;
	v10 =	vmul.bf16 v10, v17  }
0x4a: {  	v19 =	vld [tilespmem:s20+$0x10];
	v12 =	vmul.bf16 v14, v12;
	v13 =	vmul.bf16 v20, v13  }
0x4b: {  	v11 =	vld [tilespmem:s20+$0x20];
	v20 =	vunpack.i.u.bf16.f32 v15;
	v15 =	vunpack.i.l.bf16.f32 v15;
	v9 =	vadd.f32 v8, v9  }
0x4c: {  	v14 =	vld [tilespmem:s20+$0x0];
	v8 =	vunpack.i.u.bf16.f32 v10;
	v10 =	vunpack.i.l.bf16.f32 v10;
	v17 =	vunpack.i.u.bf16.f32 v12  }
0x4d: {  	v12 =	vunpack.i.l.bf16.f32 v12;
	v61 =	vunpack.i.u.bf16.f32 v13;
	v8 =	vadd.f32 v10, v8;
	v10 =	vld [tilespmem:s13+$0x10]  }
0x4e: {  	v13 =	vunpack.i.l.bf16.f32 v13;
	v12 =	vadd.f32 v12, v17;
	v17 =	vmul.bf16 v21, v18;
	v18 =	vld [tilespmem:s13+$0x20]  }
0x4f: {  	v62 =	vld [tilespmem:s20+$0x30];
	v15 =	vadd.f32 v15, v20;
	v13 =	vadd.f32 v13, v61  }
0x50: {  	v12 =	vadd.f32 v8, v12;
	v8 =	vld [tilespmem:s13+$0xFFFFFFC0];
	v20 =	vunpack.i.u.bf16.f32 v17;
	v17 =	vunpack.i.l.bf16.f32 v17  }
0x51: {  	v14 =	vmul.bf16 v16, v14;
	v16 =	vld [tilespmem:s13+$0x30];
	v17 =	vadd.f32 v17, v20  }
0x52: {  	v12 =	vadd.f32 v13, v12;
	v13 =	vadd.f32 v15, v9;
	v15 =	vld [tilespmem:s20+$0xFFFFFFD0];
	v9 =	vmul.bf16 v10, v19  }
0x53: {  	v19 =	vld [tilespmem:s13+$0xFFFFFFD0];
	v10 =	vunpack.i.u.bf16.f32 v14;
	v11 =	vmul.bf16 v18, v11;
	v14 =	vunpack.i.l.bf16.f32 v14  }
0x54: {  	v17 =	vadd.f32 v17, v12;
	v12 =	vld [tilespmem:s20+$0xFFFFFFC0];
	v18 =	vunpack.i.u.bf16.f32 v9;
	v20 =	vunpack.i.l.bf16.f32 v9  }
0x55: {  	s19 =	simm.s32 $0x11630;
	v14 =	vadd.f32 v14, v10;
	v10 =	vld [tilespmem:s13+$0xFFFFFFE0];
	v18 =	vadd.f32 v20, v18  }
0x56: {  	[tilespmem:s19+$0x0] =	vst v13;
	v13 =	vld [tilespmem:s13+$0xFFFFFFF0];
	v63 =	vunpack.i.u.bf16.f32 v11;
	v22 =	vunpack.i.l.bf16.f32 v11;
	v20 =	vmul.bf16 v16, v62  }
0x57: {  	v9 =	vld [tilespmem:s20+$0xFFFFFFE0];
	v16 =	vadd.f32 v18, v14;
	v18 =	vadd.f32 v22, v63  }
0x58: {  	s21 =	simm.s32 $0x4F60;
	v11 =	vld [tilespmem:s20+$0xFFFFFFF0];
	s20 =	simm.s32 $0x2;
	[tilespmem:s19+$0xFFFFFFF0] =	vst v17;
	v17 =	vmul.bf16 v19, v15;
	v14 =	vunpack.i.u.bf16.f32 v20;
	v15 =	vunpack.i.l.bf16.f32 v20  }
.LBB2_3:
0x59: {  	v19 =	vld [tilespmem:s21+$0x20];
	v8 =	vmul.bf16 v8, v12;
	v12 =	vadd.f32 v18, v16;
	v14 =	vadd.f32 v15, v14  }
0x5a: {  	s13 =	sadd.s32 $0x80, s13;
	v15 =	vld [tilespmem:s21+$0x0];
	v16 =	vunpack.i.u.bf16.f32 v17;
	v17 =	vunpack.i.l.bf16.f32 v17  }
0x5b: {  	v18 =	vld [tilespmem:s13+$0x0];
	v20 =	vunpack.i.u.bf16.f32 v8;
	v8 =	vunpack.i.l.bf16.f32 v8;
	v12 =	vadd.f32 v14, v12  }
0x5c: {  	s19 =	sadd.s32 $0x20, s19;
	v16 =	vadd.f32 v17, v16;
	v9 =	vmul.bf16 v10, v9;
	v14 =	vld [tilespmem:s21+$0x10];
	v8 =	vadd.f32 v8, v20  }
0x5d: {  	s20 =	sadd.s32 $0x2, s20;
	v10 =	vld [tilespmem:s13+$0x10];
	v11 =	vmul.bf16 v13, v11;
	[tilespmem:s19+$0x0] =	vst v12  }
0x5e: {  	p0 =	slt.u32 s20, $0x4E;
	v12 =	vld [tilespmem:s13+$0x20];
	v13 =	vadd.f32 v16, v8;
	v16 =	vunpack.i.u.bf16.f32 v9;
	v9 =	vunpack.i.l.bf16.f32 v9  }
0x5f: {  	v8 =	vld [tilespmem:s13+$0xFFFFFFC0];
	v9 =	vadd.f32 v9, v16;
	v16 =	vunpack.i.u.bf16.f32 v11;
	v11 =	vunpack.i.l.bf16.f32 v11  }
0x60: {  	v17 =	vld [tilespmem:s21+$0x30];
	v11 =	vadd.f32 v11, v16  }
0x61: {  	v15 =	vmul.bf16 v18, v15;
	v16 =	vld [tilespmem:s13+$0x30];
	v9 =	vadd.f32 v9, v13  }
0x62: {  	v13 =	vld [tilespmem:s21+$0xFFFFFFD0];
	v10 =	vmul.bf16 v10, v14  }
0x63: {  	v18 =	vunpack.i.u.bf16.f32 v15;
	v14 =	vld [tilespmem:s13+$0xFFFFFFD0];
	v19 =	vmul.bf16 v12, v19;
	v11 =	vadd.f32 v11, v9  }
.Ltmp2:
0x64: {  	v15 =	vunpack.i.l.bf16.f32 v15;
	v12 =	vld [tilespmem:s21+$0xFFFFFFC0];
	v20 =	vunpack.i.u.bf16.f32 v10;
	v10 =	vunpack.i.l.bf16.f32 v10;
	(pc) =	sbr.rel @p0 .LBB2_3-.Ltmp2, $4  }
0x65: {  	v15 =	vadd.f32 v15, v18;
	v9 =	vld [tilespmem:s21+$0xFFFFFFE0];
	v18 =	vadd.f32 v10, v20;
	[tilespmem:s19+$0xFFFFFFF0] =	vst v11  }
0x66: {  	v20 =	vunpack.i.u.bf16.f32 v19;
	v19 =	vunpack.i.l.bf16.f32 v19;
	v10 =	vld [tilespmem:s13+$0xFFFFFFE0];
	v21 =	vmul.bf16 v16, v17  }
0x67: {  	v11 =	vld [tilespmem:s21+$0xFFFFFFF0];
	v16 =	vadd.f32 v18, v15;
	v18 =	vadd.f32 v19, v20  }
0x68: {  	s21 =	sadd.s32 $0x80, s21;
	v17 =	vmul.bf16 v14, v13;
	v13 =	vld [tilespmem:s13+$0xFFFFFFF0];
	v14 =	vunpack.i.u.bf16.f32 v21;
	v15 =	vunpack.i.l.bf16.f32 v21  }
0x69: {  	v8 =	vmul.bf16 v8, v12  }
0x6a: {  	v55 =	vadd.f32 v18, v16;
	v56 =	vunpack.i.u.bf16.f32 v17;
	v57 =	vunpack.i.l.bf16.f32 v17  }
0x6b: {  	v58 =	vunpack.i.u.bf16.f32 v8;
	v8 =	vunpack.i.l.bf16.f32 v8;
	v9 =	vmul.bf16 v10, v9  }
0x6c: {  	v59 =	vadd.f32 v57, v56;
	v8 =	vadd.f32 v8, v58  }
0x6d: {  	v11 =	vmul.bf16 v13, v11;
	v60 =	vunpack.i.u.bf16.f32 v9;
	v9 =	vunpack.i.l.bf16.f32 v9  }
0x6e: {  	v8 =	vadd.f32 v59, v8;
	v9 =	vadd.f32 v9, v60  }
0x6f: {  	v61 =	vadd.f32 v15, v14;
	p3 =	por $0x1, $0x1;
	v62 =	vunpack.i.u.bf16.f32 v11;
	v11 =	vunpack.i.l.bf16.f32 v11  }
.Ltmp3:
0x70: {  	v11 =	vadd.f32 v11, v62;
	v8 =	vadd.f32 v9, v8;
	(pc) =	sbr.rel @!p3 .LBB2_5-.Ltmp3, $4  }
0x71: {  	v63 =	vadd.f32 v61, v55  }
0x72: {  	s13 =	sadd.s32 $0x20, s19;
	v8 =	vadd.f32 v11, v8  }
0x73: {  	s19 =	simm.s32 $0xF;
	s20 =	simm.s32 $0x0;
	s21 =	simm.s32 $0x10F;
	[tilespmem:s13+$0x0] =	vst v63  }
0x74: {  	p1 =	por $0x0, $0x0;
	p2 =	por $0x0, $0x0;
	p0 =	por $0x0, $0x0;
	v23 =	vor.u32 s20, v0;
	[tilespmem:s13+$0xFFFFFFF0] =	vst v8  }
0x75: {  	v8 =	vor.u32 s20, v1;
	_ =	sdelay $0x1  }
0x76: {  	v9 =	vor.u32 s20, v2;
	_ =	sdelay $0x1  }
0x77: {  	v10 =	vld.idx.msk [tilespmem:v23+s28+$0x0], $0xffff;
	v11 =	vor.u32 s20, v3  }
0x78: {  	v8 =	vld.idx.msk [tilespmem:v8+s28+$0x0], $0xffff;
	_ =	sdelay $0x1  }
0x79: {  	v12 =	vor.u32 s20, v4;
	v9 =	vld.idx.msk [tilespmem:v9+s28+$0x0], $0xffff  }
0x7a: {  	v13 =	vor.u32 s20, v5  }
0x7b: {  	v14 =	vor.u32 s20, v6;
	p3 =	por $0x1, $0x1;
	v11 =	vld.idx.msk [tilespmem:v11+s28+$0x0], $0xffff  }
.Ltmp4:
0x7c: {  	v8 =	vadd.f32 v8, v10;
	(pc) =	sbr.rel @!p3 .LBB2_7-.Ltmp4, $4  }
0x7d: {  	_ = 	snop  }
0x7e: {  	s13 =	simm.s32 $0x9;
	v15 =	vld.idx.msk [tilespmem:v12+s28+$0x0], $0xffff;
	v8 =	vadd.f32 v9, v8  }
0x7f: {  	v19 =	vor.u32 s20, v7;
	s22 =	simm.s32 $0x8;
	s20 =	simm.s32 $0x100;
	v20 =	vor.u32 s13, v1;
	v18 =	vld.idx.msk [tilespmem:v13+s28+$0x0], $0xffff  }
0x80: {  	p1 =	por $0x1, $0x1;
	v22 =	vor.u32 s22, v0;
	v23 =	vor.u32 s20, v0;
	s22 =	simm.s32 $0x20F;
	v21 =	vld.idx.msk [tilespmem:v14+s28+$0x0], $0xffff;
	v25 =	vadd.f32 v11, v8  }
0x81: {  	_ =	sdelay $0x2  }
0x82: {  	v8 =	vor.u32 s20, v1  }
0x83: {  	v10 =	vld.idx.msk [tilespmem:v19+s28+$0x0], $0xffff;
	v12 =	vor.u32 s20, v2;
	v9 =	vadd.f32 v15, v25  }
0x84: {  	s13 =	simm.s32 $0xA;
	v13 =	vld.idx.msk [tilespmem:v20+s28+$0x0], $0xffff;
	v17 =	vor.u32 s20, v3  }
0x85: {  	s8 =	simm.s32 $0xB;
	v14 =	vld.idx.msk [tilespmem:v22+s28+$0x0], $0xffff;
	v11 =	vor.u32 s13, v2;
	v9 =	vadd.f32 v18, v9  }
0x86: {  	v16 =	vld.idx.msk [tilespmem:v23+s28+$0x0], $0xffff;
	v15 =	vor.u32 s8, v3  }
0x87: {  	v19 =	vor.u32 s20, v4;
	v18 =	vld.idx.msk [tilespmem:v8+s28+$0x0], $0xffff;
	v8 =	vadd.f32 v21, v9  }
0x88: {  	s23 =	simm.s32 $0xC;
	v20 =	vor.u32 s20, v5;
	v12 =	vld.idx.msk [tilespmem:v12+s28+$0x0], $0xffff  }
0x89: {  	s4 =	simm.s32 $0xD;
	v17 =	vld.idx.msk [tilespmem:v17+s28+$0x0], $0xffff;
	v9 =	vor.u32 s23, v4;
	v8 =	vadd.f32 v10, v8  }
0x8a: {  	s8 =	simm.s32 $0xE;
	v11 =	vld.idx.msk [tilespmem:v11+s28+$0x0], $0xffff;
	v10 =	vor.u32 s4, v5  }
0x8b: {  	v21 =	vor.u32 s8, v6;
	v24 =	vld.idx.msk [tilespmem:v15+s28+$0x0], $0xffff;
	v14 =	vadd.f32 v14, v8  }
0x8c: {  	v26 =	vor.u32 s20, v6;
	p3 =	por $0x1, $0x1;
	v15 =	vld.idx.msk [tilespmem:v19+s28+$0x0], $0xffff  }
.Ltmp5:
0x8d: {  	v16 =	vadd.f32 v18, v16;
	v18 =	vld.idx.msk [tilespmem:v20+s28+$0x0], $0xffff;
	v13 =	vadd.f32 v13, v14;
	(pc) =	sbr.rel @!p3 .LBB2_9-.Ltmp5, $4  }
0x8e: {  	v19 =	vor.u32 s20, v7;
	s20 =	simm.s32 $0x109;
	v8 =	vld.idx.msk [tilespmem:v9+s28+$0x0], $0xffff  }
0x8f: {  	s23 =	simm.s32 $0x108;
	v20 =	vor.u32 s20, v1;
	s20 =	simm.s32 $0x200;
	v12 =	vadd.f32 v12, v16;
	v9 =	vld.idx.msk [tilespmem:v10+s28+$0x0], $0xffff;
	v13 =	vadd.f32 v11, v13  }
0x90: {  	v22 =	vor.u32 s23, v0;
	v23 =	vor.u32 s20, v0;
	v10 =	vld.idx.msk [tilespmem:v21+s28+$0x0], $0xffff  }
0x91: {  	p2 =	por $0x1, $0x1;
	v21 =	vld.idx.msk [tilespmem:v26+s28+$0x0], $0xffff;
	v11 =	vor.u32 s19, v7;
	s19 =	simm.s32 $0x30F;
	v25 =	vadd.f32 v17, v12;
	v12 =	vadd.f32 v24, v13  }
0x92: {  	_ =	sdelay $0x2  }
0x93: {  	v13 =	vor.u32 s20, v1  }
0x94: {  	v14 =	vld.idx.msk [tilespmem:v11+s28+$0x0], $0xffff;
	v15 =	vadd.f32 v15, v25  }
0x95: {  	v16 =	vld.idx.msk [tilespmem:v19+s28+$0x0], $0xffff;
	v19 =	vor.u32 s20, v2  }
0x96: {  	s13 =	simm.s32 $0x10A;
	v20 =	vld.idx.msk [tilespmem:v20+s28+$0x0], $0xffff;
	v24 =	vor.u32 s20, v3;
	v15 =	vadd.f32 v18, v15  }
0x97: {  	s8 =	simm.s32 $0x10B;
	v17 =	vor.u32 s13, v2;
	v18 =	vld.idx.msk [tilespmem:v22+s28+$0x0], $0xffff  }
0x98: {  	s23 =	simm.s32 $0x10C;
	v22 =	vor.u32 s8, v3;
	v25 =	vld.idx.msk [tilespmem:v13+s28+$0x0], $0xffff;
	v13 =	vadd.f32 v21, v15  }
0x99: {  	v23 =	vld.idx.msk [tilespmem:v23+s28+$0x0], $0xffff;
	s4 =	simm.s32 $0x10D;
	v15 =	vor.u32 s23, v4;
	v21 =	vadd.f32 v8, v12  }
0x9a: {  	v27 =	vld.idx.msk [tilespmem:v19+s28+$0x0], $0xffff;
	v13 =	vadd.f32 v16, v13;
	v16 =	vor.u32 s4, v5  }
0x9b: {  	v26 =	vor.u32 s20, v4;
	v24 =	vld.idx.msk [tilespmem:v24+s28+$0x0], $0xffff;
	v19 =	vadd.f32 v9, v21  }
0x9c: {  	v17 =	vld.idx.msk [tilespmem:v17+s28+$0x0], $0xffff;
	v21 =	vor.u32 s20, v5  }
0x9d: {  	v30 =	vor.u32 s20, v6;
	s8 =	simm.s32 $0x10E;
	v28 =	vld.idx.msk [tilespmem:v22+s28+$0x0], $0xffff;
	v18 =	vadd.f32 v18, v13;
	v19 =	vadd.f32 v10, v19  }
0x9e: {  	p3 =	por $0x1, $0x1;
	v29 =	vor.u32 s8, v6;
	v13 =	vld.idx.msk [tilespmem:v15+s28+$0x0], $0xffff;
	v22 =	vadd.f32 v25, v23  }
.Ltmp6:
0x9f: {  	v20 =	vadd.f32 v20, v18;
	v23 =	vadd.f32 v14, v19;
	v14 =	vld.idx.msk [tilespmem:v16+s28+$0x0], $0xffff;
	v16 =	vor.u32 s21, v7;
	(pc) =	sbr.rel @!p3 .LBB2_11-.Ltmp6, $4  }
0xa0: {  	v15 =	vld.idx.msk [tilespmem:v26+s28+$0x0], $0xffff;
	v19 =	vor.u32 s20, v7;
	s20 =	simm.s32 $0x209  }
0xa1: {  	s23 =	simm.s32 $0x208;
	v25 =	vadd.f32 v27, v22;
	v18 =	vld.idx.msk [tilespmem:v21+s28+$0x0], $0xffff;
	v26 =	vadd.f32 v17, v20;
	v20 =	vor.u32 s20, v1  }
0xa2: {  	v22 =	vor.u32 s23, v0;
	v21 =	vld.idx.msk [tilespmem:v30+s28+$0x0], $0xffff;
	s20 =	simm.s32 $0x300  }
0xa3: {  	p0 =	por $0x1, $0x1;
	s13 =	simm.s32 $0x40F;
	s23 =	smov.u32 s16;
	v17 =	vld.idx.msk [tilespmem:v29+s28+$0x0], $0xffff;
	[tilespmem:s16+$0x0] =	vst v23;
	v23 =	vor.u32 s20, v0;
	v25 =	vadd.f32 v24, v25;
	v24 =	vadd.f32 v28, v26  }
.LBB2_12:
0xa4: {  	p3 =	sne.s32 s13, $0x40F;
	v26 =	vor.u32 s20, v1;
	s21 =	sadd.s32 $0xFFFFFFFB, s22;
	v16 =	vld.idx.msk [tilespmem:v16+s28+$0x0], $0xffff  }
0xa5: {  	v15 =	vadd.f32 v15, v25;
	v19 =	vld.idx.msk [tilespmem:v19+s28+$0x0], $0xffff;
	v25 =	vor.u32 s21, v2;
	v13 =	vadd.f32 v13, v24  }
0xa6: {  	v24 =	vor.u32 s20, v2;
	s21 =	sadd.s32 $0xFFFFFFFC, s22;
	v20 =	vld.idx.msk [tilespmem:v20+s28+$0x0], $0xffff  }
0xa7: {  	v15 =	vadd.f32 v18, v15;
	v18 =	vld.idx.msk [tilespmem:v22+s28+$0x0], $0xffff;
	v22 =	vor.u32 s21, v3;
	v13 =	vadd.f32 v14, v13  }
0xa8: {  	s21 =	sadd.s32 $0xFFFFFFFD, s22;
	v14 =	vld.idx.msk [tilespmem:v23+s28+$0x0], $0xffff;
	v23 =	vor.u32 s20, v3  }
0xa9: {  	v26 =	vld.idx.msk [tilespmem:v26+s28+$0x0], $0xffff;
	v15 =	vadd.f32 v21, v15;
	v21 =	vor.u32 s21, v4;
	v13 =	vadd.f32 v17, v13  }
0xaa: {  	v17 =	vor.u32 s20, v4;
	s21 =	sadd.s32 $0xFFFFFFFE, s22;
	v25 =	vld.idx.msk [tilespmem:v25+s28+$0x0], $0xffff  }
0xab: {  	v27 =	vor.u32 s21, v5;
	v24 =	vld.idx.msk [tilespmem:v24+s28+$0x0], $0xffff;
	v15 =	vadd.f32 v19, v15;
	v13 =	vadd.f32 v16, v13  }
0xac: {  	v28 =	vor.u32 s20, v5;
	s23 =	sadd.s32 $0x10, s23;
	s21 =	sadd.s32 $0xFFFFFFFF, s22;
	v29 =	vld.idx.msk [tilespmem:v22+s28+$0x0], $0xffff  }
0xad: {  	v30 =	vld.idx.msk [tilespmem:v23+s28+$0x0], $0xffff;
	v16 =	vadd.f32 v18, v15;
	v23 =	vor.u32 s21, v6;
	[tilespmem:s23+$0x0] =	vst v13  }
0xae: {  	v31 =	vor.u32 s20, v6;
	v13 =	vld.idx.msk [tilespmem:v21+s28+$0x0], $0xffff  }
.Ltmp7:
0xaf: {  	v18 =	vadd.f32 v26, v14;
	v15 =	vld.idx.msk [tilespmem:v17+s28+$0x0], $0xffff;
	v17 =	vadd.f32 v20, v16;
	v16 =	vor.u32 s22, v7;
	s22 =	smov.u32 s19;
	s19 =	smov.u32 s13;
	(pc) =	sbr.rel @p3 .LBB2_12-.Ltmp7, $4  }
0xb0: {  	v19 =	vor.u32 s20, v7;
	s20 =	sadd.s32 $0xFFFFFFFA, s22;
	v14 =	vld.idx.msk [tilespmem:v27+s28+$0x0], $0xffff  }
0xb1: {  	v21 =	vadd.f32 v24, v18;
	s21 =	sadd.s32 $0xFFFFFFF9, s22;
	v18 =	vld.idx.msk [tilespmem:v28+s28+$0x0], $0xffff;
	v20 =	vor.u32 s20, v1;
	v24 =	vadd.f32 v25, v17  }
0xb2: {  	s20 =	sadd.s32 $0xFFFFFFF1, s13;
	v22 =	vor.u32 s21, v0;
	v17 =	vld.idx.msk [tilespmem:v23+s28+$0x0], $0xffff  }
0xb3: {  	s13 =	sadd.s32 $0x100, s13;
	v23 =	vor.u32 s20, v0;
	v25 =	vadd.f32 v30, v21;
	v21 =	vld.idx.msk [tilespmem:v31+s28+$0x0], $0xffff;
	v24 =	vadd.f32 v29, v24  }
0xb4: {  	s21 =	smov.u32 s22  }
.LBB2_14:
0xb5: {  	v26 =	vor.u32 s20, v1;
	_ =	sdelay $0x1  }
0xb6: {  	v27 =	vor.u32 s20, v2;
	_ =	sdelay $0x1  }
0xb7: {  	v23 =	vld.idx.msk [tilespmem:v23+s28+$0x0], $0xffff;
	v28 =	vor.u32 s20, v3  }
0xb8: {  	v26 =	vld.idx.msk [tilespmem:v26+s28+$0x0], $0xffff  }
0xb9: {  	v29 =	vor.u32 s20, v4  }
0xba: {  	v27 =	vld.idx.msk [tilespmem:v27+s28+$0x0], $0xffff  }
0xbb: {  	v30 =	vor.u32 s20, v5  }
0xbc: {  	v28 =	vld.idx.msk [tilespmem:v28+s28+$0x0], $0xffff  }
0xbd: {  	v46 =	vor.u32 s20, v6;
	v23 =	vadd.f32 v26, v23  }
0xbe: {  	v29 =	vld.idx.msk [tilespmem:v29+s28+$0x0], $0xffff  }
0xbf: {  	v47 =	vor.u32 s20, v7;
	v23 =	vadd.f32 v27, v23  }
0xc0: {  	v15 =	vadd.f32 @p1 v15, v25;
	s13 =	sadd.s32 $0xFFFFFFF9, s19;
	v48 =	vld.idx.msk [tilespmem:v30+s28+$0x0], $0xffff  }
0xc1: {  	s20 =	sadd.s32 @p1 $0xFFFFFFFB, s21;
	v19 =	vld.idx.msk @p1 [tilespmem:v19+s28+$0x0], $0xffff;
	v49 =	vor.u32 s13, v0;
	v23 =	vadd.f32 v28, v23  }
0xc2: {  	s4 =	sadd.s32 $0xFFFFFFFA, s19;
	v15 =	vadd.f32 @p1 v18, v15;
	v18 =	vor.u32 @p1 s20, v2;
	v26 =	vld.idx.msk [tilespmem:v46+s28+$0x0], $0xffff  }
0xc3: {  	v22 =	vld.idx.msk @p1 [tilespmem:v22+s28+$0x0], $0xffff;
	s8 =	sadd.s32 $0xFFFFFFFB, s19;
	v50 =	vor.u32 s4, v1;
	v23 =	vadd.f32 v29, v23  }
0xc4: {  	v51 =	vor.u32 s8, v2;
	s20 =	sadd.s32 @p1 $0xFFFFFFFC, s21;
	v15 =	vadd.f32 @p1 v21, v15;
	v27 =	vld.idx.msk [tilespmem:v47+s28+$0x0], $0xffff  }
0xc5: {  	v20 =	vld.idx.msk @p1 [tilespmem:v20+s28+$0x0], $0xffff;
	v21 =	vor.u32 @p1 s20, v3;
	s20 =	sadd.s32 @p1 $0xFFFFFFFD, s21;
	v23 =	vadd.f32 v48, v23  }
0xc6: {  	s22 =	sadd.s32 $0xFFFFFFFC, s19;
	v15 =	vadd.f32 @p1 v19, v15;
	v19 =	vor.u32 @p1 s20, v4;
	v28 =	vld.idx.msk [tilespmem:v49+s28+$0x0], $0xffff  }
0xc7: {  	v52 =	vor.u32 s22, v3;
	s4 =	sadd.s32 $0xFFFFFFFD, s19;
	v18 =	vld.idx.msk @p1 [tilespmem:v18+s28+$0x0], $0xffff;
	v23 =	vadd.f32 v26, v23  }
0xc8: {  	v53 =	vor.u32 s4, v4;
	s20 =	sadd.s32 @p1 $0xFFFFFFFE, s21;
	v15 =	vadd.f32 @p1 v22, v15;
	v29 =	vld.idx.msk [tilespmem:v50+s28+$0x0], $0xffff  }
0xc9: {  	s8 =	sadd.s32 $0xFFFFFFFE, s19;
	v25 =	vld.idx.msk [tilespmem:v51+s28+$0x0], $0xffff;
	v22 =	vor.u32 @p1 s20, v5;
	v23 =	vadd.f32 v27, v23  }
0xca: {  	v54 =	vor.u32 s8, v5;
	s20 =	sadd.s32 @p1 $0xFFFFFFFF, s21;
	v21 =	vld.idx.msk @p1 [tilespmem:v21+s28+$0x0], $0xffff;
	v15 =	vadd.f32 @p1 v20, v15  }
0xcb: {  	v20 =	vor.u32 @p1 s20, v6;
	v19 =	vld.idx.msk @p1 [tilespmem:v19+s28+$0x0], $0xffff;
	v23 =	vadd.f32 v28, v23  }
0xcc: {  	s20 =	sadd.s32 $0xFFFFFFFF, s19;
	v15 =	vadd.f32 @p1 v18, v15;
	v18 =	vld.idx.msk [tilespmem:v52+s28+$0x0], $0xffff  }
0xcd: {  	v56 =	vld.idx.msk [tilespmem:v53+s28+$0x0], $0xffff;
	v55 =	vor.u32 s20, v6;
	v26 =	vor.u32 @p1 s21, v7;
	v23 =	vadd.f32 v29, v23  }
0xce: {  	v22 =	vld.idx.msk @p1 [tilespmem:v22+s28+$0x0], $0xffff;
	v11 =	vpsel p1, v26, v11  }
0xcf: {  	v58 =	vor.u32 s19, v7;
	v59 =	vld.idx.msk [tilespmem:v54+s28+$0x0], $0xffff;
	v15 =	vadd.f32 @p1 v21, v15;
	v57 =	vadd.f32 v25, v23  }
0xd0: {  	v13 =	vadd.f32 @p2 v13, v24;
	v20 =	vld.idx.msk @p1 [tilespmem:v20+s28+$0x0], $0xffff  }
0xd1: {  	v16 =	vld.idx.msk @p2 [tilespmem:v16+s28+$0x0], $0xffff;
	v12 =	vpsel p1, v15, v12;
	v8 =	vpsel p1, v19, v8;
	v15 =	vadd.f32 v18, v57  }
0xd2: {  	v8 =	vadd.f32 @p1 v8, v12;
	v12 =	vld.idx.msk [tilespmem:v55+s28+$0x0], $0xffff  }
0xd3: {  	v13 =	vadd.f32 @p2 v14, v13;
	v9 =	vpsel p1, v22, v9;
	v11 =	vld.idx.msk @p1 [tilespmem:v11+s28+$0x0], $0xffff;
	v14 =	vadd.f32 v56, v15  }
0xd4: {  	v8 =	vadd.f32 @p1 v9, v8;
	v9 =	vld.idx.msk [tilespmem:v58+s28+$0x0], $0xffff  }
0xd5: {  	s13 =	sadd.s32 @p0 $0x10, s23;
	v13 =	vadd.f32 @p2 v17, v13;
	s19 =	smov.u32 s16;
	v10 =	vpsel p1, v20, v10;
	v14 =	vadd.f32 v59, v14  }
0xd6: {  	s19 =	smov.u32 @p0 s13;
	v8 =	vadd.f32 @p1 v10, v8  }
0xd7: {  	s20 =	smov.u32 s16;
	s13 =	sadd.s32 @p2 $0x10, s19;
	v10 =	vadd.f32 @p2 v16, v13;
	v12 =	vadd.f32 v12, v14  }
0xd8: {  	p0 =	seq.s32 s17, $0x18;
	s20 =	smov.u32 @p2 s13;
	v8 =	vadd.f32 @p1 v11, v8  }
0xd9: {  	s13 =	sadd.s32 @p1 $0x10, s20;
	s21 =	smov.u32 s16;
	[tilespmem:s19+$0x0] =	vst @p2 v10;
	s19 =	smul.u32 @!p0 $0x190, s17;
	v9 =	vadd.f32 v9, v12  }
0xda: {  	s21 =	smov.u32 @p1 s13;
	[tilespmem:s20+$0x0] =	vst @p1 v8  }
0xdb: {  	s13 =	sadd.s32 @!p0 $0x190, s19;
	s20 =	simm.s32 @!p0 $0x50;
	[tilespmem:s21+$0x0] =	vst v9;
	s21 =	simm.s32 @!p0 $0x4E20  }
0xdc: {  	[tilespmem:s21], [sflag:$0x1] =	stream.indirect.gather @!p0 [hbm4b:s3+s20], $0x40, s13, s20, $0xb8;
	[tilespmem:$0x14230] =	vst v63  }
0xdd: {  	s13 =	sadd.s32 @!p0 $0x28A0, s19;
	s21 =	simm.s32 @!p0 $0xB220  }
0xde: {  	[tilespmem:s21], [sflag:$0x1] =	stream.indirect.gather @!p0 [hbm4b:s3+s20], $0x40, s13, s20, $0xb8;
	[tilespmem:$0x14230] =	vst v63  }
0xdf: {  	_ =	swait.ge [sflag:s29], $0x1400  }
0xe0: {  	[sflag:s29] =	ssyncset.done $0x0  }
0xe1: {  	[sflag:s29] =	ssyncadd.s32 $0xFFFFEC00  }
0xe2: {  	_ =	swait.ge [sflag:s29], $0x1400  }
0xe3: {  	[sflag:s29] =	ssyncset.done $0x0  }
0xe4: {  	s21 =	simm.s32 $0x6260;
	[sflag:s29] =	ssyncadd.s32 $0xFFFFEC00  }
0xe5: {  	v8 =	vld [tilespmem:s21+$0x20]  }
0xe6: {  	s22 =	simm.s32 $0xC660;
	v9 =	vld [tilespmem:s21+$0x0]  }
0xe7: {  	v10 =	vld [tilespmem:s22+$0x0]  }
0xe8: {  	v11 =	vld [tilespmem:s21+$0x10]  }
0xe9: {  	v12 =	vld [tilespmem:s22+$0x10]  }
0xea: {  	v13 =	vld [tilespmem:s22+$0x20]  }
0xeb: {  	v14 =	vld [tilespmem:s22+$0xFFFFFFC0]  }
0xec: {  	v15 =	vld [tilespmem:s21+$0x30]  }
0xed: {  	v16 =	vld [tilespmem:s22+$0x30]  }
0xee: {  	v17 =	vld [tilespmem:s21+$0xFFFFFFD0]  }
0xef: {  	v20 =	vld [tilespmem:s22+$0xFFFFFFE0]  }
0xf0: {  	v9 =	vmul.bf16 v10, v9;
	v10 =	vld [tilespmem:s22+$0xFFFFFFD0]  }
0xf1: {  	v11 =	vmul.bf16 v12, v11;
	v12 =	vld [tilespmem:s21+$0xFFFFFFC0]  }
0xf2: {  	v8 =	vmul.bf16 v13, v8;
	v13 =	vld [tilespmem:s21+$0xFFFFFFE0];
	v18 =	vunpack.i.u.bf16.f32 v9  }
0xf3: {  	v9 =	vunpack.i.l.bf16.f32 v9;
	v19 =	vunpack.i.u.bf16.f32 v11;
	v11 =	vunpack.i.l.bf16.f32 v11  }
0xf4: {  	s13 =	simm.s32 $0xC6E0;
	v60 =	vld [tilespmem:s22+$0xFFFFFFF0];
	v9 =	vadd.f32 v9, v18;
	v11 =	vadd.f32 v11, v19  }
0xf5: {  	v15 =	vmul.bf16 v16, v15;
	v16 =	vld [tilespmem:s13+$0x0];
	v19 =	vunpack.i.u.bf16.f32 v8;
	v8 =	vunpack.i.l.bf16.f32 v8  }
0xf6: {  	s23 =	simm.s32 $0x62E0;
	v18 =	vld [tilespmem:s21+$0xFFFFFFF0];
	v8 =	vadd.f32 v8, v19;
	v9 =	vadd.f32 v11, v9;
	v10 =	vmul.bf16 v10, v17  }
0xf7: {  	v19 =	vld [tilespmem:s23+$0x10];
	v12 =	vmul.bf16 v14, v12;
	v13 =	vmul.bf16 v20, v13  }
0xf8: {  	v11 =	vld [tilespmem:s23+$0x20];
	v20 =	vunpack.i.u.bf16.f32 v15;
	v15 =	vunpack.i.l.bf16.f32 v15;
	v9 =	vadd.f32 v8, v9  }
0xf9: {  	v14 =	vld [tilespmem:s23+$0x0];
	v8 =	vunpack.i.u.bf16.f32 v10;
	v10 =	vunpack.i.l.bf16.f32 v10;
	v17 =	vunpack.i.u.bf16.f32 v12  }
0xfa: {  	v12 =	vunpack.i.l.bf16.f32 v12;
	v61 =	vunpack.i.u.bf16.f32 v13;
	v8 =	vadd.f32 v10, v8;
	v10 =	vld [tilespmem:s13+$0x10]  }
0xfb: {  	v13 =	vunpack.i.l.bf16.f32 v13;
	v12 =	vadd.f32 v12, v17;
	v17 =	vmul.bf16 v60, v18;
	v18 =	vld [tilespmem:s13+$0x20]  }
0xfc: {  	v62 =	vld [tilespmem:s23+$0x30];
	v15 =	vadd.f32 v15, v20;
	v13 =	vadd.f32 v13, v61  }
0xfd: {  	v12 =	vadd.f32 v8, v12;
	v8 =	vld [tilespmem:s13+$0xFFFFFFC0];
	v20 =	vunpack.i.u.bf16.f32 v17;
	v17 =	vunpack.i.l.bf16.f32 v17  }
0xfe: {  	v14 =	vmul.bf16 v16, v14;
	v16 =	vld [tilespmem:s13+$0x30];
	v17 =	vadd.f32 v17, v20  }
0xff: {  	v12 =	vadd.f32 v13, v12;
	v13 =	vadd.f32 v15, v9;
	v15 =	vld [tilespmem:s23+$0xFFFFFFD0];
	v9 =	vmul.bf16 v10, v19  }
0x100: {  	v19 =	vld [tilespmem:s13+$0xFFFFFFD0];
	v10 =	vunpack.i.u.bf16.f32 v14;
	v11 =	vmul.bf16 v18, v11;
	v14 =	vunpack.i.l.bf16.f32 v14  }
0x101: {  	v17 =	vadd.f32 v17, v12;
	v12 =	vld [tilespmem:s23+$0xFFFFFFC0];
	v18 =	vunpack.i.u.bf16.f32 v9;
	v20 =	vunpack.i.l.bf16.f32 v9  }
0x102: {  	s20 =	simm.s32 $0x11630;
	v14 =	vadd.f32 v14, v10;
	v10 =	vld [tilespmem:s13+$0xFFFFFFE0];
	v18 =	vadd.f32 v20, v18  }
0x103: {  	[tilespmem:s20+$0x0] =	vst v13;
	v13 =	vld [tilespmem:s13+$0xFFFFFFF0];
	v63 =	vunpack.i.l.bf16.f32 v11;
	v21 =	vmul.bf16 v16, v62;
	v20 =	vunpack.i.u.bf16.f32 v11  }
0x104: {  	v9 =	vld [tilespmem:s23+$0xFFFFFFE0];
	v16 =	vadd.f32 v18, v14;
	v18 =	vadd.f32 v63, v20  }
0x105: {  	s22 =	simm.s32 $0x6360;
	s21 =	simm.s32 $0x2;
	v11 =	vld [tilespmem:s23+$0xFFFFFFF0];
	[tilespmem:s20+$0xFFFFFFF0] =	vst v17;
	v17 =	vmul.bf16 v19, v15;
	v14 =	vunpack.i.u.bf16.f32 v21;
	v15 =	vunpack.i.l.bf16.f32 v21  }
.LBB2_15:
0x106: {  	v19 =	vld [tilespmem:s22+$0x20];
	v8 =	vmul.bf16 v8, v12;
	v12 =	vadd.f32 v18, v16;
	v14 =	vadd.f32 v15, v14  }
0x107: {  	s13 =	sadd.s32 $0x80, s13;
	v15 =	vld [tilespmem:s22+$0x0];
	v16 =	vunpack.i.u.bf16.f32 v17;
	v17 =	vunpack.i.l.bf16.f32 v17  }
0x108: {  	v18 =	vld [tilespmem:s13+$0x0];
	v20 =	vunpack.i.u.bf16.f32 v8;
	v8 =	vunpack.i.l.bf16.f32 v8;
	v12 =	vadd.f32 v14, v12  }
0x109: {  	s20 =	sadd.s32 $0x20, s20;
	v16 =	vadd.f32 v17, v16;
	v9 =	vmul.bf16 v10, v9;
	v14 =	vld [tilespmem:s22+$0x10];
	v8 =	vadd.f32 v8, v20  }
0x10a: {  	s21 =	sadd.s32 $0x2, s21;
	v10 =	vld [tilespmem:s13+$0x10];
	v11 =	vmul.bf16 v13, v11;
	[tilespmem:s20+$0x0] =	vst v12  }
0x10b: {  	p1 =	slt.u32 s21, $0x4E;
	v12 =	vld [tilespmem:s13+$0x20];
	v13 =	vadd.f32 v16, v8;
	v16 =	vunpack.i.u.bf16.f32 v9;
	v9 =	vunpack.i.l.bf16.f32 v9  }
0x10c: {  	v8 =	vld [tilespmem:s13+$0xFFFFFFC0];
	v9 =	vadd.f32 v9, v16;
	v16 =	vunpack.i.u.bf16.f32 v11;
	v11 =	vunpack.i.l.bf16.f32 v11  }
0x10d: {  	v17 =	vld [tilespmem:s22+$0x30];
	v11 =	vadd.f32 v11, v16  }
0x10e: {  	v15 =	vmul.bf16 v18, v15;
	v16 =	vld [tilespmem:s13+$0x30];
	v9 =	vadd.f32 v9, v13  }
0x10f: {  	v13 =	vld [tilespmem:s22+$0xFFFFFFD0];
	v10 =	vmul.bf16 v10, v14  }
0x110: {  	v18 =	vunpack.i.u.bf16.f32 v15;
	v14 =	vld [tilespmem:s13+$0xFFFFFFD0];
	v19 =	vmul.bf16 v12, v19;
	v11 =	vadd.f32 v11, v9  }
.Ltmp8:
0x111: {  	v15 =	vunpack.i.l.bf16.f32 v15;
	v12 =	vld [tilespmem:s22+$0xFFFFFFC0];
	v20 =	vunpack.i.u.bf16.f32 v10;
	v10 =	vunpack.i.l.bf16.f32 v10;
	(pc) =	sbr.rel @p1 .LBB2_15-.Ltmp8, $4  }
0x112: {  	v15 =	vadd.f32 v15, v18;
	v9 =	vld [tilespmem:s22+$0xFFFFFFE0];
	v18 =	vadd.f32 v10, v20;
	[tilespmem:s20+$0xFFFFFFF0] =	vst v11  }
0x113: {  	v20 =	vunpack.i.u.bf16.f32 v19;
	v19 =	vunpack.i.l.bf16.f32 v19;
	v10 =	vld [tilespmem:s13+$0xFFFFFFE0];
	v21 =	vmul.bf16 v16, v17  }
0x114: {  	v11 =	vld [tilespmem:s22+$0xFFFFFFF0];
	v16 =	vadd.f32 v18, v15;
	v18 =	vadd.f32 v19, v20  }
0x115: {  	s22 =	sadd.s32 $0x80, s22;
	v17 =	vmul.bf16 v14, v13;
	v13 =	vld [tilespmem:s13+$0xFFFFFFF0];
	v14 =	vunpack.i.u.bf16.f32 v21;
	v15 =	vunpack.i.l.bf16.f32 v21  }
0x116: {  	v8 =	vmul.bf16 v8, v12  }
0x117: {  	v55 =	vadd.f32 v18, v16;
	v56 =	vunpack.i.u.bf16.f32 v17;
	v57 =	vunpack.i.l.bf16.f32 v17  }
0x118: {  	v58 =	vunpack.i.u.bf16.f32 v8;
	v8 =	vunpack.i.l.bf16.f32 v8;
	v9 =	vmul.bf16 v10, v9  }
0x119: {  	v59 =	vadd.f32 v57, v56;
	v8 =	vadd.f32 v8, v58  }
0x11a: {  	v11 =	vmul.bf16 v13, v11;
	v60 =	vunpack.i.u.bf16.f32 v9;
	v9 =	vunpack.i.l.bf16.f32 v9  }
0x11b: {  	v8 =	vadd.f32 v59, v8;
	v9 =	vadd.f32 v9, v60  }
0x11c: {  	v61 =	vadd.f32 v15, v14;
	p4 =	por $0x1, $0x1;
	v62 =	vunpack.i.u.bf16.f32 v11;
	v11 =	vunpack.i.l.bf16.f32 v11  }
.Ltmp9:
0x11d: {  	v11 =	vadd.f32 v11, v62;
	v8 =	vadd.f32 v9, v8;
	(pc) =	sbr.rel @!p4 .LBB2_17-.Ltmp9, $4  }
0x11e: {  	v63 =	vadd.f32 v61, v55  }
0x11f: {  	s13 =	sadd.s32 $0x20, s20;
	v8 =	vadd.f32 v11, v8  }
0x120: {  	s20 =	simm.s32 $0xF;
	s21 =	simm.s32 $0x0;
	s23 =	simm.s32 $0x10F;
	[tilespmem:s13+$0x0] =	vst v63  }
0x121: {  	p1 =	por $0x0, $0x0;
	p2 =	por $0x0, $0x0;
	p3 =	por $0x0, $0x0;
	v23 =	vor.u32 s21, v0;
	[tilespmem:s13+$0xFFFFFFF0] =	vst v8  }
0x122: {  	v8 =	vor.u32 s21, v1;
	_ =	sdelay $0x1  }
0x123: {  	v9 =	vor.u32 s21, v2;
	_ =	sdelay $0x1  }
0x124: {  	v10 =	vld.idx.msk [tilespmem:v23+s28+$0x0], $0xffff;
	v11 =	vor.u32 s21, v3  }
0x125: {  	v8 =	vld.idx.msk [tilespmem:v8+s28+$0x0], $0xffff;
	_ =	sdelay $0x1  }
0x126: {  	v12 =	vor.u32 s21, v4;
	v9 =	vld.idx.msk [tilespmem:v9+s28+$0x0], $0xffff  }
0x127: {  	v13 =	vor.u32 s21, v5  }
0x128: {  	v14 =	vor.u32 s21, v6;
	p4 =	por $0x1, $0x1;
	v11 =	vld.idx.msk [tilespmem:v11+s28+$0x0], $0xffff  }
.Ltmp10:
0x129: {  	v8 =	vadd.f32 v8, v10;
	(pc) =	sbr.rel @!p4 .LBB2_19-.Ltmp10, $4  }
0x12a: {  	_ = 	snop  }
0x12b: {  	s13 =	simm.s32 $0x9;
	v15 =	vld.idx.msk [tilespmem:v12+s28+$0x0], $0xffff;
	v8 =	vadd.f32 v9, v8  }
0x12c: {  	v19 =	vor.u32 s21, v7;
	s22 =	simm.s32 $0x8;
	s21 =	simm.s32 $0x100;
	v20 =	vor.u32 s13, v1;
	v18 =	vld.idx.msk [tilespmem:v13+s28+$0x0], $0xffff  }
0x12d: {  	p1 =	por $0x1, $0x1;
	v22 =	vor.u32 s22, v0;
	v23 =	vor.u32 s21, v0;
	s22 =	simm.s32 $0x20F;
	v21 =	vld.idx.msk [tilespmem:v14+s28+$0x0], $0xffff;
	v25 =	vadd.f32 v11, v8  }
0x12e: {  	_ =	sdelay $0x2  }
0x12f: {  	v8 =	vor.u32 s21, v1  }
0x130: {  	v10 =	vld.idx.msk [tilespmem:v19+s28+$0x0], $0xffff;
	v12 =	vor.u32 s21, v2;
	v9 =	vadd.f32 v15, v25  }
0x131: {  	s13 =	simm.s32 $0xA;
	v13 =	vld.idx.msk [tilespmem:v20+s28+$0x0], $0xffff;
	v17 =	vor.u32 s21, v3  }
0x132: {  	s4 =	simm.s32 $0xB;
	v14 =	vld.idx.msk [tilespmem:v22+s28+$0x0], $0xffff;
	v11 =	vor.u32 s13, v2;
	v9 =	vadd.f32 v18, v9  }
0x133: {  	v16 =	vld.idx.msk [tilespmem:v23+s28+$0x0], $0xffff;
	v15 =	vor.u32 s4, v3  }
0x134: {  	v19 =	vor.u32 s21, v4;
	v18 =	vld.idx.msk [tilespmem:v8+s28+$0x0], $0xffff;
	v8 =	vadd.f32 v21, v9  }
0x135: {  	s8 =	simm.s32 $0xC;
	v20 =	vor.u32 s21, v5;
	v12 =	vld.idx.msk [tilespmem:v12+s28+$0x0], $0xffff  }
0x136: {  	s4 =	simm.s32 $0xD;
	v17 =	vld.idx.msk [tilespmem:v17+s28+$0x0], $0xffff;
	v9 =	vor.u32 s8, v4;
	v8 =	vadd.f32 v10, v8  }
0x137: {  	v11 =	vld.idx.msk [tilespmem:v11+s28+$0x0], $0xffff;
	s8 =	simm.s32 $0xE;
	v10 =	vor.u32 s4, v5  }
0x138: {  	v24 =	vld.idx.msk [tilespmem:v15+s28+$0x0], $0xffff;
	v21 =	vor.u32 s8, v6;
	v14 =	vadd.f32 v14, v8  }
0x139: {  	v26 =	vor.u32 s21, v6;
	p4 =	por $0x1, $0x1;
	v15 =	vld.idx.msk [tilespmem:v19+s28+$0x0], $0xffff  }
.Ltmp11:
0x13a: {  	v16 =	vadd.f32 v18, v16;
	v18 =	vld.idx.msk [tilespmem:v20+s28+$0x0], $0xffff;
	v13 =	vadd.f32 v13, v14;
	(pc) =	sbr.rel @!p4 .LBB2_21-.Ltmp11, $4  }
0x13b: {  	v19 =	vor.u32 s21, v7;
	s21 =	simm.s32 $0x109;
	v8 =	vld.idx.msk [tilespmem:v9+s28+$0x0], $0xffff  }
0x13c: {  	s8 =	simm.s32 $0x108;
	v20 =	vor.u32 s21, v1;
	s21 =	simm.s32 $0x200;
	v12 =	vadd.f32 v12, v16;
	v9 =	vld.idx.msk [tilespmem:v10+s28+$0x0], $0xffff;
	v13 =	vadd.f32 v11, v13  }
0x13d: {  	v22 =	vor.u32 s8, v0;
	v23 =	vor.u32 s21, v0;
	v10 =	vld.idx.msk [tilespmem:v21+s28+$0x0], $0xffff  }
0x13e: {  	p2 =	por $0x1, $0x1;
	v21 =	vld.idx.msk [tilespmem:v26+s28+$0x0], $0xffff;
	v11 =	vor.u32 s20, v7;
	s20 =	simm.s32 $0x30F;
	v25 =	vadd.f32 v17, v12;
	v12 =	vadd.f32 v24, v13  }
0x13f: {  	_ =	sdelay $0x2  }
0x140: {  	v13 =	vor.u32 s21, v1  }
0x141: {  	v14 =	vld.idx.msk [tilespmem:v11+s28+$0x0], $0xffff;
	v15 =	vadd.f32 v15, v25  }
0x142: {  	v16 =	vld.idx.msk [tilespmem:v19+s28+$0x0], $0xffff;
	v19 =	vor.u32 s21, v2  }
0x143: {  	s8 =	simm.s32 $0x10A;
	v20 =	vld.idx.msk [tilespmem:v20+s28+$0x0], $0xffff;
	v24 =	vor.u32 s21, v3;
	v15 =	vadd.f32 v18, v15  }
0x144: {  	s4 =	simm.s32 $0x10B;
	v17 =	vor.u32 s8, v2;
	v18 =	vld.idx.msk [tilespmem:v22+s28+$0x0], $0xffff  }
0x145: {  	s13 =	simm.s32 $0x10C;
	v22 =	vor.u32 s4, v3;
	v25 =	vld.idx.msk [tilespmem:v13+s28+$0x0], $0xffff;
	v13 =	vadd.f32 v21, v15  }
0x146: {  	v23 =	vld.idx.msk [tilespmem:v23+s28+$0x0], $0xffff;
	s4 =	simm.s32 $0x10D;
	v15 =	vor.u32 s13, v4;
	v21 =	vadd.f32 v8, v12  }
0x147: {  	v27 =	vld.idx.msk [tilespmem:v19+s28+$0x0], $0xffff;
	v13 =	vadd.f32 v16, v13;
	v16 =	vor.u32 s4, v5  }
0x148: {  	v26 =	vor.u32 s21, v4;
	v24 =	vld.idx.msk [tilespmem:v24+s28+$0x0], $0xffff;
	v19 =	vadd.f32 v9, v21  }
0x149: {  	v17 =	vld.idx.msk [tilespmem:v17+s28+$0x0], $0xffff;
	v21 =	vor.u32 s21, v5  }
0x14a: {  	v30 =	vor.u32 s21, v6;
	s13 =	simm.s32 $0x10E;
	v28 =	vld.idx.msk [tilespmem:v22+s28+$0x0], $0xffff;
	v18 =	vadd.f32 v18, v13;
	v19 =	vadd.f32 v10, v19  }
0x14b: {  	p4 =	por $0x1, $0x1;
	v29 =	vor.u32 s13, v6;
	v13 =	vld.idx.msk [tilespmem:v15+s28+$0x0], $0xffff;
	v22 =	vadd.f32 v25, v23  }
.Ltmp12:
0x14c: {  	v20 =	vadd.f32 v20, v18;
	v23 =	vadd.f32 v14, v19;
	v14 =	vld.idx.msk [tilespmem:v16+s28+$0x0], $0xffff;
	v16 =	vor.u32 s23, v7;
	(pc) =	sbr.rel @!p4 .LBB2_23-.Ltmp12, $4  }
0x14d: {  	v15 =	vld.idx.msk [tilespmem:v26+s28+$0x0], $0xffff;
	v19 =	vor.u32 s21, v7;
	s21 =	simm.s32 $0x209  }
0x14e: {  	s13 =	simm.s32 $0x208;
	v25 =	vadd.f32 v27, v22;
	v18 =	vld.idx.msk [tilespmem:v21+s28+$0x0], $0xffff;
	v26 =	vadd.f32 v17, v20;
	v20 =	vor.u32 s21, v1  }
0x14f: {  	v22 =	vor.u32 s13, v0;
	v21 =	vld.idx.msk [tilespmem:v30+s28+$0x0], $0xffff;
	s21 =	simm.s32 $0x300  }
0x150: {  	p3 =	por $0x1, $0x1;
	s23 =	simm.s32 $0x40F;
	s13 =	smov.u32 s0;
	v17 =	vld.idx.msk [tilespmem:v29+s28+$0x0], $0xffff;
	[tilespmem:s0+$0x0] =	vst v23;
	v23 =	vor.u32 s21, v0;
	v25 =	vadd.f32 v24, v25;
	v24 =	vadd.f32 v28, v26  }
.LBB2_24:
0x151: {  	p4 =	sne.s32 s23, $0x40F;
	v26 =	vor.u32 s21, v1;
	s8 =	sadd.s32 $0xFFFFFFFB, s22;
	v16 =	vld.idx.msk [tilespmem:v16+s28+$0x0], $0xffff  }
0x152: {  	v15 =	vadd.f32 v15, v25;
	v19 =	vld.idx.msk [tilespmem:v19+s28+$0x0], $0xffff;
	v25 =	vor.u32 s8, v2;
	v13 =	vadd.f32 v13, v24  }
0x153: {  	v24 =	vor.u32 s21, v2;
	s8 =	sadd.s32 $0xFFFFFFFC, s22;
	v20 =	vld.idx.msk [tilespmem:v20+s28+$0x0], $0xffff  }
0x154: {  	v15 =	vadd.f32 v18, v15;
	v18 =	vld.idx.msk [tilespmem:v22+s28+$0x0], $0xffff;
	v22 =	vor.u32 s8, v3;
	v13 =	vadd.f32 v14, v13  }
0x155: {  	s8 =	sadd.s32 $0xFFFFFFFD, s22;
	v14 =	vld.idx.msk [tilespmem:v23+s28+$0x0], $0xffff;
	v23 =	vor.u32 s21, v3  }
0x156: {  	v26 =	vld.idx.msk [tilespmem:v26+s28+$0x0], $0xffff;
	v15 =	vadd.f32 v21, v15;
	v21 =	vor.u32 s8, v4;
	v13 =	vadd.f32 v17, v13  }
0x157: {  	v17 =	vor.u32 s21, v4;
	s8 =	sadd.s32 $0xFFFFFFFE, s22;
	v25 =	vld.idx.msk [tilespmem:v25+s28+$0x0], $0xffff  }
0x158: {  	v27 =	vor.u32 s8, v5;
	v24 =	vld.idx.msk [tilespmem:v24+s28+$0x0], $0xffff;
	v15 =	vadd.f32 v19, v15;
	v13 =	vadd.f32 v16, v13  }
0x159: {  	v28 =	vor.u32 s21, v5;
	s13 =	sadd.s32 $0x10, s13;
	s8 =	sadd.s32 $0xFFFFFFFF, s22;
	v29 =	vld.idx.msk [tilespmem:v22+s28+$0x0], $0xffff  }
0x15a: {  	v30 =	vld.idx.msk [tilespmem:v23+s28+$0x0], $0xffff;
	v16 =	vadd.f32 v18, v15;
	v23 =	vor.u32 s8, v6;
	[tilespmem:s13+$0x0] =	vst v13  }
0x15b: {  	v31 =	vor.u32 s21, v6;
	v13 =	vld.idx.msk [tilespmem:v21+s28+$0x0], $0xffff  }
.Ltmp13:
0x15c: {  	v18 =	vadd.f32 v26, v14;
	v15 =	vld.idx.msk [tilespmem:v17+s28+$0x0], $0xffff;
	v17 =	vadd.f32 v20, v16;
	v16 =	vor.u32 s22, v7;
	s22 =	smov.u32 s20;
	s20 =	smov.u32 s23;
	(pc) =	sbr.rel @p4 .LBB2_24-.Ltmp13, $4  }
0x15d: {  	v19 =	vor.u32 s21, v7;
	s8 =	sadd.s32 $0xFFFFFFFA, s22;
	v14 =	vld.idx.msk [tilespmem:v27+s28+$0x0], $0xffff  }
0x15e: {  	v21 =	vadd.f32 v24, v18;
	s4 =	sadd.s32 $0xFFFFFFF9, s22;
	v18 =	vld.idx.msk [tilespmem:v28+s28+$0x0], $0xffff;
	v20 =	vor.u32 s8, v1;
	v24 =	vadd.f32 v25, v17  }
0x15f: {  	s21 =	sadd.s32 $0xFFFFFFF1, s23;
	v22 =	vor.u32 s4, v0;
	v17 =	vld.idx.msk [tilespmem:v23+s28+$0x0], $0xffff  }
0x160: {  	s23 =	sadd.s32 $0x100, s23;
	v23 =	vor.u32 s21, v0;
	v25 =	vadd.f32 v30, v21;
	v21 =	vld.idx.msk [tilespmem:v31+s28+$0x0], $0xffff;
	v24 =	vadd.f32 v29, v24  }
0x161: {  	s23 =	smov.u32 s22  }
.LBB2_26:
0x162: {  	v26 =	vor.u32 s21, v1;
	_ =	sdelay $0x1  }
0x163: {  	v27 =	vor.u32 s21, v2;
	_ =	sdelay $0x1  }
0x164: {  	v23 =	vld.idx.msk [tilespmem:v23+s28+$0x0], $0xffff;
	v28 =	vor.u32 s21, v3  }
0x165: {  	v26 =	vld.idx.msk [tilespmem:v26+s28+$0x0], $0xffff  }
0x166: {  	v29 =	vor.u32 s21, v4  }
0x167: {  	v27 =	vld.idx.msk [tilespmem:v27+s28+$0x0], $0xffff  }
0x168: {  	v30 =	vor.u32 s21, v5  }
0x169: {  	v28 =	vld.idx.msk [tilespmem:v28+s28+$0x0], $0xffff  }
0x16a: {  	v46 =	vor.u32 s21, v6;
	v23 =	vadd.f32 v26, v23  }
0x16b: {  	v29 =	vld.idx.msk [tilespmem:v29+s28+$0x0], $0xffff  }
0x16c: {  	v47 =	vor.u32 s21, v7;
	v23 =	vadd.f32 v27, v23  }
0x16d: {  	v15 =	vadd.f32 @p1 v15, v25;
	s4 =	sadd.s32 $0xFFFFFFF9, s20;
	v48 =	vld.idx.msk [tilespmem:v30+s28+$0x0], $0xffff  }
0x16e: {  	s8 =	sadd.s32 @p1 $0xFFFFFFFB, s23;
	v19 =	vld.idx.msk @p1 [tilespmem:v19+s28+$0x0], $0xffff;
	v49 =	vor.u32 s4, v0;
	v23 =	vadd.f32 v28, v23  }
0x16f: {  	s22 =	sadd.s32 $0xFFFFFFFA, s20;
	v15 =	vadd.f32 @p1 v18, v15;
	v18 =	vor.u32 @p1 s8, v2;
	v26 =	vld.idx.msk [tilespmem:v46+s28+$0x0], $0xffff  }
0x170: {  	v22 =	vld.idx.msk @p1 [tilespmem:v22+s28+$0x0], $0xffff;
	s21 =	sadd.s32 $0xFFFFFFFB, s20;
	v50 =	vor.u32 s22, v1;
	v23 =	vadd.f32 v29, v23  }
0x171: {  	v51 =	vor.u32 s21, v2;
	s8 =	sadd.s32 @p1 $0xFFFFFFFC, s23;
	v15 =	vadd.f32 @p1 v21, v15;
	v27 =	vld.idx.msk [tilespmem:v47+s28+$0x0], $0xffff  }
0x172: {  	v20 =	vld.idx.msk @p1 [tilespmem:v20+s28+$0x0], $0xffff;
	v21 =	vor.u32 @p1 s8, v3;
	s8 =	sadd.s32 @p1 $0xFFFFFFFD, s23;
	v23 =	vadd.f32 v48, v23  }
0x173: {  	s22 =	sadd.s32 $0xFFFFFFFC, s20;
	v15 =	vadd.f32 @p1 v19, v15;
	v19 =	vor.u32 @p1 s8, v4;
	v28 =	vld.idx.msk [tilespmem:v49+s28+$0x0], $0xffff  }
0x174: {  	s21 =	sadd.s32 $0xFFFFFFFD, s20;
	v52 =	vor.u32 s22, v3;
	v18 =	vld.idx.msk @p1 [tilespmem:v18+s28+$0x0], $0xffff;
	v23 =	vadd.f32 v26, v23  }
0x175: {  	v53 =	vor.u32 s21, v4;
	s8 =	sadd.s32 @p1 $0xFFFFFFFE, s23;
	v15 =	vadd.f32 @p1 v22, v15;
	v29 =	vld.idx.msk [tilespmem:v50+s28+$0x0], $0xffff  }
0x176: {  	s22 =	sadd.s32 $0xFFFFFFFE, s20;
	v25 =	vld.idx.msk [tilespmem:v51+s28+$0x0], $0xffff;
	v22 =	vor.u32 @p1 s8, v5;
	v23 =	vadd.f32 v27, v23  }
0x177: {  	v54 =	vor.u32 s22, v5;
	s8 =	sadd.s32 @p1 $0xFFFFFFFF, s23;
	v21 =	vld.idx.msk @p1 [tilespmem:v21+s28+$0x0], $0xffff;
	v15 =	vadd.f32 @p1 v20, v15  }
0x178: {  	v20 =	vor.u32 @p1 s8, v6;
	v19 =	vld.idx.msk @p1 [tilespmem:v19+s28+$0x0], $0xffff;
	v23 =	vadd.f32 v28, v23  }
0x179: {  	s8 =	sadd.s32 $0xFFFFFFFF, s20;
	v15 =	vadd.f32 @p1 v18, v15;
	v18 =	vld.idx.msk [tilespmem:v52+s28+$0x0], $0xffff  }
0x17a: {  	v56 =	vld.idx.msk [tilespmem:v53+s28+$0x0], $0xffff;
	v55 =	vor.u32 s8, v6;
	v26 =	vor.u32 @p1 s23, v7;
	v23 =	vadd.f32 v29, v23  }
0x17b: {  	v22 =	vld.idx.msk @p1 [tilespmem:v22+s28+$0x0], $0xffff;
	v11 =	vpsel p1, v26, v11  }
0x17c: {  	v58 =	vor.u32 s20, v7;
	v59 =	vld.idx.msk [tilespmem:v54+s28+$0x0], $0xffff;
	v15 =	vadd.f32 @p1 v21, v15;
	v57 =	vadd.f32 v25, v23  }
0x17d: {  	v13 =	vadd.f32 @p2 v13, v24;
	v20 =	vld.idx.msk @p1 [tilespmem:v20+s28+$0x0], $0xffff  }
0x17e: {  	v16 =	vld.idx.msk @p2 [tilespmem:v16+s28+$0x0], $0xffff;
	v12 =	vpsel p1, v15, v12;
	v8 =	vpsel p1, v19, v8;
	v15 =	vadd.f32 v18, v57  }
0x17f: {  	v8 =	vadd.f32 @p1 v8, v12;
	v12 =	vld.idx.msk [tilespmem:v55+s28+$0x0], $0xffff  }
0x180: {  	v13 =	vadd.f32 @p2 v14, v13;
	v9 =	vpsel p1, v22, v9;
	v11 =	vld.idx.msk @p1 [tilespmem:v11+s28+$0x0], $0xffff;
	v14 =	vadd.f32 v56, v15  }
0x181: {  	v8 =	vadd.f32 @p1 v9, v8;
	v9 =	vld.idx.msk [tilespmem:v58+s28+$0x0], $0xffff  }
0x182: {  	s4 =	sadd.s32 @p3 $0x10, s13;
	v13 =	vadd.f32 @p2 v17, v13;
	s8 =	smov.u32 s0;
	v10 =	vpsel p1, v20, v10;
	v14 =	vadd.f32 v59, v14  }
0x183: {  	s8 =	smov.u32 @p3 s4;
	v8 =	vadd.f32 @p1 v10, v8  }
0x184: {  	s13 =	smov.u32 s0;
	s4 =	sadd.s32 @p2 $0x10, s8;
	v10 =	vadd.f32 @p2 v16, v13;
	v12 =	vadd.f32 v12, v14  }
0x185: {  	s13 =	smov.u32 @p2 s4;
	v8 =	vadd.f32 @p1 v11, v8  }
0x186: {  	s4 =	sadd.s32 @p1 $0x10, s13;
	[tilespmem:s8+$0x0] =	vst @p2 v10;
	s8 =	smov.u32 s0;
	v9 =	vadd.f32 v9, v12  }
0x187: {  	s8 =	smov.u32 @p1 s4;
	[tilespmem:s13+$0x0] =	vst @p1 v8  }
0x188: {  	s4 =	sadd.s32 @!p0 $0x1E0, s19;
	s13 =	simm.s32 @!p0 $0x6220;
	[tilespmem:s8+$0x0] =	vst v9;
	s8 =	simm.s32 @!p0 $0x50  }
0x189: {  	[tilespmem:s13], [sflag:$0x2] =	stream.indirect.gather @!p0 [hbm4b:s3+s8], $0x40, s4, s8, $0xb8;
	[tilespmem:$0x14230] =	vst v63  }
0x18a: {  	s4 =	sadd.s32 @!p0 $0x28F0, s19;
	s13 =	simm.s32 @!p0 $0xC620  }
0x18b: {  	[tilespmem:s13], [sflag:$0x2] =	stream.indirect.gather @!p0 [hbm4b:s3+s8], $0x40, s4, s8, $0xb8;
	[tilespmem:$0x14230] =	vst v63  }
0x18c: {  	_ =	swait.ge [sflag:s30], $0x1400  }
0x18d: {  	[sflag:s30] =	ssyncset.done $0x0  }
0x18e: {  	[sflag:s30] =	ssyncadd.s32 $0xFFFFEC00  }
0x18f: {  	_ =	swait.ge [sflag:s30], $0x1400  }
0x190: {  	[sflag:s30] =	ssyncset.done $0x0  }
0x191: {  	s21 =	simm.s32 $0x7660;
	[sflag:s30] =	ssyncadd.s32 $0xFFFFEC00  }
0x192: {  	v8 =	vld [tilespmem:s21+$0x20]  }
0x193: {  	s22 =	simm.s32 $0xDA60;
	v9 =	vld [tilespmem:s21+$0x0]  }
0x194: {  	v10 =	vld [tilespmem:s22+$0x0]  }
0x195: {  	v11 =	vld [tilespmem:s21+$0x10]  }
0x196: {  	v12 =	vld [tilespmem:s22+$0x10]  }
0x197: {  	v13 =	vld [tilespmem:s22+$0x20]  }
0x198: {  	v14 =	vld [tilespmem:s22+$0xFFFFFFC0]  }
0x199: {  	v15 =	vld [tilespmem:s21+$0x30]  }
0x19a: {  	v16 =	vld [tilespmem:s22+$0x30]  }
0x19b: {  	v17 =	vld [tilespmem:s21+$0xFFFFFFD0]  }
0x19c: {  	v20 =	vld [tilespmem:s22+$0xFFFFFFE0]  }
0x19d: {  	v9 =	vmul.bf16 v10, v9;
	v10 =	vld [tilespmem:s22+$0xFFFFFFD0]  }
0x19e: {  	v11 =	vmul.bf16 v12, v11;
	v12 =	vld [tilespmem:s21+$0xFFFFFFC0]  }
0x19f: {  	v8 =	vmul.bf16 v13, v8;
	v13 =	vld [tilespmem:s21+$0xFFFFFFE0];
	v18 =	vunpack.i.u.bf16.f32 v9  }
0x1a0: {  	v9 =	vunpack.i.l.bf16.f32 v9;
	v19 =	vunpack.i.u.bf16.f32 v11;
	v11 =	vunpack.i.l.bf16.f32 v11  }
0x1a1: {  	s13 =	simm.s32 $0xDAE0;
	v60 =	vld [tilespmem:s22+$0xFFFFFFF0];
	v9 =	vadd.f32 v9, v18;
	v11 =	vadd.f32 v11, v19  }
0x1a2: {  	v15 =	vmul.bf16 v16, v15;
	v16 =	vld [tilespmem:s13+$0x0];
	v19 =	vunpack.i.u.bf16.f32 v8;
	v8 =	vunpack.i.l.bf16.f32 v8  }
0x1a3: {  	s23 =	simm.s32 $0x76E0;
	v18 =	vld [tilespmem:s21+$0xFFFFFFF0];
	v8 =	vadd.f32 v8, v19;
	v9 =	vadd.f32 v11, v9;
	v10 =	vmul.bf16 v10, v17  }
0x1a4: {  	v19 =	vld [tilespmem:s23+$0x10];
	v12 =	vmul.bf16 v14, v12;
	v13 =	vmul.bf16 v20, v13  }
0x1a5: {  	v11 =	vld [tilespmem:s23+$0x20];
	v20 =	vunpack.i.u.bf16.f32 v15;
	v15 =	vunpack.i.l.bf16.f32 v15;
	v9 =	vadd.f32 v8, v9  }
0x1a6: {  	v14 =	vld [tilespmem:s23+$0x0];
	v8 =	vunpack.i.u.bf16.f32 v10;
	v10 =	vunpack.i.l.bf16.f32 v10;
	v17 =	vunpack.i.u.bf16.f32 v12  }
0x1a7: {  	v12 =	vunpack.i.l.bf16.f32 v12;
	v61 =	vunpack.i.u.bf16.f32 v13;
	v8 =	vadd.f32 v10, v8;
	v10 =	vld [tilespmem:s13+$0x10]  }
0x1a8: {  	v13 =	vunpack.i.l.bf16.f32 v13;
	v12 =	vadd.f32 v12, v17;
	v17 =	vmul.bf16 v60, v18;
	v18 =	vld [tilespmem:s13+$0x20]  }
0x1a9: {  	v62 =	vld [tilespmem:s23+$0x30];
	v15 =	vadd.f32 v15, v20;
	v13 =	vadd.f32 v13, v61  }
0x1aa: {  	v12 =	vadd.f32 v8, v12;
	v8 =	vld [tilespmem:s13+$0xFFFFFFC0];
	v20 =	vunpack.i.u.bf16.f32 v17;
	v17 =	vunpack.i.l.bf16.f32 v17  }
0x1ab: {  	v14 =	vmul.bf16 v16, v14;
	v16 =	vld [tilespmem:s13+$0x30];
	v17 =	vadd.f32 v17, v20  }
0x1ac: {  	v12 =	vadd.f32 v13, v12;
	v13 =	vadd.f32 v15, v9;
	v15 =	vld [tilespmem:s23+$0xFFFFFFD0];
	v9 =	vmul.bf16 v10, v19  }
0x1ad: {  	v19 =	vld [tilespmem:s13+$0xFFFFFFD0];
	v10 =	vunpack.i.u.bf16.f32 v14;
	v11 =	vmul.bf16 v18, v11;
	v14 =	vunpack.i.l.bf16.f32 v14  }
0x1ae: {  	v17 =	vadd.f32 v17, v12;
	v12 =	vld [tilespmem:s23+$0xFFFFFFC0];
	v18 =	vunpack.i.u.bf16.f32 v9;
	v20 =	vunpack.i.l.bf16.f32 v9  }
0x1af: {  	s20 =	simm.s32 $0x11630;
	v14 =	vadd.f32 v14, v10;
	v10 =	vld [tilespmem:s13+$0xFFFFFFE0];
	v18 =	vadd.f32 v20, v18  }
0x1b0: {  	[tilespmem:s20+$0x0] =	vst v13;
	v13 =	vld [tilespmem:s13+$0xFFFFFFF0];
	v63 =	vunpack.i.l.bf16.f32 v11;
	v21 =	vmul.bf16 v16, v62;
	v20 =	vunpack.i.u.bf16.f32 v11  }
0x1b1: {  	v9 =	vld [tilespmem:s23+$0xFFFFFFE0];
	v16 =	vadd.f32 v18, v14;
	v18 =	vadd.f32 v63, v20  }
0x1b2: {  	s22 =	simm.s32 $0x7760;
	s21 =	simm.s32 $0x2;
	v11 =	vld [tilespmem:s23+$0xFFFFFFF0];
	[tilespmem:s20+$0xFFFFFFF0] =	vst v17;
	v17 =	vmul.bf16 v19, v15;
	v14 =	vunpack.i.u.bf16.f32 v21;
	v15 =	vunpack.i.l.bf16.f32 v21  }
.LBB2_27:
0x1b3: {  	v19 =	vld [tilespmem:s22+$0x20];
	v8 =	vmul.bf16 v8, v12;
	v12 =	vadd.f32 v18, v16;
	v14 =	vadd.f32 v15, v14  }
0x1b4: {  	s13 =	sadd.s32 $0x80, s13;
	v15 =	vld [tilespmem:s22+$0x0];
	v16 =	vunpack.i.u.bf16.f32 v17;
	v17 =	vunpack.i.l.bf16.f32 v17  }
0x1b5: {  	v18 =	vld [tilespmem:s13+$0x0];
	v20 =	vunpack.i.u.bf16.f32 v8;
	v8 =	vunpack.i.l.bf16.f32 v8;
	v12 =	vadd.f32 v14, v12  }
0x1b6: {  	s20 =	sadd.s32 $0x20, s20;
	v16 =	vadd.f32 v17, v16;
	v9 =	vmul.bf16 v10, v9;
	v14 =	vld [tilespmem:s22+$0x10];
	v8 =	vadd.f32 v8, v20  }
0x1b7: {  	s21 =	sadd.s32 $0x2, s21;
	v10 =	vld [tilespmem:s13+$0x10];
	v11 =	vmul.bf16 v13, v11;
	[tilespmem:s20+$0x0] =	vst v12  }
0x1b8: {  	p1 =	slt.u32 s21, $0x4E;
	v12 =	vld [tilespmem:s13+$0x20];
	v13 =	vadd.f32 v16, v8;
	v16 =	vunpack.i.u.bf16.f32 v9;
	v9 =	vunpack.i.l.bf16.f32 v9  }
0x1b9: {  	v8 =	vld [tilespmem:s13+$0xFFFFFFC0];
	v9 =	vadd.f32 v9, v16;
	v16 =	vunpack.i.u.bf16.f32 v11;
	v11 =	vunpack.i.l.bf16.f32 v11  }
0x1ba: {  	v17 =	vld [tilespmem:s22+$0x30];
	v11 =	vadd.f32 v11, v16  }
0x1bb: {  	v15 =	vmul.bf16 v18, v15;
	v16 =	vld [tilespmem:s13+$0x30];
	v9 =	vadd.f32 v9, v13  }
0x1bc: {  	v13 =	vld [tilespmem:s22+$0xFFFFFFD0];
	v10 =	vmul.bf16 v10, v14  }
0x1bd: {  	v18 =	vunpack.i.u.bf16.f32 v15;
	v14 =	vld [tilespmem:s13+$0xFFFFFFD0];
	v19 =	vmul.bf16 v12, v19;
	v11 =	vadd.f32 v11, v9  }
.Ltmp14:
0x1be: {  	v15 =	vunpack.i.l.bf16.f32 v15;
	v12 =	vld [tilespmem:s22+$0xFFFFFFC0];
	v20 =	vunpack.i.u.bf16.f32 v10;
	v10 =	vunpack.i.l.bf16.f32 v10;
	(pc) =	sbr.rel @p1 .LBB2_27-.Ltmp14, $4  }
0x1bf: {  	v15 =	vadd.f32 v15, v18;
	v9 =	vld [tilespmem:s22+$0xFFFFFFE0];
	v18 =	vadd.f32 v10, v20;
	[tilespmem:s20+$0xFFFFFFF0] =	vst v11  }
0x1c0: {  	v20 =	vunpack.i.u.bf16.f32 v19;
	v19 =	vunpack.i.l.bf16.f32 v19;
	v10 =	vld [tilespmem:s13+$0xFFFFFFE0];
	v21 =	vmul.bf16 v16, v17  }
0x1c1: {  	v11 =	vld [tilespmem:s22+$0xFFFFFFF0];
	v16 =	vadd.f32 v18, v15;
	v18 =	vadd.f32 v19, v20  }
0x1c2: {  	s22 =	sadd.s32 $0x80, s22;
	v17 =	vmul.bf16 v14, v13;
	v13 =	vld [tilespmem:s13+$0xFFFFFFF0];
	v14 =	vunpack.i.u.bf16.f32 v21;
	v15 =	vunpack.i.l.bf16.f32 v21  }
0x1c3: {  	v8 =	vmul.bf16 v8, v12  }
0x1c4: {  	v55 =	vadd.f32 v18, v16;
	v56 =	vunpack.i.u.bf16.f32 v17;
	v57 =	vunpack.i.l.bf16.f32 v17  }
0x1c5: {  	v58 =	vunpack.i.u.bf16.f32 v8;
	v8 =	vunpack.i.l.bf16.f32 v8;
	v9 =	vmul.bf16 v10, v9  }
0x1c6: {  	v59 =	vadd.f32 v57, v56;
	v8 =	vadd.f32 v8, v58  }
0x1c7: {  	v11 =	vmul.bf16 v13, v11;
	v60 =	vunpack.i.u.bf16.f32 v9;
	v9 =	vunpack.i.l.bf16.f32 v9  }
0x1c8: {  	v8 =	vadd.f32 v59, v8;
	v9 =	vadd.f32 v9, v60  }
0x1c9: {  	v61 =	vadd.f32 v15, v14;
	p4 =	por $0x1, $0x1;
	v62 =	vunpack.i.u.bf16.f32 v11;
	v11 =	vunpack.i.l.bf16.f32 v11  }
.Ltmp15:
0x1ca: {  	v11 =	vadd.f32 v11, v62;
	v8 =	vadd.f32 v9, v8;
	(pc) =	sbr.rel @!p4 .LBB2_29-.Ltmp15, $4  }
0x1cb: {  	v63 =	vadd.f32 v61, v55  }
0x1cc: {  	s4 =	sadd.s32 $0x20, s20;
	v8 =	vadd.f32 v11, v8  }
0x1cd: {  	s20 =	simm.s32 $0xF;
	s21 =	simm.s32 $0x0;
	s22 =	simm.s32 $0x10F;
	[tilespmem:s4+$0x0] =	vst v63  }
0x1ce: {  	p1 =	por $0x0, $0x0;
	p2 =	por $0x0, $0x0;
	p3 =	por $0x0, $0x0;
	v23 =	vor.u32 s21, v0;
	[tilespmem:s4+$0xFFFFFFF0] =	vst v8  }
0x1cf: {  	v8 =	vor.u32 s21, v1;
	_ =	sdelay $0x1  }
0x1d0: {  	v9 =	vor.u32 s21, v2;
	_ =	sdelay $0x1  }
0x1d1: {  	v10 =	vld.idx.msk [tilespmem:v23+s28+$0x0], $0xffff;
	v11 =	vor.u32 s21, v3  }
0x1d2: {  	v8 =	vld.idx.msk [tilespmem:v8+s28+$0x0], $0xffff;
	_ =	sdelay $0x1  }
0x1d3: {  	v12 =	vor.u32 s21, v4;
	v9 =	vld.idx.msk [tilespmem:v9+s28+$0x0], $0xffff  }
0x1d4: {  	v13 =	vor.u32 s21, v5  }
0x1d5: {  	v14 =	vor.u32 s21, v6;
	p4 =	por $0x1, $0x1;
	v11 =	vld.idx.msk [tilespmem:v11+s28+$0x0], $0xffff  }
.Ltmp16:
0x1d6: {  	v8 =	vadd.f32 v8, v10;
	(pc) =	sbr.rel @!p4 .LBB2_31-.Ltmp16, $4  }
0x1d7: {  	_ = 	snop  }
0x1d8: {  	s4 =	simm.s32 $0x9;
	v15 =	vld.idx.msk [tilespmem:v12+s28+$0x0], $0xffff;
	v8 =	vadd.f32 v9, v8  }
0x1d9: {  	v19 =	vor.u32 s21, v7;
	s8 =	simm.s32 $0x8;
	s21 =	simm.s32 $0x100;
	v20 =	vor.u32 s4, v1;
	v18 =	vld.idx.msk [tilespmem:v13+s28+$0x0], $0xffff  }
0x1da: {  	s23 =	simm.s32 $0x20F;
	p1 =	por $0x1, $0x1;
	v22 =	vor.u32 s8, v0;
	v23 =	vor.u32 s21, v0;
	v21 =	vld.idx.msk [tilespmem:v14+s28+$0x0], $0xffff;
	v25 =	vadd.f32 v11, v8  }
0x1db: {  	_ =	sdelay $0x2  }
0x1dc: {  	v8 =	vor.u32 s21, v1  }
0x1dd: {  	v10 =	vld.idx.msk [tilespmem:v19+s28+$0x0], $0xffff;
	v12 =	vor.u32 s21, v2;
	v9 =	vadd.f32 v15, v25  }
0x1de: {  	s4 =	simm.s32 $0xA;
	v13 =	vld.idx.msk [tilespmem:v20+s28+$0x0], $0xffff;
	v17 =	vor.u32 s21, v3  }
0x1df: {  	s8 =	simm.s32 $0xB;
	v14 =	vld.idx.msk [tilespmem:v22+s28+$0x0], $0xffff;
	v11 =	vor.u32 s4, v2;
	v9 =	vadd.f32 v18, v9  }
0x1e0: {  	v16 =	vld.idx.msk [tilespmem:v23+s28+$0x0], $0xffff;
	v15 =	vor.u32 s8, v3  }
0x1e1: {  	v19 =	vor.u32 s21, v4;
	v18 =	vld.idx.msk [tilespmem:v8+s28+$0x0], $0xffff;
	v8 =	vadd.f32 v21, v9  }
0x1e2: {  	s13 =	simm.s32 $0xC;
	v20 =	vor.u32 s21, v5;
	v12 =	vld.idx.msk [tilespmem:v12+s28+$0x0], $0xffff  }
0x1e3: {  	s8 =	simm.s32 $0xD;
	v17 =	vld.idx.msk [tilespmem:v17+s28+$0x0], $0xffff;
	v9 =	vor.u32 s13, v4;
	v8 =	vadd.f32 v10, v8  }
0x1e4: {  	v11 =	vld.idx.msk [tilespmem:v11+s28+$0x0], $0xffff;
	s13 =	simm.s32 $0xE;
	v10 =	vor.u32 s8, v5  }
0x1e5: {  	v24 =	vld.idx.msk [tilespmem:v15+s28+$0x0], $0xffff;
	v21 =	vor.u32 s13, v6;
	v14 =	vadd.f32 v14, v8  }
0x1e6: {  	v26 =	vor.u32 s21, v6;
	p4 =	por $0x1, $0x1;
	v15 =	vld.idx.msk [tilespmem:v19+s28+$0x0], $0xffff  }
.Ltmp17:
0x1e7: {  	v16 =	vadd.f32 v18, v16;
	v18 =	vld.idx.msk [tilespmem:v20+s28+$0x0], $0xffff;
	v13 =	vadd.f32 v13, v14;
	(pc) =	sbr.rel @!p4 .LBB2_33-.Ltmp17, $4  }
0x1e8: {  	v19 =	vor.u32 s21, v7;
	s21 =	simm.s32 $0x109;
	v8 =	vld.idx.msk [tilespmem:v9+s28+$0x0], $0xffff  }
0x1e9: {  	s8 =	simm.s32 $0x108;
	v20 =	vor.u32 s21, v1;
	s21 =	simm.s32 $0x200;
	v12 =	vadd.f32 v12, v16;
	v9 =	vld.idx.msk [tilespmem:v10+s28+$0x0], $0xffff;
	v13 =	vadd.f32 v11, v13  }
0x1ea: {  	v22 =	vor.u32 s8, v0;
	v23 =	vor.u32 s21, v0;
	v10 =	vld.idx.msk [tilespmem:v21+s28+$0x0], $0xffff  }
0x1eb: {  	p2 =	por $0x1, $0x1;
	v21 =	vld.idx.msk [tilespmem:v26+s28+$0x0], $0xffff;
	v11 =	vor.u32 s20, v7;
	s20 =	simm.s32 $0x30F;
	v25 =	vadd.f32 v17, v12;
	v12 =	vadd.f32 v24, v13  }
0x1ec: {  	_ =	sdelay $0x2  }
0x1ed: {  	v13 =	vor.u32 s21, v1  }
0x1ee: {  	v14 =	vld.idx.msk [tilespmem:v11+s28+$0x0], $0xffff;
	v15 =	vadd.f32 v15, v25  }
0x1ef: {  	v16 =	vld.idx.msk [tilespmem:v19+s28+$0x0], $0xffff;
	v19 =	vor.u32 s21, v2  }
0x1f0: {  	s4 =	simm.s32 $0x10A;
	v20 =	vld.idx.msk [tilespmem:v20+s28+$0x0], $0xffff;
	v24 =	vor.u32 s21, v3;
	v15 =	vadd.f32 v18, v15  }
0x1f1: {  	s8 =	simm.s32 $0x10B;
	v17 =	vor.u32 s4, v2;
	v18 =	vld.idx.msk [tilespmem:v22+s28+$0x0], $0xffff  }
0x1f2: {  	s13 =	simm.s32 $0x10C;
	v22 =	vor.u32 s8, v3;
	v25 =	vld.idx.msk [tilespmem:v13+s28+$0x0], $0xffff;
	v13 =	vadd.f32 v21, v15  }
0x1f3: {  	v23 =	vld.idx.msk [tilespmem:v23+s28+$0x0], $0xffff;
	s8 =	simm.s32 $0x10D;
	v15 =	vor.u32 s13, v4;
	v21 =	vadd.f32 v8, v12  }
0x1f4: {  	v27 =	vld.idx.msk [tilespmem:v19+s28+$0x0], $0xffff;
	v13 =	vadd.f32 v16, v13;
	v16 =	vor.u32 s8, v5  }
0x1f5: {  	v26 =	vor.u32 s21, v4;
	v24 =	vld.idx.msk [tilespmem:v24+s28+$0x0], $0xffff;
	v19 =	vadd.f32 v9, v21  }
0x1f6: {  	v17 =	vld.idx.msk [tilespmem:v17+s28+$0x0], $0xffff;
	v21 =	vor.u32 s21, v5  }
0x1f7: {  	v30 =	vor.u32 s21, v6;
	s13 =	simm.s32 $0x10E;
	v28 =	vld.idx.msk [tilespmem:v22+s28+$0x0], $0xffff;
	v18 =	vadd.f32 v18, v13;
	v19 =	vadd.f32 v10, v19  }
0x1f8: {  	p4 =	por $0x1, $0x1;
	v29 =	vor.u32 s13, v6;
	v13 =	vld.idx.msk [tilespmem:v15+s28+$0x0], $0xffff;
	v22 =	vadd.f32 v25, v23  }
.Ltmp18:
0x1f9: {  	v20 =	vadd.f32 v20, v18;
	v23 =	vadd.f32 v14, v19;
	v14 =	vld.idx.msk [tilespmem:v16+s28+$0x0], $0xffff;
	v16 =	vor.u32 s22, v7;
	(pc) =	sbr.rel @!p4 .LBB2_35-.Ltmp18, $4  }
0x1fa: {  	v15 =	vld.idx.msk [tilespmem:v26+s28+$0x0], $0xffff;
	v19 =	vor.u32 s21, v7;
	s21 =	simm.s32 $0x209  }
0x1fb: {  	s8 =	simm.s32 $0x208;
	v25 =	vadd.f32 v27, v22;
	v18 =	vld.idx.msk [tilespmem:v21+s28+$0x0], $0xffff;
	v26 =	vadd.f32 v17, v20;
	v20 =	vor.u32 s21, v1  }
0x1fc: {  	v22 =	vor.u32 s8, v0;
	v21 =	vld.idx.msk [tilespmem:v30+s28+$0x0], $0xffff;
	s21 =	simm.s32 $0x300  }
0x1fd: {  	p3 =	por $0x1, $0x1;
	s13 =	smov.u32 s14;
	s22 =	simm.s32 $0x40F;
	v17 =	vld.idx.msk [tilespmem:v29+s28+$0x0], $0xffff;
	[tilespmem:s14+$0x0] =	vst v23;
	v23 =	vor.u32 s21, v0;
	v25 =	vadd.f32 v24, v25;
	v24 =	vadd.f32 v28, v26  }
.LBB2_36:
0x1fe: {  	p4 =	sne.s32 s22, $0x40F;
	v26 =	vor.u32 s21, v1;
	s4 =	sadd.s32 $0xFFFFFFFB, s23;
	v16 =	vld.idx.msk [tilespmem:v16+s28+$0x0], $0xffff  }
0x1ff: {  	v15 =	vadd.f32 v15, v25;
	v19 =	vld.idx.msk [tilespmem:v19+s28+$0x0], $0xffff;
	v25 =	vor.u32 s4, v2;
	v13 =	vadd.f32 v13, v24  }
0x200: {  	v24 =	vor.u32 s21, v2;
	s4 =	sadd.s32 $0xFFFFFFFC, s23;
	v20 =	vld.idx.msk [tilespmem:v20+s28+$0x0], $0xffff  }
0x201: {  	v15 =	vadd.f32 v18, v15;
	v18 =	vld.idx.msk [tilespmem:v22+s28+$0x0], $0xffff;
	v22 =	vor.u32 s4, v3;
	v13 =	vadd.f32 v14, v13  }
0x202: {  	s4 =	sadd.s32 $0xFFFFFFFD, s23;
	v14 =	vld.idx.msk [tilespmem:v23+s28+$0x0], $0xffff;
	v23 =	vor.u32 s21, v3  }
0x203: {  	v26 =	vld.idx.msk [tilespmem:v26+s28+$0x0], $0xffff;
	v15 =	vadd.f32 v21, v15;
	v21 =	vor.u32 s4, v4;
	v13 =	vadd.f32 v17, v13  }
0x204: {  	v17 =	vor.u32 s21, v4;
	s4 =	sadd.s32 $0xFFFFFFFE, s23;
	v25 =	vld.idx.msk [tilespmem:v25+s28+$0x0], $0xffff  }
0x205: {  	v27 =	vor.u32 s4, v5;
	v24 =	vld.idx.msk [tilespmem:v24+s28+$0x0], $0xffff;
	v15 =	vadd.f32 v19, v15;
	v13 =	vadd.f32 v16, v13  }
0x206: {  	v28 =	vor.u32 s21, v5;
	s13 =	sadd.s32 $0x10, s13;
	s4 =	sadd.s32 $0xFFFFFFFF, s23;
	v29 =	vld.idx.msk [tilespmem:v22+s28+$0x0], $0xffff  }
0x207: {  	v30 =	vld.idx.msk [tilespmem:v23+s28+$0x0], $0xffff;
	v16 =	vadd.f32 v18, v15;
	v23 =	vor.u32 s4, v6;
	[tilespmem:s13+$0x0] =	vst v13  }
0x208: {  	v31 =	vor.u32 s21, v6;
	v13 =	vld.idx.msk [tilespmem:v21+s28+$0x0], $0xffff  }
.Ltmp19:
0x209: {  	v18 =	vadd.f32 v26, v14;
	v15 =	vld.idx.msk [tilespmem:v17+s28+$0x0], $0xffff;
	v17 =	vadd.f32 v20, v16;
	v16 =	vor.u32 s23, v7;
	s23 =	smov.u32 s20;
	s20 =	smov.u32 s22;
	(pc) =	sbr.rel @p4 .LBB2_36-.Ltmp19, $4  }
0x20a: {  	v19 =	vor.u32 s21, v7;
	s4 =	sadd.s32 $0xFFFFFFFA, s23;
	v14 =	vld.idx.msk [tilespmem:v27+s28+$0x0], $0xffff  }
0x20b: {  	v21 =	vadd.f32 v24, v18;
	s8 =	sadd.s32 $0xFFFFFFF9, s23;
	v18 =	vld.idx.msk [tilespmem:v28+s28+$0x0], $0xffff;
	v20 =	vor.u32 s4, v1;
	v24 =	vadd.f32 v25, v17  }
0x20c: {  	s21 =	sadd.s32 $0xFFFFFFF1, s22;
	v22 =	vor.u32 s8, v0;
	v17 =	vld.idx.msk [tilespmem:v23+s28+$0x0], $0xffff  }
0x20d: {  	s22 =	sadd.s32 $0x100, s22;
	v23 =	vor.u32 s21, v0;
	v25 =	vadd.f32 v30, v21;
	v21 =	vld.idx.msk [tilespmem:v31+s28+$0x0], $0xffff;
	v24 =	vadd.f32 v29, v24  }
0x20e: {  	s22 =	smov.u32 s23  }
.LBB2_38:
0x20f: {  	v26 =	vor.u32 s21, v1;
	_ =	sdelay $0x1  }
0x210: {  	v27 =	vor.u32 s21, v2;
	_ =	sdelay $0x1  }
0x211: {  	v23 =	vld.idx.msk [tilespmem:v23+s28+$0x0], $0xffff;
	v28 =	vor.u32 s21, v3  }
0x212: {  	v26 =	vld.idx.msk [tilespmem:v26+s28+$0x0], $0xffff  }
0x213: {  	v29 =	vor.u32 s21, v4  }
0x214: {  	v27 =	vld.idx.msk [tilespmem:v27+s28+$0x0], $0xffff  }
0x215: {  	v30 =	vor.u32 s21, v5  }
0x216: {  	v28 =	vld.idx.msk [tilespmem:v28+s28+$0x0], $0xffff  }
0x217: {  	v46 =	vor.u32 s21, v6;
	v23 =	vadd.f32 v26, v23  }
0x218: {  	v29 =	vld.idx.msk [tilespmem:v29+s28+$0x0], $0xffff  }
0x219: {  	v47 =	vor.u32 s21, v7;
	v23 =	vadd.f32 v27, v23  }
0x21a: {  	v15 =	vadd.f32 @p1 v15, v25;
	s4 =	sadd.s32 $0xFFFFFFF9, s20;
	v48 =	vld.idx.msk [tilespmem:v30+s28+$0x0], $0xffff  }
0x21b: {  	s8 =	sadd.s32 @p1 $0xFFFFFFFB, s22;
	v19 =	vld.idx.msk @p1 [tilespmem:v19+s28+$0x0], $0xffff;
	v49 =	vor.u32 s4, v0;
	v23 =	vadd.f32 v28, v23  }
0x21c: {  	s23 =	sadd.s32 $0xFFFFFFFA, s20;
	v15 =	vadd.f32 @p1 v18, v15;
	v18 =	vor.u32 @p1 s8, v2;
	v26 =	vld.idx.msk [tilespmem:v46+s28+$0x0], $0xffff  }
0x21d: {  	v22 =	vld.idx.msk @p1 [tilespmem:v22+s28+$0x0], $0xffff;
	s21 =	sadd.s32 $0xFFFFFFFB, s20;
	v50 =	vor.u32 s23, v1;
	v23 =	vadd.f32 v29, v23  }
0x21e: {  	v51 =	vor.u32 s21, v2;
	s8 =	sadd.s32 @p1 $0xFFFFFFFC, s22;
	v15 =	vadd.f32 @p1 v21, v15;
	v27 =	vld.idx.msk [tilespmem:v47+s28+$0x0], $0xffff  }
0x21f: {  	v20 =	vld.idx.msk @p1 [tilespmem:v20+s28+$0x0], $0xffff;
	v21 =	vor.u32 @p1 s8, v3;
	s8 =	sadd.s32 @p1 $0xFFFFFFFD, s22;
	v23 =	vadd.f32 v48, v23  }
0x220: {  	s23 =	sadd.s32 $0xFFFFFFFC, s20;
	v15 =	vadd.f32 @p1 v19, v15;
	v19 =	vor.u32 @p1 s8, v4;
	v28 =	vld.idx.msk [tilespmem:v49+s28+$0x0], $0xffff  }
0x221: {  	s21 =	sadd.s32 $0xFFFFFFFD, s20;
	v52 =	vor.u32 s23, v3;
	v18 =	vld.idx.msk @p1 [tilespmem:v18+s28+$0x0], $0xffff;
	v23 =	vadd.f32 v26, v23  }
0x222: {  	v53 =	vor.u32 s21, v4;
	s8 =	sadd.s32 @p1 $0xFFFFFFFE, s22;
	v15 =	vadd.f32 @p1 v22, v15;
	v29 =	vld.idx.msk [tilespmem:v50+s28+$0x0], $0xffff  }
0x223: {  	s23 =	sadd.s32 $0xFFFFFFFE, s20;
	v25 =	vld.idx.msk [tilespmem:v51+s28+$0x0], $0xffff;
	v22 =	vor.u32 @p1 s8, v5;
	v23 =	vadd.f32 v27, v23  }
0x224: {  	v54 =	vor.u32 s23, v5;
	s8 =	sadd.s32 @p1 $0xFFFFFFFF, s22;
	v21 =	vld.idx.msk @p1 [tilespmem:v21+s28+$0x0], $0xffff;
	v15 =	vadd.f32 @p1 v20, v15  }
0x225: {  	v20 =	vor.u32 @p1 s8, v6;
	v19 =	vld.idx.msk @p1 [tilespmem:v19+s28+$0x0], $0xffff;
	v23 =	vadd.f32 v28, v23  }
0x226: {  	s8 =	sadd.s32 $0xFFFFFFFF, s20;
	v15 =	vadd.f32 @p1 v18, v15;
	v18 =	vld.idx.msk [tilespmem:v52+s28+$0x0], $0xffff  }
0x227: {  	v56 =	vld.idx.msk [tilespmem:v53+s28+$0x0], $0xffff;
	v55 =	vor.u32 s8, v6;
	v26 =	vor.u32 @p1 s22, v7;
	v23 =	vadd.f32 v29, v23  }
0x228: {  	v22 =	vld.idx.msk @p1 [tilespmem:v22+s28+$0x0], $0xffff;
	v11 =	vpsel p1, v26, v11  }
0x229: {  	v58 =	vor.u32 s20, v7;
	v59 =	vld.idx.msk [tilespmem:v54+s28+$0x0], $0xffff;
	v15 =	vadd.f32 @p1 v21, v15;
	v57 =	vadd.f32 v25, v23  }
0x22a: {  	v13 =	vadd.f32 @p2 v13, v24;
	v20 =	vld.idx.msk @p1 [tilespmem:v20+s28+$0x0], $0xffff  }
0x22b: {  	v16 =	vld.idx.msk @p2 [tilespmem:v16+s28+$0x0], $0xffff;
	v12 =	vpsel p1, v15, v12;
	v8 =	vpsel p1, v19, v8;
	v15 =	vadd.f32 v18, v57  }
0x22c: {  	v8 =	vadd.f32 @p1 v8, v12;
	v12 =	vld.idx.msk [tilespmem:v55+s28+$0x0], $0xffff  }
0x22d: {  	v13 =	vadd.f32 @p2 v14, v13;
	v9 =	vpsel p1, v22, v9;
	v11 =	vld.idx.msk @p1 [tilespmem:v11+s28+$0x0], $0xffff;
	v14 =	vadd.f32 v56, v15  }
0x22e: {  	v8 =	vadd.f32 @p1 v9, v8;
	v9 =	vld.idx.msk [tilespmem:v58+s28+$0x0], $0xffff  }
0x22f: {  	s4 =	sadd.s32 @p3 $0x10, s13;
	v13 =	vadd.f32 @p2 v17, v13;
	s8 =	smov.u32 s14;
	v10 =	vpsel p1, v20, v10;
	v14 =	vadd.f32 v59, v14  }
0x230: {  	s8 =	smov.u32 @p3 s4;
	v8 =	vadd.f32 @p1 v10, v8  }
0x231: {  	s13 =	smov.u32 s14;
	s4 =	sadd.s32 @p2 $0x10, s8;
	v10 =	vadd.f32 @p2 v16, v13;
	v12 =	vadd.f32 v12, v14  }
0x232: {  	s13 =	smov.u32 @p2 s4;
	v8 =	vadd.f32 @p1 v11, v8  }
0x233: {  	s4 =	sadd.s32 @p1 $0x10, s13;
	[tilespmem:s8+$0x0] =	vst @p2 v10;
	s8 =	smov.u32 s14;
	v9 =	vadd.f32 v9, v12  }
0x234: {  	s8 =	smov.u32 @p1 s4;
	[tilespmem:s13+$0x0] =	vst @p1 v8  }
0x235: {  	s4 =	sadd.s32 @!p0 $0x230, s19;
	s13 =	simm.s32 @!p0 $0x7620;
	[tilespmem:s8+$0x0] =	vst v9;
	s8 =	simm.s32 @!p0 $0x50  }
0x236: {  	[tilespmem:s13], [sflag:$0x3] =	stream.indirect.gather @!p0 [hbm4b:s3+s8], $0x40, s4, s8, $0xb8;
	[tilespmem:$0x14230] =	vst v63  }
0x237: {  	s4 =	sadd.s32 @!p0 $0x2940, s19;
	s13 =	simm.s32 @!p0 $0xDA20  }
0x238: {  	[tilespmem:s13], [sflag:$0x3] =	stream.indirect.gather @!p0 [hbm4b:s3+s8], $0x40, s4, s8, $0xb8;
	[tilespmem:$0x14230] =	vst v63  }
0x239: {  	_ =	swait.ge [sflag:s31], $0x1400  }
0x23a: {  	[sflag:s31] =	ssyncset.done $0x0  }
0x23b: {  	[sflag:s31] =	ssyncadd.s32 $0xFFFFEC00  }
0x23c: {  	_ =	swait.ge [sflag:s31], $0x1400  }
0x23d: {  	[sflag:s31] =	ssyncset.done $0x0  }
0x23e: {  	s21 =	simm.s32 $0x8A60;
	[sflag:s31] =	ssyncadd.s32 $0xFFFFEC00  }
0x23f: {  	v8 =	vld [tilespmem:s21+$0x20]  }
0x240: {  	s22 =	simm.s32 $0xEE60;
	v9 =	vld [tilespmem:s21+$0x0]  }
0x241: {  	v10 =	vld [tilespmem:s22+$0x0]  }
0x242: {  	v11 =	vld [tilespmem:s21+$0x10]  }
0x243: {  	v12 =	vld [tilespmem:s22+$0x10]  }
0x244: {  	v13 =	vld [tilespmem:s22+$0x20]  }
0x245: {  	v14 =	vld [tilespmem:s22+$0xFFFFFFC0]  }
0x246: {  	v15 =	vld [tilespmem:s21+$0x30]  }
0x247: {  	v16 =	vld [tilespmem:s22+$0x30]  }
0x248: {  	v17 =	vld [tilespmem:s21+$0xFFFFFFD0]  }
0x249: {  	v20 =	vld [tilespmem:s22+$0xFFFFFFE0]  }
0x24a: {  	v9 =	vmul.bf16 v10, v9;
	v10 =	vld [tilespmem:s22+$0xFFFFFFD0]  }
0x24b: {  	v11 =	vmul.bf16 v12, v11;
	v12 =	vld [tilespmem:s21+$0xFFFFFFC0]  }
0x24c: {  	v8 =	vmul.bf16 v13, v8;
	v13 =	vld [tilespmem:s21+$0xFFFFFFE0];
	v18 =	vunpack.i.u.bf16.f32 v9  }
0x24d: {  	v9 =	vunpack.i.l.bf16.f32 v9;
	v19 =	vunpack.i.u.bf16.f32 v11;
	v11 =	vunpack.i.l.bf16.f32 v11  }
0x24e: {  	s13 =	simm.s32 $0xEEE0;
	v60 =	vld [tilespmem:s22+$0xFFFFFFF0];
	v9 =	vadd.f32 v9, v18;
	v11 =	vadd.f32 v11, v19  }
0x24f: {  	v15 =	vmul.bf16 v16, v15;
	v16 =	vld [tilespmem:s13+$0x0];
	v19 =	vunpack.i.u.bf16.f32 v8;
	v8 =	vunpack.i.l.bf16.f32 v8  }
0x250: {  	s23 =	simm.s32 $0x8AE0;
	v18 =	vld [tilespmem:s21+$0xFFFFFFF0];
	v8 =	vadd.f32 v8, v19;
	v9 =	vadd.f32 v11, v9;
	v10 =	vmul.bf16 v10, v17  }
0x251: {  	v19 =	vld [tilespmem:s23+$0x10];
	v12 =	vmul.bf16 v14, v12;
	v13 =	vmul.bf16 v20, v13  }
0x252: {  	v11 =	vld [tilespmem:s23+$0x20];
	v20 =	vunpack.i.u.bf16.f32 v15;
	v15 =	vunpack.i.l.bf16.f32 v15;
	v9 =	vadd.f32 v8, v9  }
0x253: {  	v14 =	vld [tilespmem:s23+$0x0];
	v8 =	vunpack.i.u.bf16.f32 v10;
	v10 =	vunpack.i.l.bf16.f32 v10;
	v17 =	vunpack.i.u.bf16.f32 v12  }
0x254: {  	v12 =	vunpack.i.l.bf16.f32 v12;
	v61 =	vunpack.i.u.bf16.f32 v13;
	v8 =	vadd.f32 v10, v8;
	v10 =	vld [tilespmem:s13+$0x10]  }
0x255: {  	v13 =	vunpack.i.l.bf16.f32 v13;
	v12 =	vadd.f32 v12, v17;
	v17 =	vmul.bf16 v60, v18;
	v18 =	vld [tilespmem:s13+$0x20]  }
0x256: {  	v62 =	vld [tilespmem:s23+$0x30];
	v15 =	vadd.f32 v15, v20;
	v13 =	vadd.f32 v13, v61  }
0x257: {  	v12 =	vadd.f32 v8, v12;
	v8 =	vld [tilespmem:s13+$0xFFFFFFC0];
	v20 =	vunpack.i.u.bf16.f32 v17;
	v17 =	vunpack.i.l.bf16.f32 v17  }
0x258: {  	v14 =	vmul.bf16 v16, v14;
	v16 =	vld [tilespmem:s13+$0x30];
	v17 =	vadd.f32 v17, v20  }
0x259: {  	v12 =	vadd.f32 v13, v12;
	v13 =	vadd.f32 v15, v9;
	v15 =	vld [tilespmem:s23+$0xFFFFFFD0];
	v9 =	vmul.bf16 v10, v19  }
0x25a: {  	v19 =	vld [tilespmem:s13+$0xFFFFFFD0];
	v10 =	vunpack.i.u.bf16.f32 v14;
	v11 =	vmul.bf16 v18, v11;
	v14 =	vunpack.i.l.bf16.f32 v14  }
0x25b: {  	v17 =	vadd.f32 v17, v12;
	v12 =	vld [tilespmem:s23+$0xFFFFFFC0];
	v18 =	vunpack.i.u.bf16.f32 v9;
	v20 =	vunpack.i.l.bf16.f32 v9  }
0x25c: {  	s20 =	simm.s32 $0x11630;
	v14 =	vadd.f32 v14, v10;
	v10 =	vld [tilespmem:s13+$0xFFFFFFE0];
	v18 =	vadd.f32 v20, v18  }
0x25d: {  	[tilespmem:s20+$0x0] =	vst v13;
	v13 =	vld [tilespmem:s13+$0xFFFFFFF0];
	v63 =	vunpack.i.l.bf16.f32 v11;
	v21 =	vmul.bf16 v16, v62;
	v20 =	vunpack.i.u.bf16.f32 v11  }
0x25e: {  	v9 =	vld [tilespmem:s23+$0xFFFFFFE0];
	v16 =	vadd.f32 v18, v14;
	v18 =	vadd.f32 v63, v20  }
0x25f: {  	s22 =	simm.s32 $0x8B60;
	s21 =	simm.s32 $0x2;
	v11 =	vld [tilespmem:s23+$0xFFFFFFF0];
	[tilespmem:s20+$0xFFFFFFF0] =	vst v17;
	v17 =	vmul.bf16 v19, v15;
	v14 =	vunpack.i.u.bf16.f32 v21;
	v15 =	vunpack.i.l.bf16.f32 v21  }
.LBB2_39:
0x260: {  	v19 =	vld [tilespmem:s22+$0x20];
	v8 =	vmul.bf16 v8, v12;
	v12 =	vadd.f32 v18, v16;
	v14 =	vadd.f32 v15, v14  }
0x261: {  	s13 =	sadd.s32 $0x80, s13;
	v15 =	vld [tilespmem:s22+$0x0];
	v16 =	vunpack.i.u.bf16.f32 v17;
	v17 =	vunpack.i.l.bf16.f32 v17  }
0x262: {  	v18 =	vld [tilespmem:s13+$0x0];
	v20 =	vunpack.i.u.bf16.f32 v8;
	v8 =	vunpack.i.l.bf16.f32 v8;
	v12 =	vadd.f32 v14, v12  }
0x263: {  	s20 =	sadd.s32 $0x20, s20;
	v16 =	vadd.f32 v17, v16;
	v9 =	vmul.bf16 v10, v9;
	v14 =	vld [tilespmem:s22+$0x10];
	v8 =	vadd.f32 v8, v20  }
0x264: {  	s21 =	sadd.s32 $0x2, s21;
	v10 =	vld [tilespmem:s13+$0x10];
	v11 =	vmul.bf16 v13, v11;
	[tilespmem:s20+$0x0] =	vst v12  }
0x265: {  	p1 =	slt.u32 s21, $0x4E;
	v12 =	vld [tilespmem:s13+$0x20];
	v13 =	vadd.f32 v16, v8;
	v16 =	vunpack.i.u.bf16.f32 v9;
	v9 =	vunpack.i.l.bf16.f32 v9  }
0x266: {  	v8 =	vld [tilespmem:s13+$0xFFFFFFC0];
	v9 =	vadd.f32 v9, v16;
	v16 =	vunpack.i.u.bf16.f32 v11;
	v11 =	vunpack.i.l.bf16.f32 v11  }
0x267: {  	v17 =	vld [tilespmem:s22+$0x30];
	v11 =	vadd.f32 v11, v16  }
0x268: {  	v15 =	vmul.bf16 v18, v15;
	v16 =	vld [tilespmem:s13+$0x30];
	v9 =	vadd.f32 v9, v13  }
0x269: {  	v13 =	vld [tilespmem:s22+$0xFFFFFFD0];
	v10 =	vmul.bf16 v10, v14  }
0x26a: {  	v18 =	vunpack.i.u.bf16.f32 v15;
	v14 =	vld [tilespmem:s13+$0xFFFFFFD0];
	v19 =	vmul.bf16 v12, v19;
	v11 =	vadd.f32 v11, v9  }
.Ltmp20:
0x26b: {  	v15 =	vunpack.i.l.bf16.f32 v15;
	v12 =	vld [tilespmem:s22+$0xFFFFFFC0];
	v20 =	vunpack.i.u.bf16.f32 v10;
	v10 =	vunpack.i.l.bf16.f32 v10;
	(pc) =	sbr.rel @p1 .LBB2_39-.Ltmp20, $4  }
0x26c: {  	v15 =	vadd.f32 v15, v18;
	v9 =	vld [tilespmem:s22+$0xFFFFFFE0];
	v18 =	vadd.f32 v10, v20;
	[tilespmem:s20+$0xFFFFFFF0] =	vst v11  }
0x26d: {  	v20 =	vunpack.i.u.bf16.f32 v19;
	v19 =	vunpack.i.l.bf16.f32 v19;
	v10 =	vld [tilespmem:s13+$0xFFFFFFE0];
	v21 =	vmul.bf16 v16, v17  }
0x26e: {  	v11 =	vld [tilespmem:s22+$0xFFFFFFF0];
	v16 =	vadd.f32 v18, v15;
	v18 =	vadd.f32 v19, v20  }
0x26f: {  	s22 =	sadd.s32 $0x80, s22;
	v17 =	vmul.bf16 v14, v13;
	v13 =	vld [tilespmem:s13+$0xFFFFFFF0];
	v14 =	vunpack.i.u.bf16.f32 v21;
	v15 =	vunpack.i.l.bf16.f32 v21  }
0x270: {  	v8 =	vmul.bf16 v8, v12  }
0x271: {  	v55 =	vadd.f32 v18, v16;
	v56 =	vunpack.i.u.bf16.f32 v17;
	v57 =	vunpack.i.l.bf16.f32 v17  }
0x272: {  	v58 =	vunpack.i.u.bf16.f32 v8;
	v8 =	vunpack.i.l.bf16.f32 v8;
	v9 =	vmul.bf16 v10, v9  }
0x273: {  	v59 =	vadd.f32 v57, v56;
	v8 =	vadd.f32 v8, v58  }
0x274: {  	v11 =	vmul.bf16 v13, v11;
	v60 =	vunpack.i.u.bf16.f32 v9;
	v9 =	vunpack.i.l.bf16.f32 v9  }
0x275: {  	v8 =	vadd.f32 v59, v8;
	v9 =	vadd.f32 v9, v60  }
0x276: {  	v61 =	vadd.f32 v15, v14;
	p4 =	por $0x1, $0x1;
	v62 =	vunpack.i.u.bf16.f32 v11;
	v11 =	vunpack.i.l.bf16.f32 v11  }
.Ltmp21:
0x277: {  	v11 =	vadd.f32 v11, v62;
	v8 =	vadd.f32 v9, v8;
	(pc) =	sbr.rel @!p4 .LBB2_41-.Ltmp21, $4  }
0x278: {  	v63 =	vadd.f32 v61, v55  }
0x279: {  	s4 =	sadd.s32 $0x20, s20;
	v8 =	vadd.f32 v11, v8  }
0x27a: {  	s20 =	simm.s32 $0xF;
	s21 =	simm.s32 $0x0;
	s22 =	simm.s32 $0x10F;
	[tilespmem:s4+$0x0] =	vst v63  }
0x27b: {  	p1 =	por $0x0, $0x0;
	p2 =	por $0x0, $0x0;
	p3 =	por $0x0, $0x0;
	v23 =	vor.u32 s21, v0;
	[tilespmem:s4+$0xFFFFFFF0] =	vst v8  }
0x27c: {  	v8 =	vor.u32 s21, v1;
	_ =	sdelay $0x1  }
0x27d: {  	v9 =	vor.u32 s21, v2;
	_ =	sdelay $0x1  }
0x27e: {  	v10 =	vld.idx.msk [tilespmem:v23+s28+$0x0], $0xffff;
	v11 =	vor.u32 s21, v3  }
0x27f: {  	v8 =	vld.idx.msk [tilespmem:v8+s28+$0x0], $0xffff;
	_ =	sdelay $0x1  }
0x280: {  	v12 =	vor.u32 s21, v4;
	v9 =	vld.idx.msk [tilespmem:v9+s28+$0x0], $0xffff  }
0x281: {  	v13 =	vor.u32 s21, v5  }
0x282: {  	v14 =	vor.u32 s21, v6;
	p4 =	por $0x1, $0x1;
	v11 =	vld.idx.msk [tilespmem:v11+s28+$0x0], $0xffff  }
.Ltmp22:
0x283: {  	v8 =	vadd.f32 v8, v10;
	(pc) =	sbr.rel @!p4 .LBB2_43-.Ltmp22, $4  }
0x284: {  	_ = 	snop  }
0x285: {  	s4 =	simm.s32 $0x9;
	v15 =	vld.idx.msk [tilespmem:v12+s28+$0x0], $0xffff;
	v8 =	vadd.f32 v9, v8  }
0x286: {  	v19 =	vor.u32 s21, v7;
	s8 =	simm.s32 $0x8;
	s21 =	simm.s32 $0x100;
	v20 =	vor.u32 s4, v1;
	v18 =	vld.idx.msk [tilespmem:v13+s28+$0x0], $0xffff  }
0x287: {  	s23 =	simm.s32 $0x20F;
	p1 =	por $0x1, $0x1;
	v22 =	vor.u32 s8, v0;
	v23 =	vor.u32 s21, v0;
	v21 =	vld.idx.msk [tilespmem:v14+s28+$0x0], $0xffff;
	v25 =	vadd.f32 v11, v8  }
0x288: {  	_ =	sdelay $0x2  }
0x289: {  	v8 =	vor.u32 s21, v1  }
0x28a: {  	v10 =	vld.idx.msk [tilespmem:v19+s28+$0x0], $0xffff;
	v12 =	vor.u32 s21, v2;
	v9 =	vadd.f32 v15, v25  }
0x28b: {  	s4 =	simm.s32 $0xA;
	v13 =	vld.idx.msk [tilespmem:v20+s28+$0x0], $0xffff;
	v17 =	vor.u32 s21, v3  }
0x28c: {  	s8 =	simm.s32 $0xB;
	v14 =	vld.idx.msk [tilespmem:v22+s28+$0x0], $0xffff;
	v11 =	vor.u32 s4, v2;
	v9 =	vadd.f32 v18, v9  }
0x28d: {  	v16 =	vld.idx.msk [tilespmem:v23+s28+$0x0], $0xffff;
	v15 =	vor.u32 s8, v3  }
0x28e: {  	v19 =	vor.u32 s21, v4;
	v18 =	vld.idx.msk [tilespmem:v8+s28+$0x0], $0xffff;
	v8 =	vadd.f32 v21, v9  }
0x28f: {  	s13 =	simm.s32 $0xC;
	v20 =	vor.u32 s21, v5;
	v12 =	vld.idx.msk [tilespmem:v12+s28+$0x0], $0xffff  }
0x290: {  	s8 =	simm.s32 $0xD;
	v17 =	vld.idx.msk [tilespmem:v17+s28+$0x0], $0xffff;
	v9 =	vor.u32 s13, v4;
	v8 =	vadd.f32 v10, v8  }
0x291: {  	v11 =	vld.idx.msk [tilespmem:v11+s28+$0x0], $0xffff;
	s13 =	simm.s32 $0xE;
	v10 =	vor.u32 s8, v5  }
0x292: {  	v24 =	vld.idx.msk [tilespmem:v15+s28+$0x0], $0xffff;
	v21 =	vor.u32 s13, v6;
	v14 =	vadd.f32 v14, v8  }
0x293: {  	v26 =	vor.u32 s21, v6;
	p4 =	por $0x1, $0x1;
	v15 =	vld.idx.msk [tilespmem:v19+s28+$0x0], $0xffff  }
.Ltmp23:
0x294: {  	v16 =	vadd.f32 v18, v16;
	v18 =	vld.idx.msk [tilespmem:v20+s28+$0x0], $0xffff;
	v13 =	vadd.f32 v13, v14;
	(pc) =	sbr.rel @!p4 .LBB2_45-.Ltmp23, $4  }
0x295: {  	v19 =	vor.u32 s21, v7;
	s21 =	simm.s32 $0x109;
	v8 =	vld.idx.msk [tilespmem:v9+s28+$0x0], $0xffff  }
0x296: {  	s8 =	simm.s32 $0x108;
	v20 =	vor.u32 s21, v1;
	s21 =	simm.s32 $0x200;
	v12 =	vadd.f32 v12, v16;
	v9 =	vld.idx.msk [tilespmem:v10+s28+$0x0], $0xffff;
	v13 =	vadd.f32 v11, v13  }
0x297: {  	v22 =	vor.u32 s8, v0;
	v23 =	vor.u32 s21, v0;
	v10 =	vld.idx.msk [tilespmem:v21+s28+$0x0], $0xffff  }
0x298: {  	p2 =	por $0x1, $0x1;
	v21 =	vld.idx.msk [tilespmem:v26+s28+$0x0], $0xffff;
	v11 =	vor.u32 s20, v7;
	s20 =	simm.s32 $0x30F;
	v25 =	vadd.f32 v17, v12;
	v12 =	vadd.f32 v24, v13  }
0x299: {  	_ =	sdelay $0x2  }
0x29a: {  	v13 =	vor.u32 s21, v1  }
0x29b: {  	v14 =	vld.idx.msk [tilespmem:v11+s28+$0x0], $0xffff;
	v15 =	vadd.f32 v15, v25  }
0x29c: {  	v16 =	vld.idx.msk [tilespmem:v19+s28+$0x0], $0xffff;
	v19 =	vor.u32 s21, v2  }
0x29d: {  	s4 =	simm.s32 $0x10A;
	v20 =	vld.idx.msk [tilespmem:v20+s28+$0x0], $0xffff;
	v24 =	vor.u32 s21, v3;
	v15 =	vadd.f32 v18, v15  }
0x29e: {  	s8 =	simm.s32 $0x10B;
	v17 =	vor.u32 s4, v2;
	v18 =	vld.idx.msk [tilespmem:v22+s28+$0x0], $0xffff  }
0x29f: {  	s13 =	simm.s32 $0x10C;
	v22 =	vor.u32 s8, v3;
	v25 =	vld.idx.msk [tilespmem:v13+s28+$0x0], $0xffff;
	v13 =	vadd.f32 v21, v15  }
0x2a0: {  	v23 =	vld.idx.msk [tilespmem:v23+s28+$0x0], $0xffff;
	s8 =	simm.s32 $0x10D;
	v15 =	vor.u32 s13, v4;
	v21 =	vadd.f32 v8, v12  }
0x2a1: {  	v27 =	vld.idx.msk [tilespmem:v19+s28+$0x0], $0xffff;
	v13 =	vadd.f32 v16, v13;
	v16 =	vor.u32 s8, v5  }
0x2a2: {  	v26 =	vor.u32 s21, v4;
	v24 =	vld.idx.msk [tilespmem:v24+s28+$0x0], $0xffff;
	v19 =	vadd.f32 v9, v21  }
0x2a3: {  	v17 =	vld.idx.msk [tilespmem:v17+s28+$0x0], $0xffff;
	v21 =	vor.u32 s21, v5  }
0x2a4: {  	v30 =	vor.u32 s21, v6;
	s13 =	simm.s32 $0x10E;
	v28 =	vld.idx.msk [tilespmem:v22+s28+$0x0], $0xffff;
	v18 =	vadd.f32 v18, v13;
	v19 =	vadd.f32 v10, v19  }
0x2a5: {  	p4 =	por $0x1, $0x1;
	v29 =	vor.u32 s13, v6;
	v13 =	vld.idx.msk [tilespmem:v15+s28+$0x0], $0xffff;
	v22 =	vadd.f32 v25, v23  }
.Ltmp24:
0x2a6: {  	v20 =	vadd.f32 v20, v18;
	v23 =	vadd.f32 v14, v19;
	v14 =	vld.idx.msk [tilespmem:v16+s28+$0x0], $0xffff;
	v16 =	vor.u32 s22, v7;
	(pc) =	sbr.rel @!p4 .LBB2_47-.Ltmp24, $4  }
0x2a7: {  	v15 =	vld.idx.msk [tilespmem:v26+s28+$0x0], $0xffff;
	v19 =	vor.u32 s21, v7;
	s21 =	simm.s32 $0x209  }
0x2a8: {  	s8 =	simm.s32 $0x208;
	v25 =	vadd.f32 v27, v22;
	v18 =	vld.idx.msk [tilespmem:v21+s28+$0x0], $0xffff;
	v26 =	vadd.f32 v17, v20;
	v20 =	vor.u32 s21, v1  }
0x2a9: {  	v22 =	vor.u32 s8, v0;
	v21 =	vld.idx.msk [tilespmem:v30+s28+$0x0], $0xffff;
	s21 =	simm.s32 $0x300  }
0x2aa: {  	p3 =	por $0x1, $0x1;
	s13 =	smov.u32 s15;
	s22 =	simm.s32 $0x40F;
	v17 =	vld.idx.msk [tilespmem:v29+s28+$0x0], $0xffff;
	[tilespmem:s15+$0x0] =	vst v23;
	v23 =	vor.u32 s21, v0;
	v25 =	vadd.f32 v24, v25;
	v24 =	vadd.f32 v28, v26  }
.LBB2_48:
0x2ab: {  	p4 =	sne.s32 s22, $0x40F;
	v26 =	vor.u32 s21, v1;
	s4 =	sadd.s32 $0xFFFFFFFB, s23;
	v16 =	vld.idx.msk [tilespmem:v16+s28+$0x0], $0xffff  }
0x2ac: {  	v15 =	vadd.f32 v15, v25;
	v19 =	vld.idx.msk [tilespmem:v19+s28+$0x0], $0xffff;
	v25 =	vor.u32 s4, v2;
	v13 =	vadd.f32 v13, v24  }
0x2ad: {  	v24 =	vor.u32 s21, v2;
	s4 =	sadd.s32 $0xFFFFFFFC, s23;
	v20 =	vld.idx.msk [tilespmem:v20+s28+$0x0], $0xffff  }
0x2ae: {  	v15 =	vadd.f32 v18, v15;
	v18 =	vld.idx.msk [tilespmem:v22+s28+$0x0], $0xffff;
	v22 =	vor.u32 s4, v3;
	v13 =	vadd.f32 v14, v13  }
0x2af: {  	s4 =	sadd.s32 $0xFFFFFFFD, s23;
	v14 =	vld.idx.msk [tilespmem:v23+s28+$0x0], $0xffff;
	v23 =	vor.u32 s21, v3  }
0x2b0: {  	v26 =	vld.idx.msk [tilespmem:v26+s28+$0x0], $0xffff;
	v15 =	vadd.f32 v21, v15;
	v21 =	vor.u32 s4, v4;
	v13 =	vadd.f32 v17, v13  }
0x2b1: {  	v17 =	vor.u32 s21, v4;
	s4 =	sadd.s32 $0xFFFFFFFE, s23;
	v25 =	vld.idx.msk [tilespmem:v25+s28+$0x0], $0xffff  }
0x2b2: {  	v27 =	vor.u32 s4, v5;
	v24 =	vld.idx.msk [tilespmem:v24+s28+$0x0], $0xffff;
	v15 =	vadd.f32 v19, v15;
	v13 =	vadd.f32 v16, v13  }
0x2b3: {  	v28 =	vor.u32 s21, v5;
	s13 =	sadd.s32 $0x10, s13;
	s4 =	sadd.s32 $0xFFFFFFFF, s23;
	v29 =	vld.idx.msk [tilespmem:v22+s28+$0x0], $0xffff  }
0x2b4: {  	v30 =	vld.idx.msk [tilespmem:v23+s28+$0x0], $0xffff;
	v16 =	vadd.f32 v18, v15;
	v23 =	vor.u32 s4, v6;
	[tilespmem:s13+$0x0] =	vst v13  }
0x2b5: {  	v31 =	vor.u32 s21, v6;
	v13 =	vld.idx.msk [tilespmem:v21+s28+$0x0], $0xffff  }
.Ltmp25:
0x2b6: {  	v18 =	vadd.f32 v26, v14;
	v15 =	vld.idx.msk [tilespmem:v17+s28+$0x0], $0xffff;
	v17 =	vadd.f32 v20, v16;
	v16 =	vor.u32 s23, v7;
	s23 =	smov.u32 s20;
	s20 =	smov.u32 s22;
	(pc) =	sbr.rel @p4 .LBB2_48-.Ltmp25, $4  }
0x2b7: {  	v19 =	vor.u32 s21, v7;
	s4 =	sadd.s32 $0xFFFFFFFA, s23;
	v14 =	vld.idx.msk [tilespmem:v27+s28+$0x0], $0xffff  }
0x2b8: {  	v21 =	vadd.f32 v24, v18;
	s8 =	sadd.s32 $0xFFFFFFF9, s23;
	v18 =	vld.idx.msk [tilespmem:v28+s28+$0x0], $0xffff;
	v20 =	vor.u32 s4, v1;
	v24 =	vadd.f32 v25, v17  }
0x2b9: {  	s21 =	sadd.s32 $0xFFFFFFF1, s22;
	v22 =	vor.u32 s8, v0;
	v17 =	vld.idx.msk [tilespmem:v23+s28+$0x0], $0xffff  }
0x2ba: {  	s22 =	sadd.s32 $0x100, s22;
	v23 =	vor.u32 s21, v0;
	v25 =	vadd.f32 v30, v21;
	v21 =	vld.idx.msk [tilespmem:v31+s28+$0x0], $0xffff;
	v24 =	vadd.f32 v29, v24  }
0x2bb: {  	s22 =	smov.u32 s23  }
.LBB2_50:
0x2bc: {  	v26 =	vor.u32 s21, v1;
	_ =	sdelay $0x1  }
0x2bd: {  	v27 =	vor.u32 s21, v2;
	_ =	sdelay $0x1  }
0x2be: {  	v23 =	vld.idx.msk [tilespmem:v23+s28+$0x0], $0xffff;
	v28 =	vor.u32 s21, v3  }
0x2bf: {  	v26 =	vld.idx.msk [tilespmem:v26+s28+$0x0], $0xffff  }
0x2c0: {  	v29 =	vor.u32 s21, v4  }
0x2c1: {  	v27 =	vld.idx.msk [tilespmem:v27+s28+$0x0], $0xffff  }
0x2c2: {  	v30 =	vor.u32 s21, v5  }
0x2c3: {  	v28 =	vld.idx.msk [tilespmem:v28+s28+$0x0], $0xffff  }
0x2c4: {  	v46 =	vor.u32 s21, v6;
	v23 =	vadd.f32 v26, v23  }
0x2c5: {  	v29 =	vld.idx.msk [tilespmem:v29+s28+$0x0], $0xffff  }
0x2c6: {  	v47 =	vor.u32 s21, v7;
	v23 =	vadd.f32 v27, v23  }
0x2c7: {  	v15 =	vadd.f32 @p1 v15, v25;
	s4 =	sadd.s32 $0xFFFFFFF9, s20;
	v48 =	vld.idx.msk [tilespmem:v30+s28+$0x0], $0xffff  }
0x2c8: {  	s8 =	sadd.s32 @p1 $0xFFFFFFFB, s22;
	v19 =	vld.idx.msk @p1 [tilespmem:v19+s28+$0x0], $0xffff;
	v49 =	vor.u32 s4, v0;
	v23 =	vadd.f32 v28, v23  }
0x2c9: {  	s23 =	sadd.s32 $0xFFFFFFFA, s20;
	v15 =	vadd.f32 @p1 v18, v15;
	v18 =	vor.u32 @p1 s8, v2;
	v26 =	vld.idx.msk [tilespmem:v46+s28+$0x0], $0xffff  }
0x2ca: {  	v22 =	vld.idx.msk @p1 [tilespmem:v22+s28+$0x0], $0xffff;
	s21 =	sadd.s32 $0xFFFFFFFB, s20;
	v50 =	vor.u32 s23, v1;
	v23 =	vadd.f32 v29, v23  }
0x2cb: {  	v51 =	vor.u32 s21, v2;
	s8 =	sadd.s32 @p1 $0xFFFFFFFC, s22;
	v15 =	vadd.f32 @p1 v21, v15;
	v27 =	vld.idx.msk [tilespmem:v47+s28+$0x0], $0xffff  }
0x2cc: {  	v20 =	vld.idx.msk @p1 [tilespmem:v20+s28+$0x0], $0xffff;
	v21 =	vor.u32 @p1 s8, v3;
	s8 =	sadd.s32 @p1 $0xFFFFFFFD, s22;
	v23 =	vadd.f32 v48, v23  }
0x2cd: {  	s23 =	sadd.s32 $0xFFFFFFFC, s20;
	v15 =	vadd.f32 @p1 v19, v15;
	v19 =	vor.u32 @p1 s8, v4;
	v28 =	vld.idx.msk [tilespmem:v49+s28+$0x0], $0xffff  }
0x2ce: {  	s21 =	sadd.s32 $0xFFFFFFFD, s20;
	v52 =	vor.u32 s23, v3;
	v18 =	vld.idx.msk @p1 [tilespmem:v18+s28+$0x0], $0xffff;
	v23 =	vadd.f32 v26, v23  }
0x2cf: {  	v53 =	vor.u32 s21, v4;
	s8 =	sadd.s32 @p1 $0xFFFFFFFE, s22;
	v15 =	vadd.f32 @p1 v22, v15;
	v29 =	vld.idx.msk [tilespmem:v50+s28+$0x0], $0xffff  }
0x2d0: {  	s23 =	sadd.s32 $0xFFFFFFFE, s20;
	v25 =	vld.idx.msk [tilespmem:v51+s28+$0x0], $0xffff;
	v22 =	vor.u32 @p1 s8, v5;
	v23 =	vadd.f32 v27, v23  }
0x2d1: {  	v54 =	vor.u32 s23, v5;
	s8 =	sadd.s32 @p1 $0xFFFFFFFF, s22;
	v21 =	vld.idx.msk @p1 [tilespmem:v21+s28+$0x0], $0xffff;
	v15 =	vadd.f32 @p1 v20, v15  }
0x2d2: {  	v20 =	vor.u32 @p1 s8, v6;
	v19 =	vld.idx.msk @p1 [tilespmem:v19+s28+$0x0], $0xffff;
	v23 =	vadd.f32 v28, v23  }
0x2d3: {  	s8 =	sadd.s32 $0xFFFFFFFF, s20;
	v15 =	vadd.f32 @p1 v18, v15;
	v18 =	vld.idx.msk [tilespmem:v52+s28+$0x0], $0xffff  }
0x2d4: {  	v56 =	vld.idx.msk [tilespmem:v53+s28+$0x0], $0xffff;
	v55 =	vor.u32 s8, v6;
	v26 =	vor.u32 @p1 s22, v7;
	v23 =	vadd.f32 v29, v23  }
0x2d5: {  	v22 =	vld.idx.msk @p1 [tilespmem:v22+s28+$0x0], $0xffff;
	v11 =	vpsel p1, v26, v11  }
0x2d6: {  	v58 =	vor.u32 s20, v7;
	v59 =	vld.idx.msk [tilespmem:v54+s28+$0x0], $0xffff;
	v15 =	vadd.f32 @p1 v21, v15;
	v57 =	vadd.f32 v25, v23  }
0x2d7: {  	v13 =	vadd.f32 @p2 v13, v24;
	v20 =	vld.idx.msk @p1 [tilespmem:v20+s28+$0x0], $0xffff  }
0x2d8: {  	v16 =	vld.idx.msk @p2 [tilespmem:v16+s28+$0x0], $0xffff;
	v12 =	vpsel p1, v15, v12;
	v8 =	vpsel p1, v19, v8;
	v15 =	vadd.f32 v18, v57  }
0x2d9: {  	v8 =	vadd.f32 @p1 v8, v12;
	v12 =	vld.idx.msk [tilespmem:v55+s28+$0x0], $0xffff  }
0x2da: {  	v13 =	vadd.f32 @p2 v14, v13;
	v9 =	vpsel p1, v22, v9;
	v11 =	vld.idx.msk @p1 [tilespmem:v11+s28+$0x0], $0xffff;
	v14 =	vadd.f32 v56, v15  }
0x2db: {  	v8 =	vadd.f32 @p1 v9, v8;
	v9 =	vld.idx.msk [tilespmem:v58+s28+$0x0], $0xffff  }
0x2dc: {  	s4 =	sadd.s32 @p3 $0x10, s13;
	v13 =	vadd.f32 @p2 v17, v13;
	s8 =	smov.u32 s15;
	v10 =	vpsel p1, v20, v10;
	v14 =	vadd.f32 v59, v14  }
0x2dd: {  	s8 =	smov.u32 @p3 s4;
	v8 =	vadd.f32 @p1 v10, v8  }
0x2de: {  	s13 =	smov.u32 s15;
	s4 =	sadd.s32 @p2 $0x10, s8;
	v10 =	vadd.f32 @p2 v16, v13;
	v12 =	vadd.f32 v12, v14  }
0x2df: {  	s13 =	smov.u32 @p2 s4;
	v8 =	vadd.f32 @p1 v11, v8  }
0x2e0: {  	s4 =	sadd.s32 @p1 $0x10, s13;
	[tilespmem:s8+$0x0] =	vst @p2 v10;
	s8 =	smov.u32 s15;
	v9 =	vadd.f32 v9, v12  }
0x2e1: {  	s8 =	smov.u32 @p1 s4;
	[tilespmem:s13+$0x0] =	vst @p1 v8  }
0x2e2: {  	s4 =	sadd.s32 @!p0 $0x280, s19;
	s13 =	simm.s32 @!p0 $0x8A20;
	[tilespmem:s8+$0x0] =	vst v9;
	s8 =	simm.s32 @!p0 $0x50  }
0x2e3: {  	[tilespmem:s13], [sflag:$0x4] =	stream.indirect.gather @!p0 [hbm4b:s3+s8], $0x40, s4, s8, $0xb8;
	[tilespmem:$0x14230] =	vst v63  }
0x2e4: {  	s4 =	sadd.s32 @!p0 $0x2990, s19;
	s13 =	simm.s32 @!p0 $0xEE20  }
0x2e5: {  	[tilespmem:s13], [sflag:$0x4] =	stream.indirect.gather @!p0 [hbm4b:s3+s8], $0x40, s4, s8, $0xb8;
	[tilespmem:$0x14230] =	vst v63  }
0x2e6: {  	_ =	swait.ge [sflag:s1], $0x1400  }
0x2e7: {  	[sflag:s1] =	ssyncset.done $0x0  }
0x2e8: {  	[sflag:s1] =	ssyncadd.s32 $0xFFFFEC00  }
0x2e9: {  	_ =	swait.ge [sflag:s1], $0x1400  }
0x2ea: {  	[sflag:s1] =	ssyncset.done $0x0  }
0x2eb: {  	s21 =	simm.s32 $0x9E60;
	[sflag:s1] =	ssyncadd.s32 $0xFFFFEC00  }
0x2ec: {  	v8 =	vld [tilespmem:s21+$0x20]  }
0x2ed: {  	s22 =	simm.s32 $0x10260;
	v9 =	vld [tilespmem:s21+$0x0]  }
0x2ee: {  	v10 =	vld [tilespmem:s22+$0x0]  }
0x2ef: {  	v11 =	vld [tilespmem:s21+$0x10]  }
0x2f0: {  	v12 =	vld [tilespmem:s22+$0x10]  }
0x2f1: {  	v13 =	vld [tilespmem:s22+$0x20]  }
0x2f2: {  	v14 =	vld [tilespmem:s22+$0xFFFFFFC0]  }
0x2f3: {  	v15 =	vld [tilespmem:s21+$0x30]  }
0x2f4: {  	v16 =	vld [tilespmem:s22+$0x30]  }
0x2f5: {  	v17 =	vld [tilespmem:s21+$0xFFFFFFD0]  }
0x2f6: {  	v20 =	vld [tilespmem:s22+$0xFFFFFFE0]  }
0x2f7: {  	v9 =	vmul.bf16 v10, v9;
	v10 =	vld [tilespmem:s22+$0xFFFFFFD0]  }
0x2f8: {  	v11 =	vmul.bf16 v12, v11;
	v12 =	vld [tilespmem:s21+$0xFFFFFFC0]  }
0x2f9: {  	v8 =	vmul.bf16 v13, v8;
	v13 =	vld [tilespmem:s21+$0xFFFFFFE0];
	v18 =	vunpack.i.u.bf16.f32 v9  }
0x2fa: {  	v9 =	vunpack.i.l.bf16.f32 v9;
	v19 =	vunpack.i.u.bf16.f32 v11;
	v11 =	vunpack.i.l.bf16.f32 v11  }
0x2fb: {  	s13 =	simm.s32 $0x102E0;
	v60 =	vld [tilespmem:s22+$0xFFFFFFF0];
	v9 =	vadd.f32 v9, v18;
	v11 =	vadd.f32 v11, v19  }
0x2fc: {  	v15 =	vmul.bf16 v16, v15;
	v16 =	vld [tilespmem:s13+$0x0];
	v19 =	vunpack.i.u.bf16.f32 v8;
	v8 =	vunpack.i.l.bf16.f32 v8  }
0x2fd: {  	s23 =	simm.s32 $0x9EE0;
	v18 =	vld [tilespmem:s21+$0xFFFFFFF0];
	v8 =	vadd.f32 v8, v19;
	v9 =	vadd.f32 v11, v9;
	v10 =	vmul.bf16 v10, v17  }
0x2fe: {  	v19 =	vld [tilespmem:s23+$0x10];
	v12 =	vmul.bf16 v14, v12;
	v13 =	vmul.bf16 v20, v13  }
0x2ff: {  	v11 =	vld [tilespmem:s23+$0x20];
	v20 =	vunpack.i.u.bf16.f32 v15;
	v15 =	vunpack.i.l.bf16.f32 v15;
	v9 =	vadd.f32 v8, v9  }
0x300: {  	v14 =	vld [tilespmem:s23+$0x0];
	v8 =	vunpack.i.u.bf16.f32 v10;
	v10 =	vunpack.i.l.bf16.f32 v10;
	v17 =	vunpack.i.u.bf16.f32 v12  }
0x301: {  	v12 =	vunpack.i.l.bf16.f32 v12;
	v61 =	vunpack.i.u.bf16.f32 v13;
	v8 =	vadd.f32 v10, v8;
	v10 =	vld [tilespmem:s13+$0x10]  }
0x302: {  	v13 =	vunpack.i.l.bf16.f32 v13;
	v12 =	vadd.f32 v12, v17;
	v17 =	vmul.bf16 v60, v18;
	v18 =	vld [tilespmem:s13+$0x20]  }
0x303: {  	v62 =	vld [tilespmem:s23+$0x30];
	v15 =	vadd.f32 v15, v20;
	v13 =	vadd.f32 v13, v61  }
0x304: {  	v12 =	vadd.f32 v8, v12;
	v8 =	vld [tilespmem:s13+$0xFFFFFFC0];
	v20 =	vunpack.i.u.bf16.f32 v17;
	v17 =	vunpack.i.l.bf16.f32 v17  }
0x305: {  	v14 =	vmul.bf16 v16, v14;
	v16 =	vld [tilespmem:s13+$0x30];
	v17 =	vadd.f32 v17, v20  }
0x306: {  	v12 =	vadd.f32 v13, v12;
	v13 =	vadd.f32 v15, v9;
	v15 =	vld [tilespmem:s23+$0xFFFFFFD0];
	v9 =	vmul.bf16 v10, v19  }
0x307: {  	v19 =	vld [tilespmem:s13+$0xFFFFFFD0];
	v10 =	vunpack.i.u.bf16.f32 v14;
	v11 =	vmul.bf16 v18, v11;
	v14 =	vunpack.i.l.bf16.f32 v14  }
0x308: {  	v17 =	vadd.f32 v17, v12;
	v12 =	vld [tilespmem:s23+$0xFFFFFFC0];
	v18 =	vunpack.i.u.bf16.f32 v9;
	v20 =	vunpack.i.l.bf16.f32 v9  }
0x309: {  	s19 =	simm.s32 $0x11630;
	v14 =	vadd.f32 v14, v10;
	v10 =	vld [tilespmem:s13+$0xFFFFFFE0];
	v18 =	vadd.f32 v20, v18  }
0x30a: {  	[tilespmem:s19+$0x0] =	vst v13;
	v13 =	vld [tilespmem:s13+$0xFFFFFFF0];
	v63 =	vunpack.i.l.bf16.f32 v11;
	v21 =	vmul.bf16 v16, v62;
	v20 =	vunpack.i.u.bf16.f32 v11  }
0x30b: {  	v9 =	vld [tilespmem:s23+$0xFFFFFFE0];
	v16 =	vadd.f32 v18, v14;
	v18 =	vadd.f32 v63, v20  }
0x30c: {  	s20 =	simm.s32 $0x2;
	s21 =	simm.s32 $0x9F60;
	v11 =	vld [tilespmem:s23+$0xFFFFFFF0];
	[tilespmem:s19+$0xFFFFFFF0] =	vst v17;
	v17 =	vmul.bf16 v19, v15;
	v14 =	vunpack.i.u.bf16.f32 v21;
	v15 =	vunpack.i.l.bf16.f32 v21  }
.LBB2_51:
0x30d: {  	v19 =	vld [tilespmem:s21+$0x20];
	v8 =	vmul.bf16 v8, v12;
	v12 =	vadd.f32 v18, v16;
	v14 =	vadd.f32 v15, v14  }
0x30e: {  	s13 =	sadd.s32 $0x80, s13;
	v15 =	vld [tilespmem:s21+$0x0];
	v16 =	vunpack.i.u.bf16.f32 v17;
	v17 =	vunpack.i.l.bf16.f32 v17  }
0x30f: {  	v18 =	vld [tilespmem:s13+$0x0];
	v20 =	vunpack.i.u.bf16.f32 v8;
	v8 =	vunpack.i.l.bf16.f32 v8;
	v12 =	vadd.f32 v14, v12  }
0x310: {  	s19 =	sadd.s32 $0x20, s19;
	v16 =	vadd.f32 v17, v16;
	v9 =	vmul.bf16 v10, v9;
	v14 =	vld [tilespmem:s21+$0x10];
	v8 =	vadd.f32 v8, v20  }
0x311: {  	s20 =	sadd.s32 $0x2, s20;
	v10 =	vld [tilespmem:s13+$0x10];
	v11 =	vmul.bf16 v13, v11;
	[tilespmem:s19+$0x0] =	vst v12  }
0x312: {  	p0 =	slt.u32 s20, $0x4E;
	v12 =	vld [tilespmem:s13+$0x20];
	v13 =	vadd.f32 v16, v8;
	v16 =	vunpack.i.u.bf16.f32 v9;
	v9 =	vunpack.i.l.bf16.f32 v9  }
0x313: {  	v8 =	vld [tilespmem:s13+$0xFFFFFFC0];
	v9 =	vadd.f32 v9, v16;
	v16 =	vunpack.i.u.bf16.f32 v11;
	v11 =	vunpack.i.l.bf16.f32 v11  }
0x314: {  	v17 =	vld [tilespmem:s21+$0x30];
	v11 =	vadd.f32 v11, v16  }
0x315: {  	v15 =	vmul.bf16 v18, v15;
	v16 =	vld [tilespmem:s13+$0x30];
	v9 =	vadd.f32 v9, v13  }
0x316: {  	v13 =	vld [tilespmem:s21+$0xFFFFFFD0];
	v10 =	vmul.bf16 v10, v14  }
0x317: {  	v18 =	vunpack.i.u.bf16.f32 v15;
	v14 =	vld [tilespmem:s13+$0xFFFFFFD0];
	v19 =	vmul.bf16 v12, v19;
	v11 =	vadd.f32 v11, v9  }
.Ltmp26:
0x318: {  	v15 =	vunpack.i.l.bf16.f32 v15;
	v12 =	vld [tilespmem:s21+$0xFFFFFFC0];
	v20 =	vunpack.i.u.bf16.f32 v10;
	v10 =	vunpack.i.l.bf16.f32 v10;
	(pc) =	sbr.rel @p0 .LBB2_51-.Ltmp26, $4  }
0x319: {  	v15 =	vadd.f32 v15, v18;
	v9 =	vld [tilespmem:s21+$0xFFFFFFE0];
	v18 =	vadd.f32 v10, v20;
	[tilespmem:s19+$0xFFFFFFF0] =	vst v11  }
0x31a: {  	v20 =	vunpack.i.u.bf16.f32 v19;
	v19 =	vunpack.i.l.bf16.f32 v19;
	v10 =	vld [tilespmem:s13+$0xFFFFFFE0];
	v21 =	vmul.bf16 v16, v17  }
0x31b: {  	v11 =	vld [tilespmem:s21+$0xFFFFFFF0];
	v16 =	vadd.f32 v18, v15;
	v18 =	vadd.f32 v19, v20  }
0x31c: {  	s21 =	sadd.s32 $0x80, s21;
	v17 =	vmul.bf16 v14, v13;
	v13 =	vld [tilespmem:s13+$0xFFFFFFF0];
	v14 =	vunpack.i.u.bf16.f32 v21;
	v15 =	vunpack.i.l.bf16.f32 v21  }
0x31d: {  	v8 =	vmul.bf16 v8, v12  }
0x31e: {  	v55 =	vadd.f32 v18, v16;
	v56 =	vunpack.i.u.bf16.f32 v17;
	v57 =	vunpack.i.l.bf16.f32 v17  }
0x31f: {  	v58 =	vunpack.i.u.bf16.f32 v8;
	v8 =	vunpack.i.l.bf16.f32 v8;
	v9 =	vmul.bf16 v10, v9  }
0x320: {  	v59 =	vadd.f32 v57, v56;
	v8 =	vadd.f32 v8, v58  }
0x321: {  	v11 =	vmul.bf16 v13, v11;
	v60 =	vunpack.i.u.bf16.f32 v9;
	v9 =	vunpack.i.l.bf16.f32 v9  }
0x322: {  	v8 =	vadd.f32 v59, v8;
	v9 =	vadd.f32 v9, v60  }
0x323: {  	v61 =	vadd.f32 v15, v14;
	p3 =	por $0x1, $0x1;
	v62 =	vunpack.i.u.bf16.f32 v11;
	v11 =	vunpack.i.l.bf16.f32 v11  }
.Ltmp27:
0x324: {  	v11 =	vadd.f32 v11, v62;
	v8 =	vadd.f32 v9, v8;
	(pc) =	sbr.rel @!p3 .LBB2_53-.Ltmp27, $4  }
0x325: {  	v63 =	vadd.f32 v61, v55  }
0x326: {  	s4 =	sadd.s32 $0x20, s19;
	v8 =	vadd.f32 v11, v8  }
0x327: {  	s19 =	simm.s32 $0xF;
	s20 =	simm.s32 $0x0;
	s21 =	simm.s32 $0x10F;
	[tilespmem:s4+$0x0] =	vst v63  }
0x328: {  	p0 =	por $0x0, $0x0;
	p1 =	por $0x0, $0x0;
	p2 =	por $0x0, $0x0;
	v23 =	vor.u32 s20, v0;
	[tilespmem:s4+$0xFFFFFFF0] =	vst v8  }
0x329: {  	v8 =	vor.u32 s20, v1;
	_ =	sdelay $0x1  }
0x32a: {  	v9 =	vor.u32 s20, v2;
	_ =	sdelay $0x1  }
0x32b: {  	v10 =	vld.idx.msk [tilespmem:v23+s28+$0x0], $0xffff;
	v11 =	vor.u32 s20, v3  }
0x32c: {  	v8 =	vld.idx.msk [tilespmem:v8+s28+$0x0], $0xffff;
	_ =	sdelay $0x1  }
0x32d: {  	v12 =	vor.u32 s20, v4;
	v9 =	vld.idx.msk [tilespmem:v9+s28+$0x0], $0xffff  }
0x32e: {  	v13 =	vor.u32 s20, v5  }
0x32f: {  	v14 =	vor.u32 s20, v6;
	p3 =	por $0x1, $0x1;
	v11 =	vld.idx.msk [tilespmem:v11+s28+$0x0], $0xffff  }
.Ltmp28:
0x330: {  	v8 =	vadd.f32 v8, v10;
	(pc) =	sbr.rel @!p3 .LBB2_55-.Ltmp28, $4  }
0x331: {  	_ = 	snop  }
0x332: {  	s4 =	simm.s32 $0x9;
	v15 =	vld.idx.msk [tilespmem:v12+s28+$0x0], $0xffff;
	v8 =	vadd.f32 v9, v8  }
0x333: {  	v19 =	vor.u32 s20, v7;
	s8 =	simm.s32 $0x8;
	s20 =	simm.s32 $0x100;
	v20 =	vor.u32 s4, v1;
	v17 =	vld.idx.msk [tilespmem:v13+s28+$0x0], $0xffff  }
0x334: {  	s22 =	simm.s32 $0x20F;
	p0 =	por $0x1, $0x1;
	v22 =	vor.u32 s8, v0;
	v23 =	vor.u32 s20, v0;
	v21 =	vld.idx.msk [tilespmem:v14+s28+$0x0], $0xffff;
	v25 =	vadd.f32 v11, v8  }
0x335: {  	_ =	sdelay $0x2  }
0x336: {  	v8 =	vor.u32 s20, v1  }
0x337: {  	s4 =	simm.s32 $0xA;
	v10 =	vld.idx.msk [tilespmem:v19+s28+$0x0], $0xffff;
	v12 =	vor.u32 s20, v2;
	v9 =	vadd.f32 v15, v25  }
0x338: {  	v13 =	vld.idx.msk [tilespmem:v20+s28+$0x0], $0xffff;
	s13 =	simm.s32 $0xB;
	v11 =	vor.u32 s4, v2  }
0x339: {  	v14 =	vld.idx.msk [tilespmem:v22+s28+$0x0], $0xffff;
	v15 =	vor.u32 s13, v3;
	v9 =	vadd.f32 v17, v9  }
0x33a: {  	v16 =	vld.idx.msk [tilespmem:v23+s28+$0x0], $0xffff;
	v19 =	vor.u32 s20, v4  }
0x33b: {  	v17 =	vor.u32 s20, v3;
	v8 =	vld.idx.msk [tilespmem:v8+s28+$0x0], $0xffff;
	v9 =	vadd.f32 v21, v9  }
0x33c: {  	s23 =	simm.s32 $0xC;
	v20 =	vor.u32 s20, v5;
	v12 =	vld.idx.msk [tilespmem:v12+s28+$0x0], $0xffff  }
0x33d: {  	s8 =	simm.s32 $0xD;
	v18 =	vor.u32 s23, v4;
	v11 =	vld.idx.msk [tilespmem:v11+s28+$0x0], $0xffff;
	v9 =	vadd.f32 v10, v9  }
0x33e: {  	s13 =	simm.s32 $0xE;
	v24 =	vld.idx.msk [tilespmem:v15+s28+$0x0], $0xffff;
	v10 =	vor.u32 s8, v5  }
0x33f: {  	v23 =	vor.u32 s13, v6;
	v15 =	vld.idx.msk [tilespmem:v19+s28+$0x0], $0xffff;
	v14 =	vadd.f32 v14, v9  }
0x340: {  	v26 =	vor.u32 s20, v6;
	p3 =	por $0x1, $0x1;
	v21 =	vld.idx.msk [tilespmem:v17+s28+$0x0], $0xffff  }
.Ltmp29:
0x341: {  	v17 =	vld.idx.msk [tilespmem:v20+s28+$0x0], $0xffff;
	v16 =	vadd.f32 v8, v16;
	v13 =	vadd.f32 v13, v14;
	(pc) =	sbr.rel @!p3 .LBB2_57-.Ltmp29, $4  }
0x342: {  	v9 =	vld.idx.msk [tilespmem:v18+s28+$0x0], $0xffff  }
0x343: {  	s23 =	simm.s32 $0x109;
	v19 =	vor.u32 s20, v7;
	s20 =	simm.s32 $0x200;
	s8 =	simm.s32 $0x108;
	v12 =	vadd.f32 v12, v16;
	v8 =	vld.idx.msk [tilespmem:v10+s28+$0x0], $0xffff;
	v13 =	vadd.f32 v11, v13  }
0x344: {  	v20 =	vor.u32 s23, v1;
	v22 =	vor.u32 s8, v0;
	v10 =	vld.idx.msk [tilespmem:v23+s28+$0x0], $0xffff;
	v23 =	vor.u32 s20, v0  }
0x345: {  	p1 =	por $0x1, $0x1;
	v11 =	vor.u32 s19, v7;
	s19 =	simm.s32 $0x30F;
	v25 =	vadd.f32 v21, v12;
	v21 =	vld.idx.msk [tilespmem:v26+s28+$0x0], $0xffff;
	v12 =	vadd.f32 v24, v13  }
0x346: {  	_ =	sdelay $0x2  }
0x347: {  	v13 =	vor.u32 s20, v1  }
0x348: {  	v14 =	vld.idx.msk [tilespmem:v11+s28+$0x0], $0xffff;
	v15 =	vadd.f32 v15, v25  }
0x349: {  	v16 =	vld.idx.msk [tilespmem:v19+s28+$0x0], $0xffff;
	v19 =	vor.u32 s20, v2  }
0x34a: {  	s4 =	simm.s32 $0x10A;
	v20 =	vld.idx.msk [tilespmem:v20+s28+$0x0], $0xffff;
	v24 =	vor.u32 s20, v3;
	v15 =	vadd.f32 v17, v15  }
0x34b: {  	s13 =	simm.s32 $0x10B;
	v18 =	vor.u32 s4, v2;
	v17 =	vld.idx.msk [tilespmem:v22+s28+$0x0], $0xffff  }
0x34c: {  	s23 =	simm.s32 $0x10C;
	v22 =	vor.u32 s13, v3;
	v25 =	vld.idx.msk [tilespmem:v13+s28+$0x0], $0xffff;
	v13 =	vadd.f32 v21, v15  }
0x34d: {  	v23 =	vld.idx.msk [tilespmem:v23+s28+$0x0], $0xffff;
	s8 =	simm.s32 $0x10D;
	v15 =	vor.u32 s23, v4;
	v21 =	vadd.f32 v9, v12  }
0x34e: {  	v27 =	vld.idx.msk [tilespmem:v19+s28+$0x0], $0xffff;
	v13 =	vadd.f32 v16, v13;
	v16 =	vor.u32 s8, v5  }
0x34f: {  	v26 =	vor.u32 s20, v4;
	v24 =	vld.idx.msk [tilespmem:v24+s28+$0x0], $0xffff;
	v19 =	vadd.f32 v8, v21  }
0x350: {  	v18 =	vld.idx.msk [tilespmem:v18+s28+$0x0], $0xffff;
	v21 =	vor.u32 s20, v5  }
0x351: {  	v30 =	vor.u32 s20, v6;
	s13 =	simm.s32 $0x10E;
	v28 =	vld.idx.msk [tilespmem:v22+s28+$0x0], $0xffff;
	v17 =	vadd.f32 v17, v13;
	v19 =	vadd.f32 v10, v19  }
0x352: {  	p3 =	por $0x1, $0x1;
	v29 =	vor.u32 s13, v6;
	v13 =	vld.idx.msk [tilespmem:v15+s28+$0x0], $0xffff;
	v22 =	vadd.f32 v25, v23  }
.Ltmp30:
0x353: {  	v20 =	vadd.f32 v20, v17;
	v23 =	vadd.f32 v14, v19;
	v14 =	vld.idx.msk [tilespmem:v16+s28+$0x0], $0xffff;
	v16 =	vor.u32 s21, v7;
	(pc) =	sbr.rel @!p3 .LBB2_59-.Ltmp30, $4  }
0x354: {  	s23 =	simm.s32 $0x209;
	v15 =	vld.idx.msk [tilespmem:v26+s28+$0x0], $0xffff;
	v19 =	vor.u32 s20, v7  }
0x355: {  	s8 =	simm.s32 $0x208;
	v25 =	vadd.f32 v27, v22;
	v17 =	vld.idx.msk [tilespmem:v21+s28+$0x0], $0xffff;
	v26 =	vadd.f32 v18, v20;
	v20 =	vor.u32 s23, v1  }
0x356: {  	s20 =	simm.s32 $0x300;
	v22 =	vor.u32 s8, v0;
	v21 =	vld.idx.msk [tilespmem:v30+s28+$0x0], $0xffff  }
0x357: {  	p2 =	por $0x1, $0x1;
	s13 =	smov.u32 s18;
	s21 =	simm.s32 $0x40F;
	v18 =	vld.idx.msk [tilespmem:v29+s28+$0x0], $0xffff;
	[tilespmem:s18+$0x0] =	vst v23;
	v23 =	vor.u32 s20, v0;
	v25 =	vadd.f32 v24, v25;
	v24 =	vadd.f32 v28, v26  }
.LBB2_60:
0x358: {  	p3 =	sne.s32 s21, $0x40F;
	v26 =	vor.u32 s20, v1;
	s4 =	sadd.s32 $0xFFFFFFFB, s22;
	v16 =	vld.idx.msk [tilespmem:v16+s28+$0x0], $0xffff  }
0x359: {  	v15 =	vadd.f32 v15, v25;
	v19 =	vld.idx.msk [tilespmem:v19+s28+$0x0], $0xffff;
	v25 =	vor.u32 s4, v2;
	v13 =	vadd.f32 v13, v24  }
0x35a: {  	v24 =	vor.u32 s20, v2;
	s4 =	sadd.s32 $0xFFFFFFFC, s22;
	v20 =	vld.idx.msk [tilespmem:v20+s28+$0x0], $0xffff  }
0x35b: {  	v15 =	vadd.f32 v17, v15;
	v17 =	vld.idx.msk [tilespmem:v22+s28+$0x0], $0xffff;
	v22 =	vor.u32 s4, v3;
	v13 =	vadd.f32 v14, v13  }
0x35c: {  	s4 =	sadd.s32 $0xFFFFFFFD, s22;
	v14 =	vld.idx.msk [tilespmem:v23+s28+$0x0], $0xffff;
	v23 =	vor.u32 s20, v3  }
0x35d: {  	v26 =	vld.idx.msk [tilespmem:v26+s28+$0x0], $0xffff;
	v15 =	vadd.f32 v21, v15;
	v21 =	vor.u32 s4, v4;
	v13 =	vadd.f32 v18, v13  }
0x35e: {  	v18 =	vor.u32 s20, v4;
	s4 =	sadd.s32 $0xFFFFFFFE, s22;
	v25 =	vld.idx.msk [tilespmem:v25+s28+$0x0], $0xffff  }
0x35f: {  	v27 =	vor.u32 s4, v5;
	v24 =	vld.idx.msk [tilespmem:v24+s28+$0x0], $0xffff;
	v15 =	vadd.f32 v19, v15;
	v13 =	vadd.f32 v16, v13  }
0x360: {  	v28 =	vor.u32 s20, v5;
	s13 =	sadd.s32 $0x10, s13;
	s4 =	sadd.s32 $0xFFFFFFFF, s22;
	v29 =	vld.idx.msk [tilespmem:v22+s28+$0x0], $0xffff  }
0x361: {  	v30 =	vld.idx.msk [tilespmem:v23+s28+$0x0], $0xffff;
	v16 =	vadd.f32 v17, v15;
	v23 =	vor.u32 s4, v6;
	[tilespmem:s13+$0x0] =	vst v13  }
0x362: {  	v31 =	vor.u32 s20, v6;
	v13 =	vld.idx.msk [tilespmem:v21+s28+$0x0], $0xffff  }
.Ltmp31:
0x363: {  	v17 =	vadd.f32 v26, v14;
	v15 =	vld.idx.msk [tilespmem:v18+s28+$0x0], $0xffff;
	v18 =	vadd.f32 v20, v16;
	v16 =	vor.u32 s22, v7;
	s22 =	smov.u32 s19;
	s19 =	smov.u32 s21;
	(pc) =	sbr.rel @p3 .LBB2_60-.Ltmp31, $4  }
0x364: {  	v19 =	vor.u32 s20, v7;
	s4 =	sadd.s32 $0xFFFFFFFA, s22;
	v14 =	vld.idx.msk [tilespmem:v27+s28+$0x0], $0xffff  }
0x365: {  	v21 =	vadd.f32 v24, v17;
	s8 =	sadd.s32 $0xFFFFFFF9, s22;
	v17 =	vld.idx.msk [tilespmem:v28+s28+$0x0], $0xffff;
	v20 =	vor.u32 s4, v1;
	v24 =	vadd.f32 v25, v18  }
0x366: {  	s20 =	sadd.s32 $0xFFFFFFF1, s21;
	v22 =	vor.u32 s8, v0;
	v18 =	vld.idx.msk [tilespmem:v23+s28+$0x0], $0xffff  }
0x367: {  	s21 =	sadd.s32 $0x100, s21;
	v23 =	vor.u32 s20, v0;
	v25 =	vadd.f32 v30, v21;
	v21 =	vld.idx.msk [tilespmem:v31+s28+$0x0], $0xffff;
	v24 =	vadd.f32 v29, v24  }
0x368: {  	s21 =	smov.u32 s22  }
.LBB2_62:
0x369: {  	v26 =	vor.u32 s20, v1;
	_ =	sdelay $0x1  }
0x36a: {  	v27 =	vor.u32 s20, v2;
	_ =	sdelay $0x1  }
0x36b: {  	v23 =	vld.idx.msk [tilespmem:v23+s28+$0x0], $0xffff;
	v28 =	vor.u32 s20, v3  }
0x36c: {  	v26 =	vld.idx.msk [tilespmem:v26+s28+$0x0], $0xffff  }
0x36d: {  	v29 =	vor.u32 s20, v4  }
0x36e: {  	v27 =	vld.idx.msk [tilespmem:v27+s28+$0x0], $0xffff  }
0x36f: {  	v30 =	vor.u32 s20, v5  }
0x370: {  	v28 =	vld.idx.msk [tilespmem:v28+s28+$0x0], $0xffff  }
0x371: {  	v44 =	vor.u32 s20, v6;
	v23 =	vadd.f32 v26, v23  }
0x372: {  	v29 =	vld.idx.msk [tilespmem:v29+s28+$0x0], $0xffff  }
0x373: {  	v45 =	vor.u32 s20, v7;
	v19 =	vld.idx.msk @p0 [tilespmem:v19+s28+$0x0], $0xffff;
	v23 =	vadd.f32 v27, v23  }
0x374: {  	s4 =	sadd.s32 $0xFFFFFFF9, s19;
	v15 =	vadd.f32 @p0 v15, v25;
	v30 =	vld.idx.msk [tilespmem:v30+s28+$0x0], $0xffff  }
0x375: {  	s8 =	sadd.s32 @p0 $0xFFFFFFFB, s21;
	v22 =	vld.idx.msk @p0 [tilespmem:v22+s28+$0x0], $0xffff;
	v46 =	vor.u32 s4, v0;
	v23 =	vadd.f32 v28, v23  }
0x376: {  	s23 =	sadd.s32 $0xFFFFFFFA, s19;
	v15 =	vadd.f32 @p0 v17, v15;
	v17 =	vor.u32 @p0 s8, v2;
	v47 =	vld.idx.msk [tilespmem:v44+s28+$0x0], $0xffff  }
0x377: {  	v20 =	vld.idx.msk @p0 [tilespmem:v20+s28+$0x0], $0xffff;
	v48 =	vor.u32 s23, v1;
	s8 =	sadd.s32 @p0 $0xFFFFFFFC, s21;
	v23 =	vadd.f32 v29, v23  }
0x378: {  	s20 =	sadd.s32 $0xFFFFFFFB, s19;
	v15 =	vadd.f32 @p0 v21, v15;
	v21 =	vor.u32 @p0 s8, v3;
	v27 =	vld.idx.msk [tilespmem:v45+s28+$0x0], $0xffff  }
0x379: {  	s22 =	sadd.s32 $0xFFFFFFFC, s19;
	v16 =	vld.idx.msk @p1 [tilespmem:v16+s28+$0x0], $0xffff;
	v49 =	vor.u32 s20, v2;
	v23 =	vadd.f32 v30, v23  }
0x37a: {  	v50 =	vor.u32 s22, v3;
	s8 =	sadd.s32 @p0 $0xFFFFFFFD, s21;
	v28 =	vld.idx.msk [tilespmem:v46+s28+$0x0], $0xffff  }
0x37b: {  	s23 =	sadd.s32 $0xFFFFFFFD, s19;
	v15 =	vadd.f32 @p0 v19, v15;
	v19 =	vor.u32 @p0 s8, v4;
	v17 =	vld.idx.msk @p0 [tilespmem:v17+s28+$0x0], $0xffff;
	v23 =	vadd.f32 v47, v23  }
0x37c: {  	v51 =	vor.u32 s23, v4;
	s8 =	sadd.s32 @p0 $0xFFFFFFFE, s21;
	v26 =	vld.idx.msk [tilespmem:v48+s28+$0x0], $0xffff  }
0x37d: {  	s20 =	sadd.s32 $0xFFFFFFFE, s19;
	v15 =	vadd.f32 @p0 v22, v15;
	v22 =	vor.u32 @p0 s8, v5;
	v21 =	vld.idx.msk @p0 [tilespmem:v21+s28+$0x0], $0xffff;
	v23 =	vadd.f32 v27, v23  }
0x37e: {  	v52 =	vor.u32 s20, v5;
	s8 =	sadd.s32 @p0 $0xFFFFFFFF, s21;
	v29 =	vld.idx.msk [tilespmem:v49+s28+$0x0], $0xffff  }
0x37f: {  	s22 =	sadd.s32 $0xFFFFFFFF, s19;
	v25 =	vld.idx.msk [tilespmem:v50+s28+$0x0], $0xffff;
	v15 =	vadd.f32 @p0 v20, v15;
	v20 =	vor.u32 @p0 s8, v6;
	v23 =	vadd.f32 v28, v23  }
0x380: {  	v53 =	vor.u32 s22, v6;
	v19 =	vld.idx.msk @p0 [tilespmem:v19+s28+$0x0], $0xffff  }
0x381: {  	v54 =	vld.idx.msk [tilespmem:v51+s28+$0x0], $0xffff;
	v15 =	vadd.f32 @p0 v17, v15;
	v27 =	vor.u32 @p0 s21, v7;
	v23 =	vadd.f32 v26, v23  }
0x382: {  	v13 =	vadd.f32 @p1 v13, v24;
	v22 =	vld.idx.msk @p0 [tilespmem:v22+s28+$0x0], $0xffff;
	v11 =	vpsel p0, v27, v11  }
0x383: {  	v55 =	vor.u32 s19, v7;
	v56 =	vld.idx.msk [tilespmem:v52+s28+$0x0], $0xffff;
	v15 =	vadd.f32 @p0 v21, v15;
	v23 =	vadd.f32 v29, v23  }
0x384: {  	v13 =	vadd.f32 @p1 v14, v13;
	v20 =	vld.idx.msk @p0 [tilespmem:v20+s28+$0x0], $0xffff  }
0x385: {  	v12 =	vpsel p0, v15, v12;
	v9 =	vpsel p0, v19, v9;
	v57 =	vadd.f32 v25, v23  }
0x386: {  	v13 =	vadd.f32 @p1 v18, v13;
	v58 =	vld.idx.msk [tilespmem:v53+s28+$0x0], $0xffff;
	v9 =	vadd.f32 @p0 v9, v12  }
0x387: {  	s4 =	sadd.s32 @p2 $0x10, s13;
	s8 =	smov.u32 s18;
	v8 =	vpsel p0, v22, v8;
	v11 =	vld.idx.msk @p0 [tilespmem:v11+s28+$0x0], $0xffff;
	v59 =	vadd.f32 v54, v57  }
0x388: {  	v60 =	vld.idx.msk [tilespmem:v55+s28+$0x0], $0xffff;
	v13 =	vadd.f32 @p1 v16, v13;
	s8 =	smov.u32 @p2 s4;
	v8 =	vadd.f32 @p0 v8, v9  }
0x389: {  	s17 =	sadd.s32 $0x1, s17;
	s13 =	smov.u32 s18;
	s4 =	sadd.s32 @p1 $0x10, s8;
	v9 =	vpsel p0, v20, v10;
	v61 =	vadd.f32 v56, v59  }
0x38a: {  	[tilespmem:s8+$0x0] =	vst @p1 v13;
	s13 =	smov.u32 @p1 s4;
	p1 =	sne.s32 s17, $0x19;
	v8 =	vadd.f32 @p0 v9, v8  }
.Ltmp32:
0x38b: {  	v62 =	vadd.f32 v58, v61;
	(pc) =	sbr.rel @p1 .LBB2_2-.Ltmp32, $4  }
.Ltmp33:
0x38c: {  	v8 =	vadd.f32 @p0 v11, v8;
	(pc) =	sbr.rel @!p1 .LBB2_63-.Ltmp33, $4  }
0x38d: {  	s16 =	sadd.s32 $0x190, s16;
	s4 =	sadd.s32 @p0 $0x10, s13;
	v63 =	vadd.f32 v60, v62  }
0x38e: {  	s0 =	sadd.s32 $0x190, s0;
	s23 =	sadd.s32 $0x190, s18;
	s18 =	smov.u32 @p0 s4;
	[tilespmem:s13+$0x0] =	vst @p0 v8  }
0x38f: {  	s14 =	sadd.s32 $0x190, s14;
	s15 =	sadd.s32 $0x190, s15;
	[tilespmem:s18+$0x0] =	vst v63;
	s18 =	smov.u32 s23  }
0x390: {  	_ = 	snop  }
.LBB2_5:
.Ltmp34:
0x391: {  	(pc) =	sbr.rel .LBB2_14-.Ltmp34, $2  }
0x392: {  	_ =	sdelay $0x2  }
0x393: {  	s23 =	smov.u32 s16  }
.LBB2_17:
.Ltmp35:
0x394: {  	(pc) =	sbr.rel .LBB2_26-.Ltmp35, $2  }
0x395: {  	_ =	sdelay $0x2  }
0x396: {  	s13 =	smov.u32 s0  }
.LBB2_29:
.Ltmp36:
0x397: {  	(pc) =	sbr.rel .LBB2_38-.Ltmp36, $2  }
0x398: {  	_ =	sdelay $0x2  }
0x399: {  	s13 =	smov.u32 s14  }
.LBB2_41:
.Ltmp37:
0x39a: {  	(pc) =	sbr.rel .LBB2_50-.Ltmp37, $2  }
0x39b: {  	_ =	sdelay $0x2  }
0x39c: {  	s13 =	smov.u32 s15  }
.LBB2_53:
.Ltmp38:
0x39d: {  	(pc) =	sbr.rel .LBB2_62-.Ltmp38, $2  }
0x39e: {  	_ =	sdelay $0x2  }
0x39f: {  	s13 =	smov.u32 s18  }
.LBB2_7:
.Ltmp39:
0x3a0: {  	(pc) =	sbr.rel .LBB2_14-.Ltmp39, $2  }
0x3a1: {  	_ =	sdelay $0x2  }
0x3a2: {  	s21 =	simm.s32 $0xF;
	s23 =	smov.u32 s16;
	s19 =	simm.s32 $0x10F  }
.LBB2_19:
.Ltmp40:
0x3a3: {  	(pc) =	sbr.rel .LBB2_26-.Ltmp40, $2  }
0x3a4: {  	_ =	sdelay $0x2  }
0x3a5: {  	s23 =	simm.s32 $0xF;
	s13 =	smov.u32 s0;
	s20 =	simm.s32 $0x10F  }
.LBB2_31:
.Ltmp41:
0x3a6: {  	(pc) =	sbr.rel .LBB2_38-.Ltmp41, $2  }
0x3a7: {  	_ =	sdelay $0x2  }
0x3a8: {  	s22 =	simm.s32 $0xF;
	s13 =	smov.u32 s14;
	s20 =	simm.s32 $0x10F  }
.LBB2_43:
.Ltmp42:
0x3a9: {  	(pc) =	sbr.rel .LBB2_50-.Ltmp42, $2  }
0x3aa: {  	_ =	sdelay $0x2  }
0x3ab: {  	s22 =	simm.s32 $0xF;
	s13 =	smov.u32 s15;
	s20 =	simm.s32 $0x10F  }
.LBB2_55:
.Ltmp43:
0x3ac: {  	(pc) =	sbr.rel .LBB2_62-.Ltmp43, $2  }
0x3ad: {  	_ =	sdelay $0x2  }
0x3ae: {  	s21 =	simm.s32 $0xF;
	s13 =	smov.u32 s18;
	s19 =	simm.s32 $0x10F  }
.LBB2_9:
.Ltmp44:
0x3af: {  	(pc) =	sbr.rel .LBB2_14-.Ltmp44, $2  }
0x3b0: {  	_ =	sdelay $0x2  }
0x3b1: {  	v16 =	vmovc v11;
	s23 =	smov.u32 s16;
	s19 =	simm.s32 $0x20F;
	v24 =	vmovc v12;
	v13 =	vmov v8;
	v14 =	vmov v9;
	v17 =	vmov v10  }
.LBB2_21:
.Ltmp45:
0x3b2: {  	(pc) =	sbr.rel .LBB2_26-.Ltmp45, $2  }
0x3b3: {  	_ =	sdelay $0x2  }
0x3b4: {  	v16 =	vmovc v11;
	s13 =	smov.u32 s0;
	s20 =	simm.s32 $0x20F;
	v24 =	vmovc v12;
	v13 =	vmov v8;
	v14 =	vmov v9;
	v17 =	vmov v10  }
.LBB2_33:
.Ltmp46:
0x3b5: {  	(pc) =	sbr.rel .LBB2_38-.Ltmp46, $2  }
0x3b6: {  	_ =	sdelay $0x2  }
0x3b7: {  	v16 =	vmovc v11;
	s13 =	smov.u32 s14;
	s20 =	simm.s32 $0x20F;
	v24 =	vmovc v12;
	v13 =	vmov v8;
	v14 =	vmov v9;
	v17 =	vmov v10  }
.LBB2_45:
.Ltmp47:
0x3b8: {  	(pc) =	sbr.rel .LBB2_50-.Ltmp47, $2  }
0x3b9: {  	_ =	sdelay $0x2  }
0x3ba: {  	v16 =	vmovc v11;
	s13 =	smov.u32 s15;
	s20 =	simm.s32 $0x20F;
	v24 =	vmovc v12;
	v13 =	vmov v8;
	v14 =	vmov v9;
	v17 =	vmov v10  }
.LBB2_57:
.Ltmp48:
0x3bb: {  	(pc) =	sbr.rel .LBB2_62-.Ltmp48, $2  }
0x3bc: {  	_ =	sdelay $0x2  }
0x3bd: {  	v16 =	vmovc v11;
	s13 =	smov.u32 s18;
	s19 =	simm.s32 $0x20F;
	v24 =	vmovc v12;
	v13 =	vmov v9;
	v14 =	vmov v8;
	v18 =	vmov v10  }
.LBB2_11:
.Ltmp49:
0x3be: {  	(pc) =	sbr.rel .LBB2_14-.Ltmp49, $2  }
0x3bf: {  	_ =	sdelay $0x2  }
0x3c0: {  	s21 =	simm.s32 $0x20F;
	s23 =	smov.u32 s16  }
.LBB2_23:
.Ltmp50:
0x3c1: {  	(pc) =	sbr.rel .LBB2_26-.Ltmp50, $2  }
0x3c2: {  	_ =	sdelay $0x2  }
0x3c3: {  	s23 =	simm.s32 $0x20F;
	s13 =	smov.u32 s0  }
.LBB2_35:
.Ltmp51:
0x3c4: {  	(pc) =	sbr.rel .LBB2_38-.Ltmp51, $2  }
0x3c5: {  	_ =	sdelay $0x2  }
0x3c6: {  	s22 =	simm.s32 $0x20F;
	s13 =	smov.u32 s14  }
.LBB2_47:
.Ltmp52:
0x3c7: {  	(pc) =	sbr.rel .LBB2_50-.Ltmp52, $2  }
0x3c8: {  	_ =	sdelay $0x2  }
0x3c9: {  	s22 =	simm.s32 $0x20F;
	s13 =	smov.u32 s15  }
.LBB2_59:
.Ltmp53:
0x3ca: {  	(pc) =	sbr.rel .LBB2_62-.Ltmp53, $2  }
0x3cb: {  	_ =	sdelay $0x2  }
0x3cc: {  	s21 =	simm.s32 $0x20F;
	s13 =	smov.u32 s18  }
.LBB2_64:
0x3cd: {  	_ =	sfence.sel $0x180000  }
0x3ce: {  	[bflag:$0x0] =	sbarrier.arrive $0xFFFF  }
0x3cf: {  	_ =	strace $0x90000047  }
0x3d0: {  	s0 =	stileid.u32;
	[bflag:$0x2] =	sbarrier.arrive $0xFFFF  }
0x3d1: {  	p0 =	sne.s32 s0, $0x0;
	s0 =	rddreg [dreg:$0x2]  }
0x3d2: {  	s0 =	sadd.s32 @!p0 $0x100000, s0  }
0x3d3: {  	[sflag:s0] =	ssyncadd.tile.s32 @!p0 $0x1;
	_ =	shalt  }
.Lfunc_end2:
_tile_overlayer_lowered:
.L_overlay_start_2:
0x3d4: {  	(tag) =	ssettag $0x2  }
0x3d5: {  	s0 =	rddreg [dreg:$0x0];
	s2 =	stileid.u32  }
0x3d6: {  	s1 =	rddreg [dreg:$0x1];
	p0 =	sne.s32 s2, $0x0  }
0x3d7: {  	s3 =	rddreg [dreg:$0x2];
	[bflag:$0x3] =	sbarrier.arrive $0xFFFF;
	s2 =	simm.s32 @!p0 $0x1C07  }
0x3d8: {  	[timem:s3], [sflag:s2] =	dma.local @!p0 [hbm:s0], s1  }
0x3d9: {  	s0 =	simm.s32 @!p0 $0x7  }
0x3da: {  	_ =	swait.ge @!p0 [sflag:s0], s1  }
0x3db: {  	s1 =	ssub.s32 @!p0 $0x0, s1;
	[sflag:s0] =	ssyncset.done @!p0 $0x0  }
0x3dc: {  	[sflag:s0] =	ssyncadd.s32 @!p0 s1  }
0x3dd: {  	[bflag:$0x3] =	sbarrier.arrive $0xFFFF  }
0x3de: {  	_ =	shalt  }

</sc_bundles>
